<compile_context>
chip_gen: v7x
topology: tpu7x:2x2x1
jax: 0.10.2.dev20260603
libtpu: 0.0.44.dev20260713+nightly
codegen_flags: <defaults>
</compile_context>

<pallas_src>
import functools

import jax
import jax.numpy as jnp
from jax import lax
from jax.experimental import pallas as pl
from jax.experimental.pallas import tpu as pltpu
from jax.experimental.pallas import tpu_sc as plsc

_B, _C, _NN, _W = 8, 4, 32, 128
_DM, _DK = 512, 64
_PAD = 0

_NC, _NS = 2, 16
_NW = _NC * _NS

_TOT = _B * _NN * _W
_NSPLIT = 2
_HTOT = _TOT // _NSPLIT
_RPW = _HTOT // _NW
_CH = 64
_NBUF = 3
_NCHUNK = _RPW // _CH

_NB = 16
_BR = _NB * _W


def _sc_gather(emb, idx_all, split):
    mesh = plsc.VectorSubcoreMesh(core_axis_name="c", subcore_axis_name="s")
    wpb = _NW // (_B // _NSPLIT)
    rowsz = _NN * _W

    @functools.partial(
        pl.kernel,
        mesh=mesh,
        out_type=jax.ShapeDtypeStruct((_HTOT, _DM), jnp.float32),
        scratch_types=[
            pltpu.VMEM((_RPW,), jnp.int32),
            pltpu.VMEM((_NBUF, _CH, _DM), jnp.float32),
            pltpu.SemaphoreType.DMA,
            pltpu.SemaphoreType.DMA,
        ],
    )
    def gather_k(table_hbm, idx_hbm, out_hbm, idx_v, bufs, gsem, ssem):
        wid = lax.axis_index("s") * _NC + lax.axis_index("c")
        base = wid * _RPW
        src = (((split * (_B // _NSPLIT) + wid // wpb) * _C + (_C - 1))
               * rowsz + (wid % wpb) * _RPW)
        pltpu.sync_copy(idx_hbm.at[pl.ds(src, _RPW)], idx_v)
        gathers = [None] * _NCHUNK
        scatters = [None] * _NCHUNK
        for j in range(min(_NBUF - 1, _NCHUNK)):
            gathers[j] = pltpu.async_copy(
                table_hbm.at[idx_v.at[pl.ds(j * _CH, _CH)]],
                bufs.at[j % _NBUF], gsem)
        for i in range(_NCHUNK):
            gathers[i].wait()
            nxt = i + _NBUF - 1
            if nxt < _NCHUNK:
                if nxt >= _NBUF:
                    scatters[nxt - _NBUF].wait()
                gathers[nxt] = pltpu.async_copy(
                    table_hbm.at[idx_v.at[pl.ds(nxt * _CH, _CH)]],
                    bufs.at[nxt % _NBUF], gsem)
            scatters[i] = pltpu.async_copy(
                bufs.at[i % _NBUF], out_hbm.at[pl.ds(base + i * _CH, _CH)],
                ssem)
        for i in range(max(0, _NCHUNK - _NBUF), _NCHUNK):
            if scatters[i] is not None:
                scatters[i].wait()

    return gather_k(emb, idx_all)


def _attn_body(bags_ref, idx_ref, h_ref, wpre_ref, bpre_ref, wq_ref, wv_ref,
               out_ref):
    X = bags_ref[...]
    m16 = (idx_ref[...] != _PAD).astype(jnp.float32)
    rseg = lax.broadcasted_iota(jnp.int32, (_BR, _NB), 0)
    jseg = lax.broadcasted_iota(jnp.int32, (_BR, _NB), 1)
    seg = (rseg // _W == jseg).astype(jnp.float32)
    T = jnp.dot(seg, m16, preferred_element_type=jnp.float32)
    rlan = lax.broadcasted_iota(jnp.int32, (_BR, _W), 0)
    jlan = lax.broadcasted_iota(jnp.int32, (_BR, _W), 1)
    lane = (rlan % _W == jlan).astype(jnp.float32)
    m = jnp.sum(T * lane, axis=1, keepdims=True)
    q = jnp.dot(h_ref[0], wq_ref[...],
                preferred_element_type=jnp.float32)
    pre = jnp.dot(X, wpre_ref[...],
                  preferred_element_type=jnp.float32) * m
    t = jnp.tanh(pre + bpre_ref[...] + q)
    e = jnp.dot(t, wv_ref[...],
                preferred_element_type=jnp.float32)
    p = jnp.exp(e - jnp.max(e))
    jrow = lax.broadcasted_iota(jnp.int32, (_NB, _BR), 0)
    rrow = lax.broadcasted_iota(jnp.int32, (_NB, _BR), 1)
    ohT = (rrow // _W == jrow).astype(jnp.float32)
    ssum = jnp.dot(ohT, p, preferred_element_type=jnp.float32)
    ctx = jnp.dot(ohT, X * (p * m),
                  preferred_element_type=jnp.float32)
    out_ref[...] = ctx / ssum


def _attn_call(bags, idx2, h_half, W_pre, b_pre2, W_q, W_v):
    nrows = bags.shape[0]
    nb_half = h_half.shape[0]
    grid = (nrows // _BR,)
    return pl.pallas_call(
        _attn_body,
        grid=grid,
        in_specs=[
            pl.BlockSpec((_BR, _DM), lambda s: (s, 0)),
            pl.BlockSpec((_NB, _W), lambda s: (s, 0)),
            pl.BlockSpec((1, 1, _DM), lambda s: (s // (_NN // _NB), 0, 0)),
            pl.BlockSpec((_DM, _DK), lambda s: (0, 0)),
            pl.BlockSpec((1, _DK), lambda s: (0, 0)),
            pl.BlockSpec((_DM, _DK), lambda s: (0, 0)),
            pl.BlockSpec((_DK, 1), lambda s: (0, 0)),
        ],
        out_specs=pl.BlockSpec((_NB, _DM), lambda s: (s, 0)),
        out_shape=jax.ShapeDtypeStruct((nb_half * _NN, _DM), jnp.float32),
    )(bags, idx2, h_half.reshape(nb_half, 1, _DM), W_pre, b_pre2, W_q, W_v)


def kernel(seq_output, hidden, con_hidden, index, cross_lengths, lengths,
           node_lengths, max_length, emb, W_pre, b_pre, W_q, W_v):
    h = jnp.transpose(con_hidden, (1, 0, 2)).reshape(con_hidden.shape[1], -1)
    idx_all = index.astype(jnp.int32).reshape(_B * _C * _NN * _W)
    b_pre2 = b_pre.reshape(1, _DK)
    nb_half = _B // _NSPLIT
    ctxs = []
    for s in range(_NSPLIT):
        bags = _sc_gather(emb, idx_all, s)
        idx3 = lax.slice(index, (s * nb_half, _C - 1, 0, 0),
                         ((s + 1) * nb_half, _C, _NN, _W)
                         ).astype(jnp.int32).reshape(_HTOT // _W, _W)
        ctxs.append(_attn_call(
            bags, idx3,
            h[s * nb_half:(s + 1) * nb_half], W_pre, b_pre2, W_q, W_v))
    ctx = jnp.concatenate(ctxs, axis=0)
    context = jnp.broadcast_to(
        ctx.reshape(_B, 1, _NN, _DM), (_B, _C, _NN, _DM))
    return context, h

# --- scband reference (transcript-rebuilt; emitter-appended) ---
"""Pipeline reference for scband-encoder-cross-transformer-35631048688191 (READ-ONLY COPY).

The authoritative reference and input builder live on the scoring server;
editing this copy changes nothing except your own understanding.
"""

import jax, jax.numpy as jnp
import numpy as np

B, C, NN, W = 8, 4, 32, 128
N_VOCAB, D_MODEL, D_K = 32000, 512, 64
PAD = 0


def setup_inputs(seed: int = 0):
    key = jax.random.key(seed)
    ks = jax.random.split(key, 8)
    inp = {}
    inp["seq_output"] = jax.random.normal(ks[0], (B, W, D_MODEL), dtype=jnp.float32)
    inp["hidden"] = jax.random.normal(ks[1], (2, B, D_MODEL // 2), dtype=jnp.float32)
    inp["con_hidden"] = jax.random.normal(ks[2], (2, B, D_MODEL // 2), dtype=jnp.float32)
    inp["index"] = jax.random.randint(ks[3], (B, C, NN, W), 0, N_VOCAB)
    inp["cross_lengths"] = jnp.full((B,), C, dtype=jnp.int32)
    inp["lengths"] = jnp.full((B * C,), NN, dtype=jnp.int32)
    inp["node_lengths"] = jnp.full((B * C * NN,), W, dtype=jnp.int32)
    inp["max_length"] = W
    inp["emb"] = jax.random.normal(ks[4], (N_VOCAB, D_MODEL), dtype=jnp.float32) * 0.02
    inp["W_pre"] = jax.random.normal(ks[5], (D_MODEL, D_K), dtype=jnp.float32) / np.sqrt(D_MODEL)
    inp["b_pre"] = jnp.zeros((D_K,), dtype=jnp.float32)
    inp["W_q"] = jax.random.normal(ks[6], (D_MODEL, D_K), dtype=jnp.float32) / np.sqrt(D_MODEL)
    inp["W_v"] = jax.random.normal(ks[7], (D_K, 1), dtype=jnp.float32) / np.sqrt(D_K)
    return inp


def _forward(seq_output, con_hidden, emb, W_pre, b_pre, W_q, W_v, index):
    # hidden = cat of layer slices along feature dim -> [B, L*H]
    h = jnp.transpose(con_hidden, (1, 0, 2)).reshape(con_hidden.shape[1], -1)
    # nn.Embedding with padding_idx=PAD: row PAD is zero
    emb_eff = emb.at[PAD].set(0.0)
    bags = jnp.take(emb_eff, index, axis=0)  # [B, C, NN, W, d]
    # Faithful replication of the cross_pad aliasing: every cross slot in a
    # sample ends up equal to the LAST cross's (fully padded) bag tensor.
    bags = jnp.broadcast_to(bags[:, -1:, :, :, :], bags.shape)
    # roots are hidden[cross_idx] repeated for every node slot
    roots = jnp.broadcast_to(h[:, None, None, :], (h.shape[0], index.shape[1], index.shape[2], h.shape[1]))
    # ConcatAttention(d_model, d_model, d_k)
    pre = jnp.einsum('bcnwd,dk->bcnwk', bags, W_pre) + b_pre
    q = jnp.einsum('bcnd,dk->bcnk', roots, W_q)
    tmp = jnp.tanh(pre + q[:, :, :, None, :])
    energy = jnp.einsum('bcnwk,k->bcnw', tmp, W_v[:, 0])
    score = jax.nn.softmax(energy, axis=-1)
    context = jnp.einsum('bcnw,bcnwd->bcnd', score, bags)  # [B, C, NN, d]
    # cross_score.index(max(...)) -> first argmax; zero all crosses before it
    cross_score = jnp.sum(context, axis=(2, 3))  # [B, C]
    max_idx = jnp.argmax(cross_score, axis=1)
    keep = (jnp.arange(context.shape[1])[None, :] >= max_idx[:, None]).astype(context.dtype)
    context = context * keep[:, :, None, None]
    # uniform lengths -> final padded copy is exact
    return context, h


def reference(seq_output, hidden, con_hidden, index, cross_lengths, lengths, node_lengths, max_length, emb, W_pre, b_pre, W_q, W_v):
    return _forward(seq_output, con_hidden, emb, W_pre, b_pre, W_q, W_v, index)

if __name__ == "__main__":
    import jax
    _d = setup_inputs()
    print(jax.jit(kernel)(*tuple(_d.values())))

</pallas_src>

<mosaic_0001>
#map = affine_map<(d0, d1) -> (0, 0)>
#map1 = affine_map<(d0, d1) -> (0)>
module attributes {stable_mosaic.version = 14 : i64} {
  func.func @gather_k(%arg0: i32, %arg1: i32, %arg2: memref<32000x512xf32, #tpu.memory_space<hbm>>, %arg3: memref<131072xi32, #tpu.memory_space<hbm>>, %arg4: memref<16384x512xf32, #tpu.memory_space<hbm>>, %arg5: memref<512xi32, #tpu.memory_space<vmem>>, %arg6: memref<3x64x512xf32, #tpu.memory_space<vmem>>, %arg7: memref<!tpu.dma_semaphore, #tpu.memory_space<semaphore_mem>>, %arg8: memref<!tpu.dma_semaphore, #tpu.memory_space<semaphore_mem>>) attributes {dimension_semantics = [#tpu.dimension_semantics<core_parallel>, #tpu.dimension_semantics<subcore_parallel>], iteration_bounds = array<i64: 2, 16>, scalar_prefetch = 0 : i64, scratch_operands = 4 : i64, tpu.core_type = #tpu.core_type<sc_vector_subcore>, window_params = [{transform_indices = #map}, {transform_indices = #map1}, {transform_indices = #map}]} {
    %mul3A = arith.constant 2 : i32
    %mul3A_0 = arith.muli %arg1, %mul3A : i32
    %add3A = arith.addi %mul3A_0, %arg0 : i32
    %mul3A_1 = arith.constant 512 : i32
    %mul3A_2 = arith.muli %add3A, %mul3A_1 : i32
    %jit3A = arith.constant 8 : i32
    %div3A = arith.divsi %add3A, %jit3A : i32
    %sign3A = arith.constant 0 : i32
    %sign3A_3 = arith.cmpi sgt, %add3A, %sign3A : i32
    %sign3A_4 = arith.extui %sign3A_3 : i1 to i32
    %sign3A_5 = arith.constant 0 : i32
    %sign3A_6 = arith.cmpi slt, %add3A, %sign3A_5 : i32
    %sign3A_7 = arith.extui %sign3A_6 : i1 to i32
    %sign3A_8 = arith.subi %sign3A_4, %sign3A_7 : i32
    %sign3A_9 = arith.constant 0 : i32
    %sign3A_10 = arith.cmpi sgt, %jit3A, %sign3A_9 : i32
    %sign3A_11 = arith.extui %sign3A_10 : i1 to i32
    %sign3A_12 = arith.constant 0 : i32
    %sign3A_13 = arith.cmpi slt, %jit3A, %sign3A_12 : i32
    %sign3A_14 = arith.extui %sign3A_13 : i1 to i32
    %sign3A_15 = arith.subi %sign3A_11, %sign3A_14 : i32
    %ne3A = arith.cmpi ne, %sign3A_8, %sign3A_15 : i32
    %rem3A = arith.remsi %add3A, %jit3A : i32
    %ne3A_16 = arith.constant 0 : i32
    %ne3A_17 = arith.cmpi ne, %rem3A, %ne3A_16 : i32
    %and3A = arith.andi %ne3A, %ne3A_17 : i1
    %sub3A = arith.constant 1 : i32
    %sub3A_18 = arith.subi %div3A, %sub3A : i32
    %select_n3A = arith.select %and3A, %sub3A_18, %div3A : i32
    %add3A_19 = arith.constant 0 : i32
    %add3A_20 = arith.addi %add3A_19, %select_n3A : i32
    %mul3A_21 = arith.constant 4 : i32
    %mul3A_22 = arith.muli %add3A_20, %mul3A_21 : i32
    %add3A_23 = arith.constant 3 : i32
    %add3A_24 = arith.addi %mul3A_22, %add3A_23 : i32
    %mul3A_25 = arith.constant 4096 : i32
    %mul3A_26 = arith.muli %add3A_24, %mul3A_25 : i32
    %jit3A_27 = arith.constant 8 : i32
    %eq3A = arith.constant 0 : i32
    %eq3A_28 = arith.cmpi eq, %jit3A_27, %eq3A : i32
    %jit3A_29 = arith.constant 1 : i32
    %select_n3A_30 = arith.select %eq3A_28, %jit3A_29, %jit3A_27 : i32
    %rem3A_31 = arith.remsi %add3A, %select_n3A_30 : i32
    %ne3A_32 = arith.constant 0 : i32
    %ne3A_33 = arith.cmpi ne, %rem3A_31, %ne3A_32 : i32
    %lt3A = arith.constant 0 : i32
    %lt3A_34 = arith.cmpi slt, %rem3A_31, %lt3A : i32
    %lt3A_35 = arith.constant 0 : i32
    %lt3A_36 = arith.cmpi slt, %select_n3A_30, %lt3A_35 : i32
    %ne3A_37 = arith.xori %lt3A_34, %lt3A_36 : i1
    %and3A_38 = arith.andi %ne3A_37, %ne3A_33 : i1
    %add3A_39 = arith.addi %rem3A_31, %select_n3A_30 : i32
    %select_n3A_40 = arith.select %and3A_38, %add3A_39, %rem3A_31 : i32
    %mul3A_41 = arith.constant 512 : i32
    %mul3A_42 = arith.muli %select_n3A_40, %mul3A_41 : i32
    %add3A_43 = arith.addi %mul3A_26, %mul3A_42 : i32
    "tpu.region"() ({
      %run_scoped3A = tpu.sem_alloc : memref<!tpu.dma_semaphore, #tpu.memory_space<semaphore_mem>>
      %dma_start3A_426 = tpu.memref_slice %arg3[%add3A_43] : memref<131072xi32, #tpu.memory_space<hbm>> -> memref<512xi32, #tpu.memory_space<hbm>>
      %dma_start3A_427 = tpu.memref_slice %arg3[%add3A_43] : memref<131072xi32, #tpu.memory_space<hbm>> -> memref<512xi32, #tpu.memory_space<hbm>>
      tpu.enqueue_dma source(%dma_start3A_427 : memref<512xi32, #tpu.memory_space<hbm>>) target(%arg5 : memref<512xi32, #tpu.memory_space<vmem>>) target_semaphore(%run_scoped3A : memref<!tpu.dma_semaphore, #tpu.memory_space<semaphore_mem>>)
      %dma_wait3A_428 = tpu.memref_slice %arg3[%add3A_43] : memref<131072xi32, #tpu.memory_space<hbm>> -> memref<512xi32, #tpu.memory_space<hbm>>
      %dma_wait3A_429 = tpu.memref_slice %arg3[%add3A_43] : memref<131072xi32, #tpu.memory_space<hbm>> -> memref<512xi32, #tpu.memory_space<hbm>>
      tpu.wait_dma2 semaphore(%run_scoped3A : memref<!tpu.dma_semaphore, #tpu.memory_space<semaphore_mem>>) src(%dma_wait3A_429 : memref<512xi32, #tpu.memory_space<hbm>>) dst(%arg5 : memref<512xi32, #tpu.memory_space<vmem>>)
      tpu.yield
    }) : () -> ()
    %dma_start3A = arith.constant 0 : i32
    %dma_start3A_44 = arith.constant 0 : i32
    %dma_start3A_45 = arith.constant 0 : i32
    %dma_start3A_46 = tpu.memref_slice %arg6[%dma_start3A, %dma_start3A_44, %dma_start3A_45] : memref<3x64x512xf32, #tpu.memory_space<vmem>> -> memref<1x64x512xf32, #tpu.memory_space<vmem>>
    %dma_start3A_47 = tpu.memref_squeeze %dma_start3A_46 : memref<1x64x512xf32, #tpu.memory_space<vmem>> -> memref<64x512xf32, #tpu.memory_space<vmem>>
    %dma_start3A_48 = arith.constant 0 : i32
    %dma_start3A_49 = tpu.memref_slice %arg5[%dma_start3A_48] : memref<512xi32, #tpu.memory_space<vmem>> -> memref<64xi32, #tpu.memory_space<vmem>>
    %dma_start3A_50 = arith.constant 0 : i32
    %dma_start3A_51 = arith.constant 0 : i32
    %dma_start3A_52 = tpu.memref_slice %arg2[%dma_start3A_50, %dma_start3A_51] : memref<32000x512xf32, #tpu.memory_space<hbm>> -> memref<32000x512xf32, #tpu.memory_space<hbm>>
    tpu.enqueue_indirect_dma source(%dma_start3A_52 : memref<32000x512xf32, #tpu.memory_space<hbm>>) target(%dma_start3A_47 : memref<64x512xf32, #tpu.memory_space<vmem>>) offsets(%dma_start3A_49 : memref<64xi32, #tpu.memory_space<vmem>>) semaphore(%arg7 : memref<!tpu.dma_semaphore, #tpu.memory_space<semaphore_mem>>)
    %dma_start3A_53 = arith.constant 1 : i32
    %dma_start3A_54 = arith.constant 0 : i32
    %dma_start3A_55 = arith.constant 0 : i32
    %dma_start3A_56 = tpu.memref_slice %arg6[%dma_start3A_53, %dma_start3A_54, %dma_start3A_55] : memref<3x64x512xf32, #tpu.memory_space<vmem>> -> memref<1x64x512xf32, #tpu.memory_space<vmem>>
    %dma_start3A_57 = tpu.memref_squeeze %dma_start3A_56 : memref<1x64x512xf32, #tpu.memory_space<vmem>> -> memref<64x512xf32, #tpu.memory_space<vmem>>
    %dma_start3A_58 = arith.constant 64 : i32
    %dma_start3A_59 = tpu.memref_slice %arg5[%dma_start3A_58] : memref<512xi32, #tpu.memory_space<vmem>> -> memref<64xi32, #tpu.memory_space<vmem>>
    %dma_start3A_60 = arith.constant 0 : i32
    %dma_start3A_61 = arith.constant 0 : i32
    %dma_start3A_62 = tpu.memref_slice %arg2[%dma_start3A_60, %dma_start3A_61] : memref<32000x512xf32, #tpu.memory_space<hbm>> -> memref<32000x512xf32, #tpu.memory_space<hbm>>
    tpu.enqueue_indirect_dma source(%dma_start3A_62 : memref<32000x512xf32, #tpu.memory_space<hbm>>) target(%dma_start3A_57 : memref<64x512xf32, #tpu.memory_space<vmem>>) offsets(%dma_start3A_59 : memref<64xi32, #tpu.memory_space<vmem>>) semaphore(%arg7 : memref<!tpu.dma_semaphore, #tpu.memory_space<semaphore_mem>>)
    %dma_wait3A = arith.constant 0 : i32
    %dma_wait3A_63 = arith.constant 0 : i32
    %dma_wait3A_64 = arith.constant 0 : i32
    %dma_wait3A_65 = tpu.memref_slice %arg6[%dma_wait3A, %dma_wait3A_63, %dma_wait3A_64] : memref<3x64x512xf32, #tpu.memory_space<vmem>> -> memref<1x64x512xf32, #tpu.memory_space<vmem>>
    %dma_wait3A_66 = tpu.memref_squeeze %dma_wait3A_65 : memref<1x64x512xf32, #tpu.memory_space<vmem>> -> memref<64x512xf32, #tpu.memory_space<vmem>>
    %dma_wait3A_67 = arith.constant 0 : i32
    %dma_wait3A_68 = tpu.memref_slice %arg5[%dma_wait3A_67] : memref<512xi32, #tpu.memory_space<vmem>> -> memref<64xi32, #tpu.memory_space<vmem>>
    %dma_wait3A_69 = arith.constant 0 : i32
    %dma_wait3A_70 = arith.constant 0 : i32
    %dma_wait3A_71 = tpu.memref_slice %arg2[%dma_wait3A_69, %dma_wait3A_70] : memref<32000x512xf32, #tpu.memory_space<hbm>> -> memref<32000x512xf32, #tpu.memory_space<hbm>>
    tpu.wait_indirect_dma semaphore(%arg7 : memref<!tpu.dma_semaphore, #tpu.memory_space<semaphore_mem>>) src(%dma_wait3A_71 : memref<32000x512xf32, #tpu.memory_space<hbm>>) dst(%dma_wait3A_66 : memref<64x512xf32, #tpu.memory_space<vmem>>)
    %dma_start3A_72 = arith.constant 2 : i32
    %dma_start3A_73 = arith.constant 0 : i32
    %dma_start3A_74 = arith.constant 0 : i32
    %dma_start3A_75 = tpu.memref_slice %arg6[%dma_start3A_72, %dma_start3A_73, %dma_start3A_74] : memref<3x64x512xf32, #tpu.memory_space<vmem>> -> memref<1x64x512xf32, #tpu.memory_space<vmem>>
    %dma_start3A_76 = tpu.memref_squeeze %dma_start3A_75 : memref<1x64x512xf32, #tpu.memory_space<vmem>> -> memref<64x512xf32, #tpu.memory_space<vmem>>
    %dma_start3A_77 = arith.constant 128 : i32
    %dma_start3A_78 = tpu.memref_slice %arg5[%dma_start3A_77] : memref<512xi32, #tpu.memory_space<vmem>> -> memref<64xi32, #tpu.memory_space<vmem>>
    %dma_start3A_79 = arith.constant 0 : i32
    %dma_start3A_80 = arith.constant 0 : i32
    %dma_start3A_81 = tpu.memref_slice %arg2[%dma_start3A_79, %dma_start3A_80] : memref<32000x512xf32, #tpu.memory_space<hbm>> -> memref<32000x512xf32, #tpu.memory_space<hbm>>
    tpu.enqueue_indirect_dma source(%dma_start3A_81 : memref<32000x512xf32, #tpu.memory_space<hbm>>) target(%dma_start3A_76 : memref<64x512xf32, #tpu.memory_space<vmem>>) offsets(%dma_start3A_78 : memref<64xi32, #tpu.memory_space<vmem>>) semaphore(%arg7 : memref<!tpu.dma_semaphore, #tpu.memory_space<semaphore_mem>>)
    %add3A_82 = arith.constant 0 : i32
    %add3A_83 = arith.addi %mul3A_2, %add3A_82 : i32
    %dma_start3A_84 = arith.constant 0 : i32
    %dma_start3A_85 = arith.constant 0 : i32
    %dma_start3A_86 = arith.constant 0 : i32
    %dma_start3A_87 = tpu.memref_slice %arg6[%dma_start3A_84, %dma_start3A_85, %dma_start3A_86] : memref<3x64x512xf32, #tpu.memory_space<vmem>> -> memref<1x64x512xf32, #tpu.memory_space<vmem>>
    %dma_start3A_88 = tpu.memref_squeeze %dma_start3A_87 : memref<1x64x512xf32, #tpu.memory_space<vmem>> -> memref<64x512xf32, #tpu.memory_space<vmem>>
    %dma_start3A_89 = arith.constant 0 : i32
    %dma_start3A_90 = tpu.memref_slice %arg4[%add3A_83, %dma_start3A_89] : memref<16384x512xf32, #tpu.memory_space<hbm>> -> memref<64x512xf32, #tpu.memory_space<hbm>>
    %dma_start3A_91 = arith.constant 0 : i32
    %dma_start3A_92 = tpu.memref_slice %arg4[%add3A_83, %dma_start3A_91] : memref<16384x512xf32, #tpu.memory_space<hbm>> -> memref<64x512xf32, #tpu.memory_space<hbm>>
    %dma_start3A_93 = arith.constant 0 : i32
    %dma_start3A_94 = arith.constant 0 : i32
    %dma_start3A_95 = tpu.memref_slice %arg6[%dma_start3A_84, %dma_start3A_93, %dma_start3A_94] : memref<3x64x512xf32, #tpu.memory_space<vmem>> -> memref<1x64x512xf32, #tpu.memory_space<vmem>>
    %dma_start3A_96 = tpu.memref_squeeze %dma_start3A_95 : memref<1x64x512xf32, #tpu.memory_space<vmem>> -> memref<64x512xf32, #tpu.memory_space<vmem>>
    tpu.enqueue_dma source(%dma_start3A_96 : memref<64x512xf32, #tpu.memory_space<vmem>>) target(%dma_start3A_92 : memref<64x512xf32, #tpu.memory_space<hbm>>) target_semaphore(%arg8 : memref<!tpu.dma_semaphore, #tpu.memory_space<semaphore_mem>>)
    %dma_wait3A_97 = arith.constant 1 : i32
    %dma_wait3A_98 = arith.constant 0 : i32
    %dma_wait3A_99 = arith.constant 0 : i32
    %dma_wait3A_100 = tpu.memref_slice %arg6[%dma_wait3A_97, %dma_wait3A_98, %dma_wait3A_99] : memref<3x64x512xf32, #tpu.memory_space<vmem>> -> memref<1x64x512xf32, #tpu.memory_space<vmem>>
    %dma_wait3A_101 = tpu.memref_squeeze %dma_wait3A_100 : memref<1x64x512xf32, #tpu.memory_space<vmem>> -> memref<64x512xf32, #tpu.memory_space<vmem>>
    %dma_wait3A_102 = arith.constant 64 : i32
    %dma_wait3A_103 = tpu.memref_slice %arg5[%dma_wait3A_102] : memref<512xi32, #tpu.memory_space<vmem>> -> memref<64xi32, #tpu.memory_space<vmem>>
    %dma_wait3A_104 = arith.constant 0 : i32
    %dma_wait3A_105 = arith.constant 0 : i32
    %dma_wait3A_106 = tpu.memref_slice %arg2[%dma_wait3A_104, %dma_wait3A_105] : memref<32000x512xf32, #tpu.memory_space<hbm>> -> memref<32000x512xf32, #tpu.memory_space<hbm>>
    tpu.wait_indirect_dma semaphore(%arg7 : memref<!tpu.dma_semaphore, #tpu.memory_space<semaphore_mem>>) src(%dma_wait3A_106 : memref<32000x512xf32, #tpu.memory_space<hbm>>) dst(%dma_wait3A_101 : memref<64x512xf32, #tpu.memory_space<vmem>>)
    %dma_wait3A_107 = arith.constant 0 : i32
    %dma_wait3A_108 = arith.constant 0 : i32
    %dma_wait3A_109 = arith.constant 0 : i32
    %dma_wait3A_110 = tpu.memref_slice %arg6[%dma_wait3A_107, %dma_wait3A_108, %dma_wait3A_109] : memref<3x64x512xf32, #tpu.memory_space<vmem>> -> memref<1x64x512xf32, #tpu.memory_space<vmem>>
    %dma_wait3A_111 = tpu.memref_squeeze %dma_wait3A_110 : memref<1x64x512xf32, #tpu.memory_space<vmem>> -> memref<64x512xf32, #tpu.memory_space<vmem>>
    %dma_wait3A_112 = arith.constant 0 : i32
    %dma_wait3A_113 = tpu.memref_slice %arg4[%add3A_83, %dma_wait3A_112] : memref<16384x512xf32, #tpu.memory_space<hbm>> -> memref<64x512xf32, #tpu.memory_space<hbm>>
    %dma_wait3A_114 = arith.constant 0 : i32
    %dma_wait3A_115 = tpu.memref_slice %arg4[%add3A_83, %dma_wait3A_114] : memref<16384x512xf32, #tpu.memory_space<hbm>> -> memref<64x512xf32, #tpu.memory_space<hbm>>
    %dma_wait3A_116 = arith.constant 0 : i32
    %dma_wait3A_117 = arith.constant 0 : i32
    %dma_wait3A_118 = tpu.memref_slice %arg6[%dma_wait3A_107, %dma_wait3A_116, %dma_wait3A_117] : memref<3x64x512xf32, #tpu.memory_space<vmem>> -> memref<1x64x512xf32, #tpu.memory_space<vmem>>
    %dma_wait3A_119 = tpu.memref_squeeze %dma_wait3A_118 : memref<1x64x512xf32, #tpu.memory_space<vmem>> -> memref<64x512xf32, #tpu.memory_space<vmem>>
    tpu.wait_dma2 semaphore(%arg8 : memref<!tpu.dma_semaphore, #tpu.memory_space<semaphore_mem>>) src(%dma_wait3A_119 : memref<64x512xf32, #tpu.memory_space<vmem>>) dst(%dma_wait3A_115 : memref<64x512xf32, #tpu.memory_space<hbm>>)
    %dma_start3A_120 = arith.constant 0 : i32
    %dma_start3A_121 = arith.constant 0 : i32
    %dma_start3A_122 = arith.constant 0 : i32
    %dma_start3A_123 = tpu.memref_slice %arg6[%dma_start3A_120, %dma_start3A_121, %dma_start3A_122] : memref<3x64x512xf32, #tpu.memory_space<vmem>> -> memref<1x64x512xf32, #tpu.memory_space<vmem>>
    %dma_start3A_124 = tpu.memref_squeeze %dma_start3A_123 : memref<1x64x512xf32, #tpu.memory_space<vmem>> -> memref<64x512xf32, #tpu.memory_space<vmem>>
    %dma_start3A_125 = arith.constant 192 : i32
    %dma_start3A_126 = tpu.memref_slice %arg5[%dma_start3A_125] : memref<512xi32, #tpu.memory_space<vmem>> -> memref<64xi32, #tpu.memory_space<vmem>>
    %dma_start3A_127 = arith.constant 0 : i32
    %dma_start3A_128 = arith.constant 0 : i32
    %dma_start3A_129 = tpu.memref_slice %arg2[%dma_start3A_127, %dma_start3A_128] : memref<32000x512xf32, #tpu.memory_space<hbm>> -> memref<32000x512xf32, #tpu.memory_space<hbm>>
    tpu.enqueue_indirect_dma source(%dma_start3A_129 : memref<32000x512xf32, #tpu.memory_space<hbm>>) target(%dma_start3A_124 : memref<64x512xf32, #tpu.memory_space<vmem>>) offsets(%dma_start3A_126 : memref<64xi32, #tpu.memory_space<vmem>>) semaphore(%arg7 : memref<!tpu.dma_semaphore, #tpu.memory_space<semaphore_mem>>)
    %add3A_130 = arith.constant 64 : i32
    %add3A_131 = arith.addi %mul3A_2, %add3A_130 : i32
    %dma_start3A_132 = arith.constant 1 : i32
    %dma_start3A_133 = arith.constant 0 : i32
    %dma_start3A_134 = arith.constant 0 : i32
    %dma_start3A_135 = tpu.memref_slice %arg6[%dma_start3A_132, %dma_start3A_133, %dma_start3A_134] : memref<3x64x512xf32, #tpu.memory_space<vmem>> -> memref<1x64x512xf32, #tpu.memory_space<vmem>>
    %dma_start3A_136 = tpu.memref_squeeze %dma_start3A_135 : memref<1x64x512xf32, #tpu.memory_space<vmem>> -> memref<64x512xf32, #tpu.memory_space<vmem>>
    %dma_start3A_137 = arith.constant 0 : i32
    %dma_start3A_138 = tpu.memref_slice %arg4[%add3A_131, %dma_start3A_137] : memref<16384x512xf32, #tpu.memory_space<hbm>> -> memref<64x512xf32, #tpu.memory_space<hbm>>
    %dma_start3A_139 = arith.constant 0 : i32
    %dma_start3A_140 = tpu.memref_slice %arg4[%add3A_131, %dma_start3A_139] : memref<16384x512xf32, #tpu.memory_space<hbm>> -> memref<64x512xf32, #tpu.memory_space<hbm>>
    %dma_start3A_141 = arith.constant 0 : i32
    %dma_start3A_142 = arith.constant 0 : i32
    %dma_start3A_143 = tpu.memref_slice %arg6[%dma_start3A_132, %dma_start3A_141, %dma_start3A_142] : memref<3x64x512xf32, #tpu.memory_space<vmem>> -> memref<1x64x512xf32, #tpu.memory_space<vmem>>
    %dma_start3A_144 = tpu.memref_squeeze %dma_start3A_143 : memref<1x64x512xf32, #tpu.memory_space<vmem>> -> memref<64x512xf32, #tpu.memory_space<vmem>>
    tpu.enqueue_dma source(%dma_start3A_144 : memref<64x512xf32, #tpu.memory_space<vmem>>) target(%dma_start3A_140 : memref<64x512xf32, #tpu.memory_space<hbm>>) target_semaphore(%arg8 : memref<!tpu.dma_semaphore, #tpu.memory_space<semaphore_mem>>)
    %dma_wait3A_145 = arith.constant 2 : i32
    %dma_wait3A_146 = arith.constant 0 : i32
    %dma_wait3A_147 = arith.constant 0 : i32
    %dma_wait3A_148 = tpu.memref_slice %arg6[%dma_wait3A_145, %dma_wait3A_146, %dma_wait3A_147] : memref<3x64x512xf32, #tpu.memory_space<vmem>> -> memref<1x64x512xf32, #tpu.memory_space<vmem>>
    %dma_wait3A_149 = tpu.memref_squeeze %dma_wait3A_148 : memref<1x64x512xf32, #tpu.memory_space<vmem>> -> memref<64x512xf32, #tpu.memory_space<vmem>>
    %dma_wait3A_150 = arith.constant 128 : i32
    %dma_wait3A_151 = tpu.memref_slice %arg5[%dma_wait3A_150] : memref<512xi32, #tpu.memory_space<vmem>> -> memref<64xi32, #tpu.memory_space<vmem>>
    %dma_wait3A_152 = arith.constant 0 : i32
    %dma_wait3A_153 = arith.constant 0 : i32
    %dma_wait3A_154 = tpu.memref_slice %arg2[%dma_wait3A_152, %dma_wait3A_153] : memref<32000x512xf32, #tpu.memory_space<hbm>> -> memref<32000x512xf32, #tpu.memory_space<hbm>>
    tpu.wait_indirect_dma semaphore(%arg7 : memref<!tpu.dma_semaphore, #tpu.memory_space<semaphore_mem>>) src(%dma_wait3A_154 : memref<32000x512xf32, #tpu.memory_space<hbm>>) dst(%dma_wait3A_149 : memref<64x512xf32, #tpu.memory_space<vmem>>)
    %dma_wait3A_155 = arith.constant 1 : i32
    %dma_wait3A_156 = arith.constant 0 : i32
    %dma_wait3A_157 = arith.constant 0 : i32
    %dma_wait3A_158 = tpu.memref_slice %arg6[%dma_wait3A_155, %dma_wait3A_156, %dma_wait3A_157] : memref<3x64x512xf32, #tpu.memory_space<vmem>> -> memref<1x64x512xf32, #tpu.memory_space<vmem>>
    %dma_wait3A_159 = tpu.memref_squeeze %dma_wait3A_158 : memref<1x64x512xf32, #tpu.memory_space<vmem>> -> memref<64x512xf32, #tpu.memory_space<vmem>>
    %dma_wait3A_160 = arith.constant 0 : i32
    %dma_wait3A_161 = tpu.memref_slice %arg4[%add3A_131, %dma_wait3A_160] : memref<16384x512xf32, #tpu.memory_space<hbm>> -> memref<64x512xf32, #tpu.memory_space<hbm>>
    %dma_wait3A_162 = arith.constant 0 : i32
    %dma_wait3A_163 = tpu.memref_slice %arg4[%add3A_131, %dma_wait3A_162] : memref<16384x512xf32, #tpu.memory_space<hbm>> -> memref<64x512xf32, #tpu.memory_space<hbm>>
    %dma_wait3A_164 = arith.constant 0 : i32
    %dma_wait3A_165 = arith.constant 0 : i32
    %dma_wait3A_166 = tpu.memref_slice %arg6[%dma_wait3A_155, %dma_wait3A_164, %dma_wait3A_165] : memref<3x64x512xf32, #tpu.memory_space<vmem>> -> memref<1x64x512xf32, #tpu.memory_space<vmem>>
    %dma_wait3A_167 = tpu.memref_squeeze %dma_wait3A_166 : memref<1x64x512xf32, #tpu.memory_space<vmem>> -> memref<64x512xf32, #tpu.memory_space<vmem>>
    tpu.wait_dma2 semaphore(%arg8 : memref<!tpu.dma_semaphore, #tpu.memory_space<semaphore_mem>>) src(%dma_wait3A_167 : memref<64x512xf32, #tpu.memory_space<vmem>>) dst(%dma_wait3A_163 : memref<64x512xf32, #tpu.memory_space<hbm>>)
    %dma_start3A_168 = arith.constant 1 : i32
    %dma_start3A_169 = arith.constant 0 : i32
    %dma_start3A_170 = arith.constant 0 : i32
    %dma_start3A_171 = tpu.memref_slice %arg6[%dma_start3A_168, %dma_start3A_169, %dma_start3A_170] : memref<3x64x512xf32, #tpu.memory_space<vmem>> -> memref<1x64x512xf32, #tpu.memory_space<vmem>>
    %dma_start3A_172 = tpu.memref_squeeze %dma_start3A_171 : memref<1x64x512xf32, #tpu.memory_space<vmem>> -> memref<64x512xf32, #tpu.memory_space<vmem>>
    %dma_start3A_173 = arith.constant 256 : i32
    %dma_start3A_174 = tpu.memref_slice %arg5[%dma_start3A_173] : memref<512xi32, #tpu.memory_space<vmem>> -> memref<64xi32, #tpu.memory_space<vmem>>
    %dma_start3A_175 = arith.constant 0 : i32
    %dma_start3A_176 = arith.constant 0 : i32
    %dma_start3A_177 = tpu.memref_slice %arg2[%dma_start3A_175, %dma_start3A_176] : memref<32000x512xf32, #tpu.memory_space<hbm>> -> memref<32000x512xf32, #tpu.memory_space<hbm>>
    tpu.enqueue_indirect_dma source(%dma_start3A_177 : memref<32000x512xf32, #tpu.memory_space<hbm>>) target(%dma_start3A_172 : memref<64x512xf32, #tpu.memory_space<vmem>>) offsets(%dma_start3A_174 : memref<64xi32, #tpu.memory_space<vmem>>) semaphore(%arg7 : memref<!tpu.dma_semaphore, #tpu.memory_space<semaphore_mem>>)
    %add3A_178 = arith.constant 128 : i32
    %add3A_179 = arith.addi %mul3A_2, %add3A_178 : i32
    %dma_start3A_180 = arith.constant 2 : i32
    %dma_start3A_181 = arith.constant 0 : i32
    %dma_start3A_182 = arith.constant 0 : i32
    %dma_start3A_183 = tpu.memref_slice %arg6[%dma_start3A_180, %dma_start3A_181, %dma_start3A_182] : memref<3x64x512xf32, #tpu.memory_space<vmem>> -> memref<1x64x512xf32, #tpu.memory_space<vmem>>
    %dma_start3A_184 = tpu.memref_squeeze %dma_start3A_183 : memref<1x64x512xf32, #tpu.memory_space<vmem>> -> memref<64x512xf32, #tpu.memory_space<vmem>>
    %dma_start3A_185 = arith.constant 0 : i32
    %dma_start3A_186 = tpu.memref_slice %arg4[%add3A_179, %dma_start3A_185] : memref<16384x512xf32, #tpu.memory_space<hbm>> -> memref<64x512xf32, #tpu.memory_space<hbm>>
    %dma_start3A_187 = arith.constant 0 : i32
    %dma_start3A_188 = tpu.memref_slice %arg4[%add3A_179, %dma_start3A_187] : memref<16384x512xf32, #tpu.memory_space<hbm>> -> memref<64x512xf32, #tpu.memory_space<hbm>>
    %dma_start3A_189 = arith.constant 0 : i32
    %dma_start3A_190 = arith.constant 0 : i32
    %dma_start3A_191 = tpu.memref_slice %arg6[%dma_start3A_180, %dma_start3A_189, %dma_start3A_190] : memref<3x64x512xf32, #tpu.memory_space<vmem>> -> memref<1x64x512xf32, #tpu.memory_space<vmem>>
    %dma_start3A_192 = tpu.memref_squeeze %dma_start3A_191 : memref<1x64x512xf32, #tpu.memory_space<vmem>> -> memref<64x512xf32, #tpu.memory_space<vmem>>
    tpu.enqueue_dma source(%dma_start3A_192 : memref<64x512xf32, #tpu.memory_space<vmem>>) target(%dma_start3A_188 : memref<64x512xf32, #tpu.memory_space<hbm>>) target_semaphore(%arg8 : memref<!tpu.dma_semaphore, #tpu.memory_space<semaphore_mem>>)
    %dma_wait3A_193 = arith.constant 0 : i32
    %dma_wait3A_194 = arith.constant 0 : i32
    %dma_wait3A_195 = arith.constant 0 : i32
    %dma_wait3A_196 = tpu.memref_slice %arg6[%dma_wait3A_193, %dma_wait3A_194, %dma_wait3A_195] : memref<3x64x512xf32, #tpu.memory_space<vmem>> -> memref<1x64x512xf32, #tpu.memory_space<vmem>>
    %dma_wait3A_197 = tpu.memref_squeeze %dma_wait3A_196 : memref<1x64x512xf32, #tpu.memory_space<vmem>> -> memref<64x512xf32, #tpu.memory_space<vmem>>
    %dma_wait3A_198 = arith.constant 192 : i32
    %dma_wait3A_199 = tpu.memref_slice %arg5[%dma_wait3A_198] : memref<512xi32, #tpu.memory_space<vmem>> -> memref<64xi32, #tpu.memory_space<vmem>>
    %dma_wait3A_200 = arith.constant 0 : i32
    %dma_wait3A_201 = arith.constant 0 : i32
    %dma_wait3A_202 = tpu.memref_slice %arg2[%dma_wait3A_200, %dma_wait3A_201] : memref<32000x512xf32, #tpu.memory_space<hbm>> -> memref<32000x512xf32, #tpu.memory_space<hbm>>
    tpu.wait_indirect_dma semaphore(%arg7 : memref<!tpu.dma_semaphore, #tpu.memory_space<semaphore_mem>>) src(%dma_wait3A_202 : memref<32000x512xf32, #tpu.memory_space<hbm>>) dst(%dma_wait3A_197 : memref<64x512xf32, #tpu.memory_space<vmem>>)
    %dma_wait3A_203 = arith.constant 2 : i32
    %dma_wait3A_204 = arith.constant 0 : i32
    %dma_wait3A_205 = arith.constant 0 : i32
    %dma_wait3A_206 = tpu.memref_slice %arg6[%dma_wait3A_203, %dma_wait3A_204, %dma_wait3A_205] : memref<3x64x512xf32, #tpu.memory_space<vmem>> -> memref<1x64x512xf32, #tpu.memory_space<vmem>>
    %dma_wait3A_207 = tpu.memref_squeeze %dma_wait3A_206 : memref<1x64x512xf32, #tpu.memory_space<vmem>> -> memref<64x512xf32, #tpu.memory_space<vmem>>
    %dma_wait3A_208 = arith.constant 0 : i32
    %dma_wait3A_209 = tpu.memref_slice %arg4[%add3A_179, %dma_wait3A_208] : memref<16384x512xf32, #tpu.memory_space<hbm>> -> memref<64x512xf32, #tpu.memory_space<hbm>>
    %dma_wait3A_210 = arith.constant 0 : i32
    %dma_wait3A_211 = tpu.memref_slice %arg4[%add3A_179, %dma_wait3A_210] : memref<16384x512xf32, #tpu.memory_space<hbm>> -> memref<64x512xf32, #tpu.memory_space<hbm>>
    %dma_wait3A_212 = arith.constant 0 : i32
    %dma_wait3A_213 = arith.constant 0 : i32
    %dma_wait3A_214 = tpu.memref_slice %arg6[%dma_wait3A_203, %dma_wait3A_212, %dma_wait3A_213] : memref<3x64x512xf32, #tpu.memory_space<vmem>> -> memref<1x64x512xf32, #tpu.memory_space<vmem>>
    %dma_wait3A_215 = tpu.memref_squeeze %dma_wait3A_214 : memref<1x64x512xf32, #tpu.memory_space<vmem>> -> memref<64x512xf32, #tpu.memory_space<vmem>>
    tpu.wait_dma2 semaphore(%arg8 : memref<!tpu.dma_semaphore, #tpu.memory_space<semaphore_mem>>) src(%dma_wait3A_215 : memref<64x512xf32, #tpu.memory_space<vmem>>) dst(%dma_wait3A_211 : memref<64x512xf32, #tpu.memory_space<hbm>>)
    %dma_start3A_216 = arith.constant 2 : i32
    %dma_start3A_217 = arith.constant 0 : i32
    %dma_start3A_218 = arith.constant 0 : i32
    %dma_start3A_219 = tpu.memref_slice %arg6[%dma_start3A_216, %dma_start3A_217, %dma_start3A_218] : memref<3x64x512xf32, #tpu.memory_space<vmem>> -> memref<1x64x512xf32, #tpu.memory_space<vmem>>
    %dma_start3A_220 = tpu.memref_squeeze %dma_start3A_219 : memref<1x64x512xf32, #tpu.memory_space<vmem>> -> memref<64x512xf32, #tpu.memory_space<vmem>>
    %dma_start3A_221 = arith.constant 320 : i32
    %dma_start3A_222 = tpu.memref_slice %arg5[%dma_start3A_221] : memref<512xi32, #tpu.memory_space<vmem>> -> memref<64xi32, #tpu.memory_space<vmem>>
    %dma_start3A_223 = arith.constant 0 : i32
    %dma_start3A_224 = arith.constant 0 : i32
    %dma_start3A_225 = tpu.memref_slice %arg2[%dma_start3A_223, %dma_start3A_224] : memref<32000x512xf32, #tpu.memory_space<hbm>> -> memref<32000x512xf32, #tpu.memory_space<hbm>>
    tpu.enqueue_indirect_dma source(%dma_start3A_225 : memref<32000x512xf32, #tpu.memory_space<hbm>>) target(%dma_start3A_220 : memref<64x512xf32, #tpu.memory_space<vmem>>) offsets(%dma_start3A_222 : memref<64xi32, #tpu.memory_space<vmem>>) semaphore(%arg7 : memref<!tpu.dma_semaphore, #tpu.memory_space<semaphore_mem>>)
    %add3A_226 = arith.constant 192 : i32
    %add3A_227 = arith.addi %mul3A_2, %add3A_226 : i32
    %dma_start3A_228 = arith.constant 0 : i32
    %dma_start3A_229 = arith.constant 0 : i32
    %dma_start3A_230 = arith.constant 0 : i32
    %dma_start3A_231 = tpu.memref_slice %arg6[%dma_start3A_228, %dma_start3A_229, %dma_start3A_230] : memref<3x64x512xf32, #tpu.memory_space<vmem>> -> memref<1x64x512xf32, #tpu.memory_space<vmem>>
    %dma_start3A_232 = tpu.memref_squeeze %dma_start3A_231 : memref<1x64x512xf32, #tpu.memory_space<vmem>> -> memref<64x512xf32, #tpu.memory_space<vmem>>
    %dma_start3A_233 = arith.constant 0 : i32
    %dma_start3A_234 = tpu.memref_slice %arg4[%add3A_227, %dma_start3A_233] : memref<16384x512xf32, #tpu.memory_space<hbm>> -> memref<64x512xf32, #tpu.memory_space<hbm>>
    %dma_start3A_235 = arith.constant 0 : i32
    %dma_start3A_236 = tpu.memref_slice %arg4[%add3A_227, %dma_start3A_235] : memref<16384x512xf32, #tpu.memory_space<hbm>> -> memref<64x512xf32, #tpu.memory_space<hbm>>
    %dma_start3A_237 = arith.constant 0 : i32
    %dma_start3A_238 = arith.constant 0 : i32
    %dma_start3A_239 = tpu.memref_slice %arg6[%dma_start3A_228, %dma_start3A_237, %dma_start3A_238] : memref<3x64x512xf32, #tpu.memory_space<vmem>> -> memref<1x64x512xf32, #tpu.memory_space<vmem>>
    %dma_start3A_240 = tpu.memref_squeeze %dma_start3A_239 : memref<1x64x512xf32, #tpu.memory_space<vmem>> -> memref<64x512xf32, #tpu.memory_space<vmem>>
    tpu.enqueue_dma source(%dma_start3A_240 : memref<64x512xf32, #tpu.memory_space<vmem>>) target(%dma_start3A_236 : memref<64x512xf32, #tpu.memory_space<hbm>>) target_semaphore(%arg8 : memref<!tpu.dma_semaphore, #tpu.memory_space<semaphore_mem>>)
    %dma_wait3A_241 = arith.constant 1 : i32
    %dma_wait3A_242 = arith.constant 0 : i32
    %dma_wait3A_243 = arith.constant 0 : i32
    %dma_wait3A_244 = tpu.memref_slice %arg6[%dma_wait3A_241, %dma_wait3A_242, %dma_wait3A_243] : memref<3x64x512xf32, #tpu.memory_space<vmem>> -> memref<1x64x512xf32, #tpu.memory_space<vmem>>
    %dma_wait3A_245 = tpu.memref_squeeze %dma_wait3A_244 : memref<1x64x512xf32, #tpu.memory_space<vmem>> -> memref<64x512xf32, #tpu.memory_space<vmem>>
    %dma_wait3A_246 = arith.constant 256 : i32
    %dma_wait3A_247 = tpu.memref_slice %arg5[%dma_wait3A_246] : memref<512xi32, #tpu.memory_space<vmem>> -> memref<64xi32, #tpu.memory_space<vmem>>
    %dma_wait3A_248 = arith.constant 0 : i32
    %dma_wait3A_249 = arith.constant 0 : i32
    %dma_wait3A_250 = tpu.memref_slice %arg2[%dma_wait3A_248, %dma_wait3A_249] : memref<32000x512xf32, #tpu.memory_space<hbm>> -> memref<32000x512xf32, #tpu.memory_space<hbm>>
    tpu.wait_indirect_dma semaphore(%arg7 : memref<!tpu.dma_semaphore, #tpu.memory_space<semaphore_mem>>) src(%dma_wait3A_250 : memref<32000x512xf32, #tpu.memory_space<hbm>>) dst(%dma_wait3A_245 : memref<64x512xf32, #tpu.memory_space<vmem>>)
    %dma_wait3A_251 = arith.constant 0 : i32
    %dma_wait3A_252 = arith.constant 0 : i32
    %dma_wait3A_253 = arith.constant 0 : i32
    %dma_wait3A_254 = tpu.memref_slice %arg6[%dma_wait3A_251, %dma_wait3A_252, %dma_wait3A_253] : memref<3x64x512xf32, #tpu.memory_space<vmem>> -> memref<1x64x512xf32, #tpu.memory_space<vmem>>
    %dma_wait3A_255 = tpu.memref_squeeze %dma_wait3A_254 : memref<1x64x512xf32, #tpu.memory_space<vmem>> -> memref<64x512xf32, #tpu.memory_space<vmem>>
    %dma_wait3A_256 = arith.constant 0 : i32
    %dma_wait3A_257 = tpu.memref_slice %arg4[%add3A_227, %dma_wait3A_256] : memref<16384x512xf32, #tpu.memory_space<hbm>> -> memref<64x512xf32, #tpu.memory_space<hbm>>
    %dma_wait3A_258 = arith.constant 0 : i32
    %dma_wait3A_259 = tpu.memref_slice %arg4[%add3A_227, %dma_wait3A_258] : memref<16384x512xf32, #tpu.memory_space<hbm>> -> memref<64x512xf32, #tpu.memory_space<hbm>>
    %dma_wait3A_260 = arith.constant 0 : i32
    %dma_wait3A_261 = arith.constant 0 : i32
    %dma_wait3A_262 = tpu.memref_slice %arg6[%dma_wait3A_251, %dma_wait3A_260, %dma_wait3A_261] : memref<3x64x512xf32, #tpu.memory_space<vmem>> -> memref<1x64x512xf32, #tpu.memory_space<vmem>>
    %dma_wait3A_263 = tpu.memref_squeeze %dma_wait3A_262 : memref<1x64x512xf32, #tpu.memory_space<vmem>> -> memref<64x512xf32, #tpu.memory_space<vmem>>
    tpu.wait_dma2 semaphore(%arg8 : memref<!tpu.dma_semaphore, #tpu.memory_space<semaphore_mem>>) src(%dma_wait3A_263 : memref<64x512xf32, #tpu.memory_space<vmem>>) dst(%dma_wait3A_259 : memref<64x512xf32, #tpu.memory_space<hbm>>)
    %dma_start3A_264 = arith.constant 0 : i32
    %dma_start3A_265 = arith.constant 0 : i32
    %dma_start3A_266 = arith.constant 0 : i32
    %dma_start3A_267 = tpu.memref_slice %arg6[%dma_start3A_264, %dma_start3A_265, %dma_start3A_266] : memref<3x64x512xf32, #tpu.memory_space<vmem>> -> memref<1x64x512xf32, #tpu.memory_space<vmem>>
    %dma_start3A_268 = tpu.memref_squeeze %dma_start3A_267 : memref<1x64x512xf32, #tpu.memory_space<vmem>> -> memref<64x512xf32, #tpu.memory_space<vmem>>
    %dma_start3A_269 = arith.constant 384 : i32
    %dma_start3A_270 = tpu.memref_slice %arg5[%dma_start3A_269] : memref<512xi32, #tpu.memory_space<vmem>> -> memref<64xi32, #tpu.memory_space<vmem>>
    %dma_start3A_271 = arith.constant 0 : i32
    %dma_start3A_272 = arith.constant 0 : i32
    %dma_start3A_273 = tpu.memref_slice %arg2[%dma_start3A_271, %dma_start3A_272] : memref<32000x512xf32, #tpu.memory_space<hbm>> -> memref<32000x512xf32, #tpu.memory_space<hbm>>
    tpu.enqueue_indirect_dma source(%dma_start3A_273 : memref<32000x512xf32, #tpu.memory_space<hbm>>) target(%dma_start3A_268 : memref<64x512xf32, #tpu.memory_space<vmem>>) offsets(%dma_start3A_270 : memref<64xi32, #tpu.memory_space<vmem>>) semaphore(%arg7 : memref<!tpu.dma_semaphore, #tpu.memory_space<semaphore_mem>>)
    %add3A_274 = arith.constant 256 : i32
    %add3A_275 = arith.addi %mul3A_2, %add3A_274 : i32
    %dma_start3A_276 = arith.constant 1 : i32
    %dma_start3A_277 = arith.constant 0 : i32
    %dma_start3A_278 = arith.constant 0 : i32
    %dma_start3A_279 = tpu.memref_slice %arg6[%dma_start3A_276, %dma_start3A_277, %dma_start3A_278] : memref<3x64x512xf32, #tpu.memory_space<vmem>> -> memref<1x64x512xf32, #tpu.memory_space<vmem>>
    %dma_start3A_280 = tpu.memref_squeeze %dma_start3A_279 : memref<1x64x512xf32, #tpu.memory_space<vmem>> -> memref<64x512xf32, #tpu.memory_space<vmem>>
    %dma_start3A_281 = arith.constant 0 : i32
    %dma_start3A_282 = tpu.memref_slice %arg4[%add3A_275, %dma_start3A_281] : memref<16384x512xf32, #tpu.memory_space<hbm>> -> memref<64x512xf32, #tpu.memory_space<hbm>>
    %dma_start3A_283 = arith.constant 0 : i32
    %dma_start3A_284 = tpu.memref_slice %arg4[%add3A_275, %dma_start3A_283] : memref<16384x512xf32, #tpu.memory_space<hbm>> -> memref<64x512xf32, #tpu.memory_space<hbm>>
    %dma_start3A_285 = arith.constant 0 : i32
    %dma_start3A_286 = arith.constant 0 : i32
    %dma_start3A_287 = tpu.memref_slice %arg6[%dma_start3A_276, %dma_start3A_285, %dma_start3A_286] : memref<3x64x512xf32, #tpu.memory_space<vmem>> -> memref<1x64x512xf32, #tpu.memory_space<vmem>>
    %dma_start3A_288 = tpu.memref_squeeze %dma_start3A_287 : memref<1x64x512xf32, #tpu.memory_space<vmem>> -> memref<64x512xf32, #tpu.memory_space<vmem>>
    tpu.enqueue_dma source(%dma_start3A_288 : memref<64x512xf32, #tpu.memory_space<vmem>>) target(%dma_start3A_284 : memref<64x512xf32, #tpu.memory_space<hbm>>) target_semaphore(%arg8 : memref<!tpu.dma_semaphore, #tpu.memory_space<semaphore_mem>>)
    %dma_wait3A_289 = arith.constant 2 : i32
    %dma_wait3A_290 = arith.constant 0 : i32
    %dma_wait3A_291 = arith.constant 0 : i32
    %dma_wait3A_292 = tpu.memref_slice %arg6[%dma_wait3A_289, %dma_wait3A_290, %dma_wait3A_291] : memref<3x64x512xf32, #tpu.memory_space<vmem>> -> memref<1x64x512xf32, #tpu.memory_space<vmem>>
    %dma_wait3A_293 = tpu.memref_squeeze %dma_wait3A_292 : memref<1x64x512xf32, #tpu.memory_space<vmem>> -> memref<64x512xf32, #tpu.memory_space<vmem>>
    %dma_wait3A_294 = arith.constant 320 : i32
    %dma_wait3A_295 = tpu.memref_slice %arg5[%dma_wait3A_294] : memref<512xi32, #tpu.memory_space<vmem>> -> memref<64xi32, #tpu.memory_space<vmem>>
    %dma_wait3A_296 = arith.constant 0 : i32
    %dma_wait3A_297 = arith.constant 0 : i32
    %dma_wait3A_298 = tpu.memref_slice %arg2[%dma_wait3A_296, %dma_wait3A_297] : memref<32000x512xf32, #tpu.memory_space<hbm>> -> memref<32000x512xf32, #tpu.memory_space<hbm>>
    tpu.wait_indirect_dma semaphore(%arg7 : memref<!tpu.dma_semaphore, #tpu.memory_space<semaphore_mem>>) src(%dma_wait3A_298 : memref<32000x512xf32, #tpu.memory_space<hbm>>) dst(%dma_wait3A_293 : memref<64x512xf32, #tpu.memory_space<vmem>>)
    %dma_wait3A_299 = arith.constant 1 : i32
    %dma_wait3A_300 = arith.constant 0 : i32
    %dma_wait3A_301 = arith.constant 0 : i32
    %dma_wait3A_302 = tpu.memref_slice %arg6[%dma_wait3A_299, %dma_wait3A_300, %dma_wait3A_301] : memref<3x64x512xf32, #tpu.memory_space<vmem>> -> memref<1x64x512xf32, #tpu.memory_space<vmem>>
    %dma_wait3A_303 = tpu.memref_squeeze %dma_wait3A_302 : memref<1x64x512xf32, #tpu.memory_space<vmem>> -> memref<64x512xf32, #tpu.memory_space<vmem>>
    %dma_wait3A_304 = arith.constant 0 : i32
    %dma_wait3A_305 = tpu.memref_slice %arg4[%add3A_275, %dma_wait3A_304] : memref<16384x512xf32, #tpu.memory_space<hbm>> -> memref<64x512xf32, #tpu.memory_space<hbm>>
    %dma_wait3A_306 = arith.constant 0 : i32
    %dma_wait3A_307 = tpu.memref_slice %arg4[%add3A_275, %dma_wait3A_306] : memref<16384x512xf32, #tpu.memory_space<hbm>> -> memref<64x512xf32, #tpu.memory_space<hbm>>
    %dma_wait3A_308 = arith.constant 0 : i32
    %dma_wait3A_309 = arith.constant 0 : i32
    %dma_wait3A_310 = tpu.memref_slice %arg6[%dma_wait3A_299, %dma_wait3A_308, %dma_wait3A_309] : memref<3x64x512xf32, #tpu.memory_space<vmem>> -> memref<1x64x512xf32, #tpu.memory_space<vmem>>
    %dma_wait3A_311 = tpu.memref_squeeze %dma_wait3A_310 : memref<1x64x512xf32, #tpu.memory_space<vmem>> -> memref<64x512xf32, #tpu.memory_space<vmem>>
    tpu.wait_dma2 semaphore(%arg8 : memref<!tpu.dma_semaphore, #tpu.memory_space<semaphore_mem>>) src(%dma_wait3A_311 : memref<64x512xf32, #tpu.memory_space<vmem>>) dst(%dma_wait3A_307 : memref<64x512xf32, #tpu.memory_space<hbm>>)
    %dma_start3A_312 = arith.constant 1 : i32
    %dma_start3A_313 = arith.constant 0 : i32
    %dma_start3A_314 = arith.constant 0 : i32
    %dma_start3A_315 = tpu.memref_slice %arg6[%dma_start3A_312, %dma_start3A_313, %dma_start3A_314] : memref<3x64x512xf32, #tpu.memory_space<vmem>> -> memref<1x64x512xf32, #tpu.memory_space<vmem>>
    %dma_start3A_316 = tpu.memref_squeeze %dma_start3A_315 : memref<1x64x512xf32, #tpu.memory_space<vmem>> -> memref<64x512xf32, #tpu.memory_space<vmem>>
    %dma_start3A_317 = arith.constant 448 : i32
    %dma_start3A_318 = tpu.memref_slice %arg5[%dma_start3A_317] : memref<512xi32, #tpu.memory_space<vmem>> -> memref<64xi32, #tpu.memory_space<vmem>>
    %dma_start3A_319 = arith.constant 0 : i32
    %dma_start3A_320 = arith.constant 0 : i32
    %dma_start3A_321 = tpu.memref_slice %arg2[%dma_start3A_319, %dma_start3A_320] : memref<32000x512xf32, #tpu.memory_space<hbm>> -> memref<32000x512xf32, #tpu.memory_space<hbm>>
    tpu.enqueue_indirect_dma source(%dma_start3A_321 : memref<32000x512xf32, #tpu.memory_space<hbm>>) target(%dma_start3A_316 : memref<64x512xf32, #tpu.memory_space<vmem>>) offsets(%dma_start3A_318 : memref<64xi32, #tpu.memory_space<vmem>>) semaphore(%arg7 : memref<!tpu.dma_semaphore, #tpu.memory_space<semaphore_mem>>)
    %add3A_322 = arith.constant 320 : i32
    %add3A_323 = arith.addi %mul3A_2, %add3A_322 : i32
    %dma_start3A_324 = arith.constant 2 : i32
    %dma_start3A_325 = arith.constant 0 : i32
    %dma_start3A_326 = arith.constant 0 : i32
    %dma_start3A_327 = tpu.memref_slice %arg6[%dma_start3A_324, %dma_start3A_325, %dma_start3A_326] : memref<3x64x512xf32, #tpu.memory_space<vmem>> -> memref<1x64x512xf32, #tpu.memory_space<vmem>>
    %dma_start3A_328 = tpu.memref_squeeze %dma_start3A_327 : memref<1x64x512xf32, #tpu.memory_space<vmem>> -> memref<64x512xf32, #tpu.memory_space<vmem>>
    %dma_start3A_329 = arith.constant 0 : i32
    %dma_start3A_330 = tpu.memref_slice %arg4[%add3A_323, %dma_start3A_329] : memref<16384x512xf32, #tpu.memory_space<hbm>> -> memref<64x512xf32, #tpu.memory_space<hbm>>
    %dma_start3A_331 = arith.constant 0 : i32
    %dma_start3A_332 = tpu.memref_slice %arg4[%add3A_323, %dma_start3A_331] : memref<16384x512xf32, #tpu.memory_space<hbm>> -> memref<64x512xf32, #tpu.memory_space<hbm>>
    %dma_start3A_333 = arith.constant 0 : i32
    %dma_start3A_334 = arith.constant 0 : i32
    %dma_start3A_335 = tpu.memref_slice %arg6[%dma_start3A_324, %dma_start3A_333, %dma_start3A_334] : memref<3x64x512xf32, #tpu.memory_space<vmem>> -> memref<1x64x512xf32, #tpu.memory_space<vmem>>
    %dma_start3A_336 = tpu.memref_squeeze %dma_start3A_335 : memref<1x64x512xf32, #tpu.memory_space<vmem>> -> memref<64x512xf32, #tpu.memory_space<vmem>>
    tpu.enqueue_dma source(%dma_start3A_336 : memref<64x512xf32, #tpu.memory_space<vmem>>) target(%dma_start3A_332 : memref<64x512xf32, #tpu.memory_space<hbm>>) target_semaphore(%arg8 : memref<!tpu.dma_semaphore, #tpu.memory_space<semaphore_mem>>)
    %dma_wait3A_337 = arith.constant 0 : i32
    %dma_wait3A_338 = arith.constant 0 : i32
    %dma_wait3A_339 = arith.constant 0 : i32
    %dma_wait3A_340 = tpu.memref_slice %arg6[%dma_wait3A_337, %dma_wait3A_338, %dma_wait3A_339] : memref<3x64x512xf32, #tpu.memory_space<vmem>> -> memref<1x64x512xf32, #tpu.memory_space<vmem>>
    %dma_wait3A_341 = tpu.memref_squeeze %dma_wait3A_340 : memref<1x64x512xf32, #tpu.memory_space<vmem>> -> memref<64x512xf32, #tpu.memory_space<vmem>>
    %dma_wait3A_342 = arith.constant 384 : i32
    %dma_wait3A_343 = tpu.memref_slice %arg5[%dma_wait3A_342] : memref<512xi32, #tpu.memory_space<vmem>> -> memref<64xi32, #tpu.memory_space<vmem>>
    %dma_wait3A_344 = arith.constant 0 : i32
    %dma_wait3A_345 = arith.constant 0 : i32
    %dma_wait3A_346 = tpu.memref_slice %arg2[%dma_wait3A_344, %dma_wait3A_345] : memref<32000x512xf32, #tpu.memory_space<hbm>> -> memref<32000x512xf32, #tpu.memory_space<hbm>>
    tpu.wait_indirect_dma semaphore(%arg7 : memref<!tpu.dma_semaphore, #tpu.memory_space<semaphore_mem>>) src(%dma_wait3A_346 : memref<32000x512xf32, #tpu.memory_space<hbm>>) dst(%dma_wait3A_341 : memref<64x512xf32, #tpu.memory_space<vmem>>)
    %add3A_347 = arith.constant 384 : i32
    %add3A_348 = arith.addi %mul3A_2, %add3A_347 : i32
    %dma_start3A_349 = arith.constant 0 : i32
    %dma_start3A_350 = arith.constant 0 : i32
    %dma_start3A_351 = arith.constant 0 : i32
    %dma_start3A_352 = tpu.memref_slice %arg6[%dma_start3A_349, %dma_start3A_350, %dma_start3A_351] : memref<3x64x512xf32, #tpu.memory_space<vmem>> -> memref<1x64x512xf32, #tpu.memory_space<vmem>>
    %dma_start3A_353 = tpu.memref_squeeze %dma_start3A_352 : memref<1x64x512xf32, #tpu.memory_space<vmem>> -> memref<64x512xf32, #tpu.memory_space<vmem>>
    %dma_start3A_354 = arith.constant 0 : i32
    %dma_start3A_355 = tpu.memref_slice %arg4[%add3A_348, %dma_start3A_354] : memref<16384x512xf32, #tpu.memory_space<hbm>> -> memref<64x512xf32, #tpu.memory_space<hbm>>
    %dma_start3A_356 = arith.constant 0 : i32
    %dma_start3A_357 = tpu.memref_slice %arg4[%add3A_348, %dma_start3A_356] : memref<16384x512xf32, #tpu.memory_space<hbm>> -> memref<64x512xf32, #tpu.memory_space<hbm>>
    %dma_start3A_358 = arith.constant 0 : i32
    %dma_start3A_359 = arith.constant 0 : i32
    %dma_start3A_360 = tpu.memref_slice %arg6[%dma_start3A_349, %dma_start3A_358, %dma_start3A_359] : memref<3x64x512xf32, #tpu.memory_space<vmem>> -> memref<1x64x512xf32, #tpu.memory_space<vmem>>
    %dma_start3A_361 = tpu.memref_squeeze %dma_start3A_360 : memref<1x64x512xf32, #tpu.memory_space<vmem>> -> memref<64x512xf32, #tpu.memory_space<vmem>>
    tpu.enqueue_dma source(%dma_start3A_361 : memref<64x512xf32, #tpu.memory_space<vmem>>) target(%dma_start3A_357 : memref<64x512xf32, #tpu.memory_space<hbm>>) target_semaphore(%arg8 : memref<!tpu.dma_semaphore, #tpu.memory_space<semaphore_mem>>)
    %dma_wait3A_362 = arith.constant 1 : i32
    %dma_wait3A_363 = arith.constant 0 : i32
    %dma_wait3A_364 = arith.constant 0 : i32
    %dma_wait3A_365 = tpu.memref_slice %arg6[%dma_wait3A_362, %dma_wait3A_363, %dma_wait3A_364] : memref<3x64x512xf32, #tpu.memory_space<vmem>> -> memref<1x64x512xf32, #tpu.memory_space<vmem>>
    %dma_wait3A_366 = tpu.memref_squeeze %dma_wait3A_365 : memref<1x64x512xf32, #tpu.memory_space<vmem>> -> memref<64x512xf32, #tpu.memory_space<vmem>>
    %dma_wait3A_367 = arith.constant 448 : i32
    %dma_wait3A_368 = tpu.memref_slice %arg5[%dma_wait3A_367] : memref<512xi32, #tpu.memory_space<vmem>> -> memref<64xi32, #tpu.memory_space<vmem>>
    %dma_wait3A_369 = arith.constant 0 : i32
    %dma_wait3A_370 = arith.constant 0 : i32
    %dma_wait3A_371 = tpu.memref_slice %arg2[%dma_wait3A_369, %dma_wait3A_370] : memref<32000x512xf32, #tpu.memory_space<hbm>> -> memref<32000x512xf32, #tpu.memory_space<hbm>>
    tpu.wait_indirect_dma semaphore(%arg7 : memref<!tpu.dma_semaphore, #tpu.memory_space<semaphore_mem>>) src(%dma_wait3A_371 : memref<32000x512xf32, #tpu.memory_space<hbm>>) dst(%dma_wait3A_366 : memref<64x512xf32, #tpu.memory_space<vmem>>)
    %add3A_372 = arith.constant 448 : i32
    %add3A_373 = arith.addi %mul3A_2, %add3A_372 : i32
    %dma_start3A_374 = arith.constant 1 : i32
    %dma_start3A_375 = arith.constant 0 : i32
    %dma_start3A_376 = arith.constant 0 : i32
    %dma_start3A_377 = tpu.memref_slice %arg6[%dma_start3A_374, %dma_start3A_375, %dma_start3A_376] : memref<3x64x512xf32, #tpu.memory_space<vmem>> -> memref<1x64x512xf32, #tpu.memory_space<vmem>>
    %dma_start3A_378 = tpu.memref_squeeze %dma_start3A_377 : memref<1x64x512xf32, #tpu.memory_space<vmem>> -> memref<64x512xf32, #tpu.memory_space<vmem>>
    %dma_start3A_379 = arith.constant 0 : i32
    %dma_start3A_380 = tpu.memref_slice %arg4[%add3A_373, %dma_start3A_379] : memref<16384x512xf32, #tpu.memory_space<hbm>> -> memref<64x512xf32, #tpu.memory_space<hbm>>
    %dma_start3A_381 = arith.constant 0 : i32
    %dma_start3A_382 = tpu.memref_slice %arg4[%add3A_373, %dma_start3A_381] : memref<16384x512xf32, #tpu.memory_space<hbm>> -> memref<64x512xf32, #tpu.memory_space<hbm>>
    %dma_start3A_383 = arith.constant 0 : i32
    %dma_start3A_384 = arith.constant 0 : i32
    %dma_start3A_385 = tpu.memref_slice %arg6[%dma_start3A_374, %dma_start3A_383, %dma_start3A_384] : memref<3x64x512xf32, #tpu.memory_space<vmem>> -> memref<1x64x512xf32, #tpu.memory_space<vmem>>
    %dma_start3A_386 = tpu.memref_squeeze %dma_start3A_385 : memref<1x64x512xf32, #tpu.memory_space<vmem>> -> memref<64x512xf32, #tpu.memory_space<vmem>>
    tpu.enqueue_dma source(%dma_start3A_386 : memref<64x512xf32, #tpu.memory_space<vmem>>) target(%dma_start3A_382 : memref<64x512xf32, #tpu.memory_space<hbm>>) target_semaphore(%arg8 : memref<!tpu.dma_semaphore, #tpu.memory_space<semaphore_mem>>)
    %dma_wait3A_387 = arith.constant 2 : i32
    %dma_wait3A_388 = arith.constant 0 : i32
    %dma_wait3A_389 = arith.constant 0 : i32
    %dma_wait3A_390 = tpu.memref_slice %arg6[%dma_wait3A_387, %dma_wait3A_388, %dma_wait3A_389] : memref<3x64x512xf32, #tpu.memory_space<vmem>> -> memref<1x64x512xf32, #tpu.memory_space<vmem>>
    %dma_wait3A_391 = tpu.memref_squeeze %dma_wait3A_390 : memref<1x64x512xf32, #tpu.memory_space<vmem>> -> memref<64x512xf32, #tpu.memory_space<vmem>>
    %dma_wait3A_392 = arith.constant 0 : i32
    %dma_wait3A_393 = tpu.memref_slice %arg4[%add3A_323, %dma_wait3A_392] : memref<16384x512xf32, #tpu.memory_space<hbm>> -> memref<64x512xf32, #tpu.memory_space<hbm>>
    %dma_wait3A_394 = arith.constant 0 : i32
    %dma_wait3A_395 = tpu.memref_slice %arg4[%add3A_323, %dma_wait3A_394] : memref<16384x512xf32, #tpu.memory_space<hbm>> -> memref<64x512xf32, #tpu.memory_space<hbm>>
    %dma_wait3A_396 = arith.constant 0 : i32
    %dma_wait3A_397 = arith.constant 0 : i32
    %dma_wait3A_398 = tpu.memref_slice %arg6[%dma_wait3A_387, %dma_wait3A_396, %dma_wait3A_397] : memref<3x64x512xf32, #tpu.memory_space<vmem>> -> memref<1x64x512xf32, #tpu.memory_space<vmem>>
    %dma_wait3A_399 = tpu.memref_squeeze %dma_wait3A_398 : memref<1x64x512xf32, #tpu.memory_space<vmem>> -> memref<64x512xf32, #tpu.memory_space<vmem>>
    tpu.wait_dma2 semaphore(%arg8 : memref<!tpu.dma_semaphore, #tpu.memory_space<semaphore_mem>>) src(%dma_wait3A_399 : memref<64x512xf32, #tpu.memory_space<vmem>>) dst(%dma_wait3A_395 : memref<64x512xf32, #tpu.memory_space<hbm>>)
    %dma_wait3A_400 = arith.constant 0 : i32
    %dma_wait3A_401 = arith.constant 0 : i32
    %dma_wait3A_402 = arith.constant 0 : i32
    %dma_wait3A_403 = tpu.memref_slice %arg6[%dma_wait3A_400, %dma_wait3A_401, %dma_wait3A_402] : memref<3x64x512xf32, #tpu.memory_space<vmem>> -> memref<1x64x512xf32, #tpu.memory_space<vmem>>
    %dma_wait3A_404 = tpu.memref_squeeze %dma_wait3A_403 : memref<1x64x512xf32, #tpu.memory_space<vmem>> -> memref<64x512xf32, #tpu.memory_space<vmem>>
    %dma_wait3A_405 = arith.constant 0 : i32
    %dma_wait3A_406 = tpu.memref_slice %arg4[%add3A_348, %dma_wait3A_405] : memref<16384x512xf32, #tpu.memory_space<hbm>> -> memref<64x512xf32, #tpu.memory_space<hbm>>
    %dma_wait3A_407 = arith.constant 0 : i32
    %dma_wait3A_408 = tpu.memref_slice %arg4[%add3A_348, %dma_wait3A_407] : memref<16384x512xf32, #tpu.memory_space<hbm>> -> memref<64x512xf32, #tpu.memory_space<hbm>>
    %dma_wait3A_409 = arith.constant 0 : i32
    %dma_wait3A_410 = arith.constant 0 : i32
    %dma_wait3A_411 = tpu.memref_slice %arg6[%dma_wait3A_400, %dma_wait3A_409, %dma_wait3A_410] : memref<3x64x512xf32, #tpu.memory_space<vmem>> -> memref<1x64x512xf32, #tpu.memory_space<vmem>>
    %dma_wait3A_412 = tpu.memref_squeeze %dma_wait3A_411 : memref<1x64x512xf32, #tpu.memory_space<vmem>> -> memref<64x512xf32, #tpu.memory_space<vmem>>
    tpu.wait_dma2 semaphore(%arg8 : memref<!tpu.dma_semaphore, #tpu.memory_space<semaphore_mem>>) src(%dma_wait3A_412 : memref<64x512xf32, #tpu.memory_space<vmem>>) dst(%dma_wait3A_408 : memref<64x512xf32, #tpu.memory_space<hbm>>)
    %dma_wait3A_413 = arith.constant 1 : i32
    %dma_wait3A_414 = arith.constant 0 : i32
    %dma_wait3A_415 = arith.constant 0 : i32
    %dma_wait3A_416 = tpu.memref_slice %arg6[%dma_wait3A_413, %dma_wait3A_414, %dma_wait3A_415] : memref<3x64x512xf32, #tpu.memory_space<vmem>> -> memref<1x64x512xf32, #tpu.memory_space<vmem>>
    %dma_wait3A_417 = tpu.memref_squeeze %dma_wait3A_416 : memref<1x64x512xf32, #tpu.memory_space<vmem>> -> memref<64x512xf32, #tpu.memory_space<vmem>>
    %dma_wait3A_418 = arith.constant 0 : i32
    %dma_wait3A_419 = tpu.memref_slice %arg4[%add3A_373, %dma_wait3A_418] : memref<16384x512xf32, #tpu.memory_space<hbm>> -> memref<64x512xf32, #tpu.memory_space<hbm>>
    %dma_wait3A_420 = arith.constant 0 : i32
    %dma_wait3A_421 = tpu.memref_slice %arg4[%add3A_373, %dma_wait3A_420] : memref<16384x512xf32, #tpu.memory_space<hbm>> -> memref<64x512xf32, #tpu.memory_space<hbm>>
    %dma_wait3A_422 = arith.constant 0 : i32
    %dma_wait3A_423 = arith.constant 0 : i32
    %dma_wait3A_424 = tpu.memref_slice %arg6[%dma_wait3A_413, %dma_wait3A_422, %dma_wait3A_423] : memref<3x64x512xf32, #tpu.memory_space<vmem>> -> memref<1x64x512xf32, #tpu.memory_space<vmem>>
    %dma_wait3A_425 = tpu.memref_squeeze %dma_wait3A_424 : memref<1x64x512xf32, #tpu.memory_space<vmem>> -> memref<64x512xf32, #tpu.memory_space<vmem>>
    tpu.wait_dma2 semaphore(%arg8 : memref<!tpu.dma_semaphore, #tpu.memory_space<semaphore_mem>>) src(%dma_wait3A_425 : memref<64x512xf32, #tpu.memory_space<vmem>>) dst(%dma_wait3A_421 : memref<64x512xf32, #tpu.memory_space<hbm>>)
    return
  }
}

#map = affine_map<(d0, d1) -> (0, 0)>
#map1 = affine_map<(d0, d1) -> (0)>
module attributes {stable_mosaic.version = 14 : i64} {
  func.func @gather_k(%arg0: i32, %arg1: i32, %arg2: memref<32000x512xf32, #tpu.memory_space<hbm>>, %arg3: memref<131072xi32, #tpu.memory_space<hbm>>, %arg4: memref<16384x512xf32, #tpu.memory_space<hbm>>, %arg5: memref<512xi32, #tpu.memory_space<vmem>>, %arg6: memref<3x64x512xf32, #tpu.memory_space<vmem>>, %arg7: memref<!tpu.dma_semaphore, #tpu.memory_space<semaphore_mem>>, %arg8: memref<!tpu.dma_semaphore, #tpu.memory_space<semaphore_mem>>) attributes {dimension_semantics = [#tpu.dimension_semantics<core_parallel>, #tpu.dimension_semantics<subcore_parallel>], iteration_bounds = array<i64: 2, 16>, scalar_prefetch = 0 : i64, scratch_operands = 4 : i64, tpu.core_type = #tpu.core_type<sc_vector_subcore>, window_params = [{transform_indices = #map}, {transform_indices = #map1}, {transform_indices = #map}]} {
    %mul3A = arith.constant 2 : i32
    %mul3A_0 = arith.muli %arg1, %mul3A : i32
    %add3A = arith.addi %mul3A_0, %arg0 : i32
    %mul3A_1 = arith.constant 512 : i32
    %mul3A_2 = arith.muli %add3A, %mul3A_1 : i32
    %jit3A = arith.constant 8 : i32
    %div3A = arith.divsi %add3A, %jit3A : i32
    %sign3A = arith.constant 0 : i32
    %sign3A_3 = arith.cmpi sgt, %add3A, %sign3A : i32
    %sign3A_4 = arith.extui %sign3A_3 : i1 to i32
    %sign3A_5 = arith.constant 0 : i32
    %sign3A_6 = arith.cmpi slt, %add3A, %sign3A_5 : i32
    %sign3A_7 = arith.extui %sign3A_6 : i1 to i32
    %sign3A_8 = arith.subi %sign3A_4, %sign3A_7 : i32
    %sign3A_9 = arith.constant 0 : i32
    %sign3A_10 = arith.cmpi sgt, %jit3A, %sign3A_9 : i32
    %sign3A_11 = arith.extui %sign3A_10 : i1 to i32
    %sign3A_12 = arith.constant 0 : i32
    %sign3A_13 = arith.cmpi slt, %jit3A, %sign3A_12 : i32
    %sign3A_14 = arith.extui %sign3A_13 : i1 to i32
    %sign3A_15 = arith.subi %sign3A_11, %sign3A_14 : i32
    %ne3A = arith.cmpi ne, %sign3A_8, %sign3A_15 : i32
    %rem3A = arith.remsi %add3A, %jit3A : i32
    %ne3A_16 = arith.constant 0 : i32
    %ne3A_17 = arith.cmpi ne, %rem3A, %ne3A_16 : i32
    %and3A = arith.andi %ne3A, %ne3A_17 : i1
    %sub3A = arith.constant 1 : i32
    %sub3A_18 = arith.subi %div3A, %sub3A : i32
    %select_n3A = arith.select %and3A, %sub3A_18, %div3A : i32
    %add3A_19 = arith.constant 4 : i32
    %add3A_20 = arith.addi %add3A_19, %select_n3A : i32
    %mul3A_21 = arith.constant 4 : i32
    %mul3A_22 = arith.muli %add3A_20, %mul3A_21 : i32
    %add3A_23 = arith.constant 3 : i32
    %add3A_24 = arith.addi %mul3A_22, %add3A_23 : i32
    %mul3A_25 = arith.constant 4096 : i32
    %mul3A_26 = arith.muli %add3A_24, %mul3A_25 : i32
    %jit3A_27 = arith.constant 8 : i32
    %eq3A = arith.constant 0 : i32
    %eq3A_28 = arith.cmpi eq, %jit3A_27, %eq3A : i32
    %jit3A_29 = arith.constant 1 : i32
    %select_n3A_30 = arith.select %eq3A_28, %jit3A_29, %jit3A_27 : i32
    %rem3A_31 = arith.remsi %add3A, %select_n3A_30 : i32
    %ne3A_32 = arith.constant 0 : i32
    %ne3A_33 = arith.cmpi ne, %rem3A_31, %ne3A_32 : i32
    %lt3A = arith.constant 0 : i32
    %lt3A_34 = arith.cmpi slt, %rem3A_31, %lt3A : i32
    %lt3A_35 = arith.constant 0 : i32
    %lt3A_36 = arith.cmpi slt, %select_n3A_30, %lt3A_35 : i32
    %ne3A_37 = arith.xori %lt3A_34, %lt3A_36 : i1
    %and3A_38 = arith.andi %ne3A_37, %ne3A_33 : i1
    %add3A_39 = arith.addi %rem3A_31, %select_n3A_30 : i32
    %select_n3A_40 = arith.select %and3A_38, %add3A_39, %rem3A_31 : i32
    %mul3A_41 = arith.constant 512 : i32
    %mul3A_42 = arith.muli %select_n3A_40, %mul3A_41 : i32
    %add3A_43 = arith.addi %mul3A_26, %mul3A_42 : i32
    "tpu.region"() ({
      %run_scoped3A = tpu.sem_alloc : memref<!tpu.dma_semaphore, #tpu.memory_space<semaphore_mem>>
      %dma_start3A_426 = tpu.memref_slice %arg3[%add3A_43] : memref<131072xi32, #tpu.memory_space<hbm>> -> memref<512xi32, #tpu.memory_space<hbm>>
      %dma_start3A_427 = tpu.memref_slice %arg3[%add3A_43] : memref<131072xi32, #tpu.memory_space<hbm>> -> memref<512xi32, #tpu.memory_space<hbm>>
      tpu.enqueue_dma source(%dma_start3A_427 : memref<512xi32, #tpu.memory_space<hbm>>) target(%arg5 : memref<512xi32, #tpu.memory_space<vmem>>) target_semaphore(%run_scoped3A : memref<!tpu.dma_semaphore, #tpu.memory_space<semaphore_mem>>)
      %dma_wait3A_428 = tpu.memref_slice %arg3[%add3A_43] : memref<131072xi32, #tpu.memory_space<hbm>> -> memref<512xi32, #tpu.memory_space<hbm>>
      %dma_wait3A_429 = tpu.memref_slice %arg3[%add3A_43] : memref<131072xi32, #tpu.memory_space<hbm>> -> memref<512xi32, #tpu.memory_space<hbm>>
      tpu.wait_dma2 semaphore(%run_scoped3A : memref<!tpu.dma_semaphore, #tpu.memory_space<semaphore_mem>>) src(%dma_wait3A_429 : memref<512xi32, #tpu.memory_space<hbm>>) dst(%arg5 : memref<512xi32, #tpu.memory_space<vmem>>)
      tpu.yield
    }) : () -> ()
    %dma_start3A = arith.constant 0 : i32
    %dma_start3A_44 = arith.constant 0 : i32
    %dma_start3A_45 = arith.constant 0 : i32
    %dma_start3A_46 = tpu.memref_slice %arg6[%dma_start3A, %dma_start3A_44, %dma_start3A_45] : memref<3x64x512xf32, #tpu.memory_space<vmem>> -> memref<1x64x512xf32, #tpu.memory_space<vmem>>
    %dma_start3A_47 = tpu.memref_squeeze %dma_start3A_46 : memref<1x64x512xf32, #tpu.memory_space<vmem>> -> memref<64x512xf32, #tpu.memory_space<vmem>>
    %dma_start3A_48 = arith.constant 0 : i32
    %dma_start3A_49 = tpu.memref_slice %arg5[%dma_start3A_48] : memref<512xi32, #tpu.memory_space<vmem>> -> memref<64xi32, #tpu.memory_space<vmem>>
    %dma_start3A_50 = arith.constant 0 : i32
    %dma_start3A_51 = arith.constant 0 : i32
    %dma_start3A_52 = tpu.memref_slice %arg2[%dma_start3A_50, %dma_start3A_51] : memref<32000x512xf32, #tpu.memory_space<hbm>> -> memref<32000x512xf32, #tpu.memory_space<hbm>>
    tpu.enqueue_indirect_dma source(%dma_start3A_52 : memref<32000x512xf32, #tpu.memory_space<hbm>>) target(%dma_start3A_47 : memref<64x512xf32, #tpu.memory_space<vmem>>) offsets(%dma_start3A_49 : memref<64xi32, #tpu.memory_space<vmem>>) semaphore(%arg7 : memref<!tpu.dma_semaphore, #tpu.memory_space<semaphore_mem>>)
    %dma_start3A_53 = arith.constant 1 : i32
    %dma_start3A_54 = arith.constant 0 : i32
    %dma_start3A_55 = arith.constant 0 : i32
    %dma_start3A_56 = tpu.memref_slice %arg6[%dma_start3A_53, %dma_start3A_54, %dma_start3A_55] : memref<3x64x512xf32, #tpu.memory_space<vmem>> -> memref<1x64x512xf32, #tpu.memory_space<vmem>>
    %dma_start3A_57 = tpu.memref_squeeze %dma_start3A_56 : memref<1x64x512xf32, #tpu.memory_space<vmem>> -> memref<64x512xf32, #tpu.memory_space<vmem>>
    %dma_start3A_58 = arith.constant 64 : i32
    %dma_start3A_59 = tpu.memref_slice %arg5[%dma_start3A_58] : memref<512xi32, #tpu.memory_space<vmem>> -> memref<64xi32, #tpu.memory_space<vmem>>
    %dma_start3A_60 = arith.constant 0 : i32
    %dma_start3A_61 = arith.constant 0 : i32
    %dma_start3A_62 = tpu.memref_slice %arg2[%dma_start3A_60, %dma_start3A_61] : memref<32000x512xf32, #tpu.memory_space<hbm>> -> memref<32000x512xf32, #tpu.memory_space<hbm>>
    tpu.enqueue_indirect_dma source(%dma_start3A_62 : memref<32000x512xf32, #tpu.memory_space<hbm>>) target(%dma_start3A_57 : memref<64x512xf32, #tpu.memory_space<vmem>>) offsets(%dma_start3A_59 : memref<64xi32, #tpu.memory_space<vmem>>) semaphore(%arg7 : memref<!tpu.dma_semaphore, #tpu.memory_space<semaphore_mem>>)
    %dma_wait3A = arith.constant 0 : i32
    %dma_wait3A_63 = arith.constant 0 : i32
    %dma_wait3A_64 = arith.constant 0 : i32
    %dma_wait3A_65 = tpu.memref_slice %arg6[%dma_wait3A, %dma_wait3A_63, %dma_wait3A_64] : memref<3x64x512xf32, #tpu.memory_space<vmem>> -> memref<1x64x512xf32, #tpu.memory_space<vmem>>
    %dma_wait3A_66 = tpu.memref_squeeze %dma_wait3A_65 : memref<1x64x512xf32, #tpu.memory_space<vmem>> -> memref<64x512xf32, #tpu.memory_space<vmem>>
    %dma_wait3A_67 = arith.constant 0 : i32
    %dma_wait3A_68 = tpu.memref_slice %arg5[%dma_wait3A_67] : memref<512xi32, #tpu.memory_space<vmem>> -> memref<64xi32, #tpu.memory_space<vmem>>
    %dma_wait3A_69 = arith.constant 0 : i32
    %dma_wait3A_70 = arith.constant 0 : i32
    %dma_wait3A_71 = tpu.memref_slice %arg2[%dma_wait3A_69, %dma_wait3A_70] : memref<32000x512xf32, #tpu.memory_space<hbm>> -> memref<32000x512xf32, #tpu.memory_space<hbm>>
    tpu.wait_indirect_dma semaphore(%arg7 : memref<!tpu.dma_semaphore, #tpu.memory_space<semaphore_mem>>) src(%dma_wait3A_71 : memref<32000x512xf32, #tpu.memory_space<hbm>>) dst(%dma_wait3A_66 : memref<64x512xf32, #tpu.memory_space<vmem>>)
    %dma_start3A_72 = arith.constant 2 : i32
    %dma_start3A_73 = arith.constant 0 : i32
    %dma_start3A_74 = arith.constant 0 : i32
    %dma_start3A_75 = tpu.memref_slice %arg6[%dma_start3A_72, %dma_start3A_73, %dma_start3A_74] : memref<3x64x512xf32, #tpu.memory_space<vmem>> -> memref<1x64x512xf32, #tpu.memory_space<vmem>>
    %dma_start3A_76 = tpu.memref_squeeze %dma_start3A_75 : memref<1x64x512xf32, #tpu.memory_space<vmem>> -> memref<64x512xf32, #tpu.memory_space<vmem>>
    %dma_start3A_77 = arith.constant 128 : i32
    %dma_start3A_78 = tpu.memref_slice %arg5[%dma_start3A_77] : memref<512xi32, #tpu.memory_space<vmem>> -> memref<64xi32, #tpu.memory_space<vmem>>
    %dma_start3A_79 = arith.constant 0 : i32
    %dma_start3A_80 = arith.constant 0 : i32
    %dma_start3A_81 = tpu.memref_slice %arg2[%dma_start3A_79, %dma_start3A_80] : memref<32000x512xf32, #tpu.memory_space<hbm>> -> memref<32000x512xf32, #tpu.memory_space<hbm>>
    tpu.enqueue_indirect_dma source(%dma_start3A_81 : memref<32000x512xf32, #tpu.memory_space<hbm>>) target(%dma_start3A_76 : memref<64x512xf32, #tpu.memory_space<vmem>>) offsets(%dma_start3A_78 : memref<64xi32, #tpu.memory_space<vmem>>) semaphore(%arg7 : memref<!tpu.dma_semaphore, #tpu.memory_space<semaphore_mem>>)
    %add3A_82 = arith.constant 0 : i32
    %add3A_83 = arith.addi %mul3A_2, %add3A_82 : i32
    %dma_start3A_84 = arith.constant 0 : i32
    %dma_start3A_85 = arith.constant 0 : i32
    %dma_start3A_86 = arith.constant 0 : i32
    %dma_start3A_87 = tpu.memref_slice %arg6[%dma_start3A_84, %dma_start3A_85, %dma_start3A_86] : memref<3x64x512xf32, #tpu.memory_space<vmem>> -> memref<1x64x512xf32, #tpu.memory_space<vmem>>
    %dma_start3A_88 = tpu.memref_squeeze %dma_start3A_87 : memref<1x64x512xf32, #tpu.memory_space<vmem>> -> memref<64x512xf32, #tpu.memory_space<vmem>>
    %dma_start3A_89 = arith.constant 0 : i32
    %dma_start3A_90 = tpu.memref_slice %arg4[%add3A_83, %dma_start3A_89] : memref<16384x512xf32, #tpu.memory_space<hbm>> -> memref<64x512xf32, #tpu.memory_space<hbm>>
    %dma_start3A_91 = arith.constant 0 : i32
    %dma_start3A_92 = tpu.memref_slice %arg4[%add3A_83, %dma_start3A_91] : memref<16384x512xf32, #tpu.memory_space<hbm>> -> memref<64x512xf32, #tpu.memory_space<hbm>>
    %dma_start3A_93 = arith.constant 0 : i32
    %dma_start3A_94 = arith.constant 0 : i32
    %dma_start3A_95 = tpu.memref_slice %arg6[%dma_start3A_84, %dma_start3A_93, %dma_start3A_94] : memref<3x64x512xf32, #tpu.memory_space<vmem>> -> memref<1x64x512xf32, #tpu.memory_space<vmem>>
    %dma_start3A_96 = tpu.memref_squeeze %dma_start3A_95 : memref<1x64x512xf32, #tpu.memory_space<vmem>> -> memref<64x512xf32, #tpu.memory_space<vmem>>
    tpu.enqueue_dma source(%dma_start3A_96 : memref<64x512xf32, #tpu.memory_space<vmem>>) target(%dma_start3A_92 : memref<64x512xf32, #tpu.memory_space<hbm>>) target_semaphore(%arg8 : memref<!tpu.dma_semaphore, #tpu.memory_space<semaphore_mem>>)
    %dma_wait3A_97 = arith.constant 1 : i32
    %dma_wait3A_98 = arith.constant 0 : i32
    %dma_wait3A_99 = arith.constant 0 : i32
    %dma_wait3A_100 = tpu.memref_slice %arg6[%dma_wait3A_97, %dma_wait3A_98, %dma_wait3A_99] : memref<3x64x512xf32, #tpu.memory_space<vmem>> -> memref<1x64x512xf32, #tpu.memory_space<vmem>>
    %dma_wait3A_101 = tpu.memref_squeeze %dma_wait3A_100 : memref<1x64x512xf32, #tpu.memory_space<vmem>> -> memref<64x512xf32, #tpu.memory_space<vmem>>
    %dma_wait3A_102 = arith.constant 64 : i32
    %dma_wait3A_103 = tpu.memref_slice %arg5[%dma_wait3A_102] : memref<512xi32, #tpu.memory_space<vmem>> -> memref<64xi32, #tpu.memory_space<vmem>>
    %dma_wait3A_104 = arith.constant 0 : i32
    %dma_wait3A_105 = arith.constant 0 : i32
    %dma_wait3A_106 = tpu.memref_slice %arg2[%dma_wait3A_104, %dma_wait3A_105] : memref<32000x512xf32, #tpu.memory_space<hbm>> -> memref<32000x512xf32, #tpu.memory_space<hbm>>
    tpu.wait_indirect_dma semaphore(%arg7 : memref<!tpu.dma_semaphore, #tpu.memory_space<semaphore_mem>>) src(%dma_wait3A_106 : memref<32000x512xf32, #tpu.memory_space<hbm>>) dst(%dma_wait3A_101 : memref<64x512xf32, #tpu.memory_space<vmem>>)
    %dma_wait3A_107 = arith.constant 0 : i32
    %dma_wait3A_108 = arith.constant 0 : i32
    %dma_wait3A_109 = arith.constant 0 : i32
    %dma_wait3A_110 = tpu.memref_slice %arg6[%dma_wait3A_107, %dma_wait3A_108, %dma_wait3A_109] : memref<3x64x512xf32, #tpu.memory_space<vmem>> -> memref<1x64x512xf32, #tpu.memory_space<vmem>>
    %dma_wait3A_111 = tpu.memref_squeeze %dma_wait3A_110 : memref<1x64x512xf32, #tpu.memory_space<vmem>> -> memref<64x512xf32, #tpu.memory_space<vmem>>
    %dma_wait3A_112 = arith.constant 0 : i32
    %dma_wait3A_113 = tpu.memref_slice %arg4[%add3A_83, %dma_wait3A_112] : memref<16384x512xf32, #tpu.memory_space<hbm>> -> memref<64x512xf32, #tpu.memory_space<hbm>>
    %dma_wait3A_114 = arith.constant 0 : i32
    %dma_wait3A_115 = tpu.memref_slice %arg4[%add3A_83, %dma_wait3A_114] : memref<16384x512xf32, #tpu.memory_space<hbm>> -> memref<64x512xf32, #tpu.memory_space<hbm>>
    %dma_wait3A_116 = arith.constant 0 : i32
    %dma_wait3A_117 = arith.constant 0 : i32
    %dma_wait3A_118 = tpu.memref_slice %arg6[%dma_wait3A_107, %dma_wait3A_116, %dma_wait3A_117] : memref<3x64x512xf32, #tpu.memory_space<vmem>> -> memref<1x64x512xf32, #tpu.memory_space<vmem>>
    %dma_wait3A_119 = tpu.memref_squeeze %dma_wait3A_118 : memref<1x64x512xf32, #tpu.memory_space<vmem>> -> memref<64x512xf32, #tpu.memory_space<vmem>>
    tpu.wait_dma2 semaphore(%arg8 : memref<!tpu.dma_semaphore, #tpu.memory_space<semaphore_mem>>) src(%dma_wait3A_119 : memref<64x512xf32, #tpu.memory_space<vmem>>) dst(%dma_wait3A_115 : memref<64x512xf32, #tpu.memory_space<hbm>>)
    %dma_start3A_120 = arith.constant 0 : i32
    %dma_start3A_121 = arith.constant 0 : i32
    %dma_start3A_122 = arith.constant 0 : i32
    %dma_start3A_123 = tpu.memref_slice %arg6[%dma_start3A_120, %dma_start3A_121, %dma_start3A_122] : memref<3x64x512xf32, #tpu.memory_space<vmem>> -> memref<1x64x512xf32, #tpu.memory_space<vmem>>
    %dma_start3A_124 = tpu.memref_squeeze %dma_start3A_123 : memref<1x64x512xf32, #tpu.memory_space<vmem>> -> memref<64x512xf32, #tpu.memory_space<vmem>>
    %dma_start3A_125 = arith.constant 192 : i32
    %dma_start3A_126 = tpu.memref_slice %arg5[%dma_start3A_125] : memref<512xi32, #tpu.memory_space<vmem>> -> memref<64xi32, #tpu.memory_space<vmem>>
    %dma_start3A_127 = arith.constant 0 : i32
    %dma_start3A_128 = arith.constant 0 : i32
    %dma_start3A_129 = tpu.memref_slice %arg2[%dma_start3A_127, %dma_start3A_128] : memref<32000x512xf32, #tpu.memory_space<hbm>> -> memref<32000x512xf32, #tpu.memory_space<hbm>>
    tpu.enqueue_indirect_dma source(%dma_start3A_129 : memref<32000x512xf32, #tpu.memory_space<hbm>>) target(%dma_start3A_124 : memref<64x512xf32, #tpu.memory_space<vmem>>) offsets(%dma_start3A_126 : memref<64xi32, #tpu.memory_space<vmem>>) semaphore(%arg7 : memref<!tpu.dma_semaphore, #tpu.memory_space<semaphore_mem>>)
    %add3A_130 = arith.constant 64 : i32
    %add3A_131 = arith.addi %mul3A_2, %add3A_130 : i32
    %dma_start3A_132 = arith.constant 1 : i32
    %dma_start3A_133 = arith.constant 0 : i32
    %dma_start3A_134 = arith.constant 0 : i32
    %dma_start3A_135 = tpu.memref_slice %arg6[%dma_start3A_132, %dma_start3A_133, %dma_start3A_134] : memref<3x64x512xf32, #tpu.memory_space<vmem>> -> memref<1x64x512xf32, #tpu.memory_space<vmem>>
    %dma_start3A_136 = tpu.memref_squeeze %dma_start3A_135 : memref<1x64x512xf32, #tpu.memory_space<vmem>> -> memref<64x512xf32, #tpu.memory_space<vmem>>
    %dma_start3A_137 = arith.constant 0 : i32
    %dma_start3A_138 = tpu.memref_slice %arg4[%add3A_131, %dma_start3A_137] : memref<16384x512xf32, #tpu.memory_space<hbm>> -> memref<64x512xf32, #tpu.memory_space<hbm>>
    %dma_start3A_139 = arith.constant 0 : i32
    %dma_start3A_140 = tpu.memref_slice %arg4[%add3A_131, %dma_start3A_139] : memref<16384x512xf32, #tpu.memory_space<hbm>> -> memref<64x512xf32, #tpu.memory_space<hbm>>
    %dma_start3A_141 = arith.constant 0 : i32
    %dma_start3A_142 = arith.constant 0 : i32
    %dma_start3A_143 = tpu.memref_slice %arg6[%dma_start3A_132, %dma_start3A_141, %dma_start3A_142] : memref<3x64x512xf32, #tpu.memory_space<vmem>> -> memref<1x64x512xf32, #tpu.memory_space<vmem>>
    %dma_start3A_144 = tpu.memref_squeeze %dma_start3A_143 : memref<1x64x512xf32, #tpu.memory_space<vmem>> -> memref<64x512xf32, #tpu.memory_space<vmem>>
    tpu.enqueue_dma source(%dma_start3A_144 : memref<64x512xf32, #tpu.memory_space<vmem>>) target(%dma_start3A_140 : memref<64x512xf32, #tpu.memory_space<hbm>>) target_semaphore(%arg8 : memref<!tpu.dma_semaphore, #tpu.memory_space<semaphore_mem>>)
    %dma_wait3A_145 = arith.constant 2 : i32
    %dma_wait3A_146 = arith.constant 0 : i32
    %dma_wait3A_147 = arith.constant 0 : i32
    %dma_wait3A_148 = tpu.memref_slice %arg6[%dma_wait3A_145, %dma_wait3A_146, %dma_wait3A_147] : memref<3x64x512xf32, #tpu.memory_space<vmem>> -> memref<1x64x512xf32, #tpu.memory_space<vmem>>
    %dma_wait3A_149 = tpu.memref_squeeze %dma_wait3A_148 : memref<1x64x512xf32, #tpu.memory_space<vmem>> -> memref<64x512xf32, #tpu.memory_space<vmem>>
    %dma_wait3A_150 = arith.constant 128 : i32
    %dma_wait3A_151 = tpu.memref_slice %arg5[%dma_wait3A_150] : memref<512xi32, #tpu.memory_space<vmem>> -> memref<64xi32, #tpu.memory_space<vmem>>
    %dma_wait3A_152 = arith.constant 0 : i32
    %dma_wait3A_153 = arith.constant 0 : i32
    %dma_wait3A_154 = tpu.memref_slice %arg2[%dma_wait3A_152, %dma_wait3A_153] : memref<32000x512xf32, #tpu.memory_space<hbm>> -> memref<32000x512xf32, #tpu.memory_space<hbm>>
    tpu.wait_indirect_dma semaphore(%arg7 : memref<!tpu.dma_semaphore, #tpu.memory_space<semaphore_mem>>) src(%dma_wait3A_154 : memref<32000x512xf32, #tpu.memory_space<hbm>>) dst(%dma_wait3A_149 : memref<64x512xf32, #tpu.memory_space<vmem>>)
    %dma_wait3A_155 = arith.constant 1 : i32
    %dma_wait3A_156 = arith.constant 0 : i32
    %dma_wait3A_157 = arith.constant 0 : i32
    %dma_wait3A_158 = tpu.memref_slice %arg6[%dma_wait3A_155, %dma_wait3A_156, %dma_wait3A_157] : memref<3x64x512xf32, #tpu.memory_space<vmem>> -> memref<1x64x512xf32, #tpu.memory_space<vmem>>
    %dma_wait3A_159 = tpu.memref_squeeze %dma_wait3A_158 : memref<1x64x512xf32, #tpu.memory_space<vmem>> -> memref<64x512xf32, #tpu.memory_space<vmem>>
    %dma_wait3A_160 = arith.constant 0 : i32
    %dma_wait3A_161 = tpu.memref_slice %arg4[%add3A_131, %dma_wait3A_160] : memref<16384x512xf32, #tpu.memory_space<hbm>> -> memref<64x512xf32, #tpu.memory_space<hbm>>
    %dma_wait3A_162 = arith.constant 0 : i32
    %dma_wait3A_163 = tpu.memref_slice %arg4[%add3A_131, %dma_wait3A_162] : memref<16384x512xf32, #tpu.memory_space<hbm>> -> memref<64x512xf32, #tpu.memory_space<hbm>>
    %dma_wait3A_164 = arith.constant 0 : i32
    %dma_wait3A_165 = arith.constant 0 : i32
    %dma_wait3A_166 = tpu.memref_slice %arg6[%dma_wait3A_155, %dma_wait3A_164, %dma_wait3A_165] : memref<3x64x512xf32, #tpu.memory_space<vmem>> -> memref<1x64x512xf32, #tpu.memory_space<vmem>>
    %dma_wait3A_167 = tpu.memref_squeeze %dma_wait3A_166 : memref<1x64x512xf32, #tpu.memory_space<vmem>> -> memref<64x512xf32, #tpu.memory_space<vmem>>
    tpu.wait_dma2 semaphore(%arg8 : memref<!tpu.dma_semaphore, #tpu.memory_space<semaphore_mem>>) src(%dma_wait3A_167 : memref<64x512xf32, #tpu.memory_space<vmem>>) dst(%dma_wait3A_163 : memref<64x512xf32, #tpu.memory_space<hbm>>)
    %dma_start3A_168 = arith.constant 1 : i32
    %dma_start3A_169 = arith.constant 0 : i32
    %dma_start3A_170 = arith.constant 0 : i32
    %dma_start3A_171 = tpu.memref_slice %arg6[%dma_start3A_168, %dma_start3A_169, %dma_start3A_170] : memref<3x64x512xf32, #tpu.memory_space<vmem>> -> memref<1x64x512xf32, #tpu.memory_space<vmem>>
    %dma_start3A_172 = tpu.memref_squeeze %dma_start3A_171 : memref<1x64x512xf32, #tpu.memory_space<vmem>> -> memref<64x512xf32, #tpu.memory_space<vmem>>
    %dma_start3A_173 = arith.constant 256 : i32
    %dma_start3A_174 = tpu.memref_slice %arg5[%dma_start3A_173] : memref<512xi32, #tpu.memory_space<vmem>> -> memref<64xi32, #tpu.memory_space<vmem>>
    %dma_start3A_175 = arith.constant 0 : i32
    %dma_start3A_176 = arith.constant 0 : i32
    %dma_start3A_177 = tpu.memref_slice %arg2[%dma_start3A_175, %dma_start3A_176] : memref<32000x512xf32, #tpu.memory_space<hbm>> -> memref<32000x512xf32, #tpu.memory_space<hbm>>
    tpu.enqueue_indirect_dma source(%dma_start3A_177 : memref<32000x512xf32, #tpu.memory_space<hbm>>) target(%dma_start3A_172 : memref<64x512xf32, #tpu.memory_space<vmem>>) offsets(%dma_start3A_174 : memref<64xi32, #tpu.memory_space<vmem>>) semaphore(%arg7 : memref<!tpu.dma_semaphore, #tpu.memory_space<semaphore_mem>>)
    %add3A_178 = arith.constant 128 : i32
    %add3A_179 = arith.addi %mul3A_2, %add3A_178 : i32
    %dma_start3A_180 = arith.constant 2 : i32
    %dma_start3A_181 = arith.constant 0 : i32
    %dma_start3A_182 = arith.constant 0 : i32
    %dma_start3A_183 = tpu.memref_slice %arg6[%dma_start3A_180, %dma_start3A_181, %dma_start3A_182] : memref<3x64x512xf32, #tpu.memory_space<vmem>> -> memref<1x64x512xf32, #tpu.memory_space<vmem>>
    %dma_start3A_184 = tpu.memref_squeeze %dma_start3A_183 : memref<1x64x512xf32, #tpu.memory_space<vmem>> -> memref<64x512xf32, #tpu.memory_space<vmem>>
    %dma_start3A_185 = arith.constant 0 : i32
    %dma_start3A_186 = tpu.memref_slice %arg4[%add3A_179, %dma_start3A_185] : memref<16384x512xf32, #tpu.memory_space<hbm>> -> memref<64x512xf32, #tpu.memory_space<hbm>>
    %dma_start3A_187 = arith.constant 0 : i32
    %dma_start3A_188 = tpu.memref_slice %arg4[%add3A_179, %dma_start3A_187] : memref<16384x512xf32, #tpu.memory_space<hbm>> -> memref<64x512xf32, #tpu.memory_space<hbm>>
    %dma_start3A_189 = arith.constant 0 : i32
    %dma_start3A_190 = arith.constant 0 : i32
    %dma_start3A_191 = tpu.memref_slice %arg6[%dma_start3A_180, %dma_start3A_189, %dma_start3A_190] : memref<3x64x512xf32, #tpu.memory_space<vmem>> -> memref<1x64x512xf32, #tpu.memory_space<vmem>>
    %dma_start3A_192 = tpu.memref_squeeze %dma_start3A_191 : memref<1x64x512xf32, #tpu.memory_space<vmem>> -> memref<64x512xf32, #tpu.memory_space<vmem>>
    tpu.enqueue_dma source(%dma_start3A_192 : memref<64x512xf32, #tpu.memory_space<vmem>>) target(%dma_start3A_188 : memref<64x512xf32, #tpu.memory_space<hbm>>) target_semaphore(%arg8 : memref<!tpu.dma_semaphore, #tpu.memory_space<semaphore_mem>>)
    %dma_wait3A_193 = arith.constant 0 : i32
    %dma_wait3A_194 = arith.constant 0 : i32
    %dma_wait3A_195 = arith.constant 0 : i32
    %dma_wait3A_196 = tpu.memref_slice %arg6[%dma_wait3A_193, %dma_wait3A_194, %dma_wait3A_195] : memref<3x64x512xf32, #tpu.memory_space<vmem>> -> memref<1x64x512xf32, #tpu.memory_space<vmem>>
    %dma_wait3A_197 = tpu.memref_squeeze %dma_wait3A_196 : memref<1x64x512xf32, #tpu.memory_space<vmem>> -> memref<64x512xf32, #tpu.memory_space<vmem>>
    %dma_wait3A_198 = arith.constant 192 : i32
    %dma_wait3A_199 = tpu.memref_slice %arg5[%dma_wait3A_198] : memref<512xi32, #tpu.memory_space<vmem>> -> memref<64xi32, #tpu.memory_space<vmem>>
    %dma_wait3A_200 = arith.constant 0 : i32
    %dma_wait3A_201 = arith.constant 0 : i32
    %dma_wait3A_202 = tpu.memref_slice %arg2[%dma_wait3A_200, %dma_wait3A_201] : memref<32000x512xf32, #tpu.memory_space<hbm>> -> memref<32000x512xf32, #tpu.memory_space<hbm>>
    tpu.wait_indirect_dma semaphore(%arg7 : memref<!tpu.dma_semaphore, #tpu.memory_space<semaphore_mem>>) src(%dma_wait3A_202 : memref<32000x512xf32, #tpu.memory_space<hbm>>) dst(%dma_wait3A_197 : memref<64x512xf32, #tpu.memory_space<vmem>>)
    %dma_wait3A_203 = arith.constant 2 : i32
    %dma_wait3A_204 = arith.constant 0 : i32
    %dma_wait3A_205 = arith.constant 0 : i32
    %dma_wait3A_206 = tpu.memref_slice %arg6[%dma_wait3A_203, %dma_wait3A_204, %dma_wait3A_205] : memref<3x64x512xf32, #tpu.memory_space<vmem>> -> memref<1x64x512xf32, #tpu.memory_space<vmem>>
    %dma_wait3A_207 = tpu.memref_squeeze %dma_wait3A_206 : memref<1x64x512xf32, #tpu.memory_space<vmem>> -> memref<64x512xf32, #tpu.memory_space<vmem>>
    %dma_wait3A_208 = arith.constant 0 : i32
    %dma_wait3A_209 = tpu.memref_slice %arg4[%add3A_179, %dma_wait3A_208] : memref<16384x512xf32, #tpu.memory_space<hbm>> -> memref<64x512xf32, #tpu.memory_space<hbm>>
    %dma_wait3A_210 = arith.constant 0 : i32
    %dma_wait3A_211 = tpu.memref_slice %arg4[%add3A_179, %dma_wait3A_210] : memref<16384x512xf32, #tpu.memory_space<hbm>> -> memref<64x512xf32, #tpu.memory_space<hbm>>
    %dma_wait3A_212 = arith.constant 0 : i32
    %dma_wait3A_213 = arith.constant 0 : i32
    %dma_wait3A_214 = tpu.memref_slice %arg6[%dma_wait3A_203, %dma_wait3A_212, %dma_wait3A_213] : memref<3x64x512xf32, #tpu.memory_space<vmem>> -> memref<1x64x512xf32, #tpu.memory_space<vmem>>
    %dma_wait3A_215 = tpu.memref_squeeze %dma_wait3A_214 : memref<1x64x512xf32, #tpu.memory_space<vmem>> -> memref<64x512xf32, #tpu.memory_space<vmem>>
    tpu.wait_dma2 semaphore(%arg8 : memref<!tpu.dma_semaphore, #tpu.memory_space<semaphore_mem>>) src(%dma_wait3A_215 : memref<64x512xf32, #tpu.memory_space<vmem>>) dst(%dma_wait3A_211 : memref<64x512xf32, #tpu.memory_space<hbm>>)
    %dma_start3A_216 = arith.constant 2 : i32
    %dma_start3A_217 = arith.constant 0 : i32
    %dma_start3A_218 = arith.constant 0 : i32
    %dma_start3A_219 = tpu.memref_slice %arg6[%dma_start3A_216, %dma_start3A_217, %dma_start3A_218] : memref<3x64x512xf32, #tpu.memory_space<vmem>> -> memref<1x64x512xf32, #tpu.memory_space<vmem>>
    %dma_start3A_220 = tpu.memref_squeeze %dma_start3A_219 : memref<1x64x512xf32, #tpu.memory_space<vmem>> -> memref<64x512xf32, #tpu.memory_space<vmem>>
    %dma_start3A_221 = arith.constant 320 : i32
    %dma_start3A_222 = tpu.memref_slice %arg5[%dma_start3A_221] : memref<512xi32, #tpu.memory_space<vmem>> -> memref<64xi32, #tpu.memory_space<vmem>>
    %dma_start3A_223 = arith.constant 0 : i32
    %dma_start3A_224 = arith.constant 0 : i32
    %dma_start3A_225 = tpu.memref_slice %arg2[%dma_start3A_223, %dma_start3A_224] : memref<32000x512xf32, #tpu.memory_space<hbm>> -> memref<32000x512xf32, #tpu.memory_space<hbm>>
    tpu.enqueue_indirect_dma source(%dma_start3A_225 : memref<32000x512xf32, #tpu.memory_space<hbm>>) target(%dma_start3A_220 : memref<64x512xf32, #tpu.memory_space<vmem>>) offsets(%dma_start3A_222 : memref<64xi32, #tpu.memory_space<vmem>>) semaphore(%arg7 : memref<!tpu.dma_semaphore, #tpu.memory_space<semaphore_mem>>)
    %add3A_226 = arith.constant 192 : i32
    %add3A_227 = arith.addi %mul3A_2, %add3A_226 : i32
    %dma_start3A_228 = arith.constant 0 : i32
    %dma_start3A_229 = arith.constant 0 : i32
    %dma_start3A_230 = arith.constant 0 : i32
    %dma_start3A_231 = tpu.memref_slice %arg6[%dma_start3A_228, %dma_start3A_229, %dma_start3A_230] : memref<3x64x512xf32, #tpu.memory_space<vmem>> -> memref<1x64x512xf32, #tpu.memory_space<vmem>>
    %dma_start3A_232 = tpu.memref_squeeze %dma_start3A_231 : memref<1x64x512xf32, #tpu.memory_space<vmem>> -> memref<64x512xf32, #tpu.memory_space<vmem>>
    %dma_start3A_233 = arith.constant 0 : i32
    %dma_start3A_234 = tpu.memref_slice %arg4[%add3A_227, %dma_start3A_233] : memref<16384x512xf32, #tpu.memory_space<hbm>> -> memref<64x512xf32, #tpu.memory_space<hbm>>
    %dma_start3A_235 = arith.constant 0 : i32
    %dma_start3A_236 = tpu.memref_slice %arg4[%add3A_227, %dma_start3A_235] : memref<16384x512xf32, #tpu.memory_space<hbm>> -> memref<64x512xf32, #tpu.memory_space<hbm>>
    %dma_start3A_237 = arith.constant 0 : i32
    %dma_start3A_238 = arith.constant 0 : i32
    %dma_start3A_239 = tpu.memref_slice %arg6[%dma_start3A_228, %dma_start3A_237, %dma_start3A_238] : memref<3x64x512xf32, #tpu.memory_space<vmem>> -> memref<1x64x512xf32, #tpu.memory_space<vmem>>
    %dma_start3A_240 = tpu.memref_squeeze %dma_start3A_239 : memref<1x64x512xf32, #tpu.memory_space<vmem>> -> memref<64x512xf32, #tpu.memory_space<vmem>>
    tpu.enqueue_dma source(%dma_start3A_240 : memref<64x512xf32, #tpu.memory_space<vmem>>) target(%dma_start3A_236 : memref<64x512xf32, #tpu.memory_space<hbm>>) target_semaphore(%arg8 : memref<!tpu.dma_semaphore, #tpu.memory_space<semaphore_mem>>)
    %dma_wait3A_241 = arith.constant 1 : i32
    %dma_wait3A_242 = arith.constant 0 : i32
    %dma_wait3A_243 = arith.constant 0 : i32
    %dma_wait3A_244 = tpu.memref_slice %arg6[%dma_wait3A_241, %dma_wait3A_242, %dma_wait3A_243] : memref<3x64x512xf32, #tpu.memory_space<vmem>> -> memref<1x64x512xf32, #tpu.memory_space<vmem>>
    %dma_wait3A_245 = tpu.memref_squeeze %dma_wait3A_244 : memref<1x64x512xf32, #tpu.memory_space<vmem>> -> memref<64x512xf32, #tpu.memory_space<vmem>>
    %dma_wait3A_246 = arith.constant 256 : i32
    %dma_wait3A_247 = tpu.memref_slice %arg5[%dma_wait3A_246] : memref<512xi32, #tpu.memory_space<vmem>> -> memref<64xi32, #tpu.memory_space<vmem>>
    %dma_wait3A_248 = arith.constant 0 : i32
    %dma_wait3A_249 = arith.constant 0 : i32
    %dma_wait3A_250 = tpu.memref_slice %arg2[%dma_wait3A_248, %dma_wait3A_249] : memref<32000x512xf32, #tpu.memory_space<hbm>> -> memref<32000x512xf32, #tpu.memory_space<hbm>>
    tpu.wait_indirect_dma semaphore(%arg7 : memref<!tpu.dma_semaphore, #tpu.memory_space<semaphore_mem>>) src(%dma_wait3A_250 : memref<32000x512xf32, #tpu.memory_space<hbm>>) dst(%dma_wait3A_245 : memref<64x512xf32, #tpu.memory_space<vmem>>)
    %dma_wait3A_251 = arith.constant 0 : i32
    %dma_wait3A_252 = arith.constant 0 : i32
    %dma_wait3A_253 = arith.constant 0 : i32
    %dma_wait3A_254 = tpu.memref_slice %arg6[%dma_wait3A_251, %dma_wait3A_252, %dma_wait3A_253] : memref<3x64x512xf32, #tpu.memory_space<vmem>> -> memref<1x64x512xf32, #tpu.memory_space<vmem>>
    %dma_wait3A_255 = tpu.memref_squeeze %dma_wait3A_254 : memref<1x64x512xf32, #tpu.memory_space<vmem>> -> memref<64x512xf32, #tpu.memory_space<vmem>>
    %dma_wait3A_256 = arith.constant 0 : i32
    %dma_wait3A_257 = tpu.memref_slice %arg4[%add3A_227, %dma_wait3A_256] : memref<16384x512xf32, #tpu.memory_space<hbm>> -> memref<64x512xf32, #tpu.memory_space<hbm>>
    %dma_wait3A_258 = arith.constant 0 : i32
    %dma_wait3A_259 = tpu.memref_slice %arg4[%add3A_227, %dma_wait3A_258] : memref<16384x512xf32, #tpu.memory_space<hbm>> -> memref<64x512xf32, #tpu.memory_space<hbm>>
    %dma_wait3A_260 = arith.constant 0 : i32
    %dma_wait3A_261 = arith.constant 0 : i32
    %dma_wait3A_262 = tpu.memref_slice %arg6[%dma_wait3A_251, %dma_wait3A_260, %dma_wait3A_261] : memref<3x64x512xf32, #tpu.memory_space<vmem>> -> memref<1x64x512xf32, #tpu.memory_space<vmem>>
    %dma_wait3A_263 = tpu.memref_squeeze %dma_wait3A_262 : memref<1x64x512xf32, #tpu.memory_space<vmem>> -> memref<64x512xf32, #tpu.memory_space<vmem>>
    tpu.wait_dma2 semaphore(%arg8 : memref<!tpu.dma_semaphore, #tpu.memory_space<semaphore_mem>>) src(%dma_wait3A_263 : memref<64x512xf32, #tpu.memory_space<vmem>>) dst(%dma_wait3A_259 : memref<64x512xf32, #tpu.memory_space<hbm>>)
    %dma_start3A_264 = arith.constant 0 : i32
    %dma_start3A_265 = arith.constant 0 : i32
    %dma_start3A_266 = arith.constant 0 : i32
    %dma_start3A_267 = tpu.memref_slice %arg6[%dma_start3A_264, %dma_start3A_265, %dma_start3A_266] : memref<3x64x512xf32, #tpu.memory_space<vmem>> -> memref<1x64x512xf32, #tpu.memory_space<vmem>>
    %dma_start3A_268 = tpu.memref_squeeze %dma_start3A_267 : memref<1x64x512xf32, #tpu.memory_space<vmem>> -> memref<64x512xf32, #tpu.memory_space<vmem>>
    %dma_start3A_269 = arith.constant 384 : i32
    %dma_start3A_270 = tpu.memref_slice %arg5[%dma_start3A_269] : memref<512xi32, #tpu.memory_space<vmem>> -> memref<64xi32, #tpu.memory_space<vmem>>
    %dma_start3A_271 = arith.constant 0 : i32
    %dma_start3A_272 = arith.constant 0 : i32
    %dma_start3A_273 = tpu.memref_slice %arg2[%dma_start3A_271, %dma_start3A_272] : memref<32000x512xf32, #tpu.memory_space<hbm>> -> memref<32000x512xf32, #tpu.memory_space<hbm>>
    tpu.enqueue_indirect_dma source(%dma_start3A_273 : memref<32000x512xf32, #tpu.memory_space<hbm>>) target(%dma_start3A_268 : memref<64x512xf32, #tpu.memory_space<vmem>>) offsets(%dma_start3A_270 : memref<64xi32, #tpu.memory_space<vmem>>) semaphore(%arg7 : memref<!tpu.dma_semaphore, #tpu.memory_space<semaphore_mem>>)
    %add3A_274 = arith.constant 256 : i32
    %add3A_275 = arith.addi %mul3A_2, %add3A_274 : i32
    %dma_start3A_276 = arith.constant 1 : i32
    %dma_start3A_277 = arith.constant 0 : i32
    %dma_start3A_278 = arith.constant 0 : i32
    %dma_start3A_279 = tpu.memref_slice %arg6[%dma_start3A_276, %dma_start3A_277, %dma_start3A_278] : memref<3x64x512xf32, #tpu.memory_space<vmem>> -> memref<1x64x512xf32, #tpu.memory_space<vmem>>
    %dma_start3A_280 = tpu.memref_squeeze %dma_start3A_279 : memref<1x64x512xf32, #tpu.memory_space<vmem>> -> memref<64x512xf32, #tpu.memory_space<vmem>>
    %dma_start3A_281 = arith.constant 0 : i32
    %dma_start3A_282 = tpu.memref_slice %arg4[%add3A_275, %dma_start3A_281] : memref<16384x512xf32, #tpu.memory_space<hbm>> -> memref<64x512xf32, #tpu.memory_space<hbm>>
    %dma_start3A_283 = arith.constant 0 : i32
    %dma_start3A_284 = tpu.memref_slice %arg4[%add3A_275, %dma_start3A_283] : memref<16384x512xf32, #tpu.memory_space<hbm>> -> memref<64x512xf32, #tpu.memory_space<hbm>>
    %dma_start3A_285 = arith.constant 0 : i32
    %dma_start3A_286 = arith.constant 0 : i32
    %dma_start3A_287 = tpu.memref_slice %arg6[%dma_start3A_276, %dma_start3A_285, %dma_start3A_286] : memref<3x64x512xf32, #tpu.memory_space<vmem>> -> memref<1x64x512xf32, #tpu.memory_space<vmem>>
    %dma_start3A_288 = tpu.memref_squeeze %dma_start3A_287 : memref<1x64x512xf32, #tpu.memory_space<vmem>> -> memref<64x512xf32, #tpu.memory_space<vmem>>
    tpu.enqueue_dma source(%dma_start3A_288 : memref<64x512xf32, #tpu.memory_space<vmem>>) target(%dma_start3A_284 : memref<64x512xf32, #tpu.memory_space<hbm>>) target_semaphore(%arg8 : memref<!tpu.dma_semaphore, #tpu.memory_space<semaphore_mem>>)
    %dma_wait3A_289 = arith.constant 2 : i32
    %dma_wait3A_290 = arith.constant 0 : i32
    %dma_wait3A_291 = arith.constant 0 : i32
    %dma_wait3A_292 = tpu.memref_slice %arg6[%dma_wait3A_289, %dma_wait3A_290, %dma_wait3A_291] : memref<3x64x512xf32, #tpu.memory_space<vmem>> -> memref<1x64x512xf32, #tpu.memory_space<vmem>>
    %dma_wait3A_293 = tpu.memref_squeeze %dma_wait3A_292 : memref<1x64x512xf32, #tpu.memory_space<vmem>> -> memref<64x512xf32, #tpu.memory_space<vmem>>
    %dma_wait3A_294 = arith.constant 320 : i32
    %dma_wait3A_295 = tpu.memref_slice %arg5[%dma_wait3A_294] : memref<512xi32, #tpu.memory_space<vmem>> -> memref<64xi32, #tpu.memory_space<vmem>>
    %dma_wait3A_296 = arith.constant 0 : i32
    %dma_wait3A_297 = arith.constant 0 : i32
    %dma_wait3A_298 = tpu.memref_slice %arg2[%dma_wait3A_296, %dma_wait3A_297] : memref<32000x512xf32, #tpu.memory_space<hbm>> -> memref<32000x512xf32, #tpu.memory_space<hbm>>
    tpu.wait_indirect_dma semaphore(%arg7 : memref<!tpu.dma_semaphore, #tpu.memory_space<semaphore_mem>>) src(%dma_wait3A_298 : memref<32000x512xf32, #tpu.memory_space<hbm>>) dst(%dma_wait3A_293 : memref<64x512xf32, #tpu.memory_space<vmem>>)
    %dma_wait3A_299 = arith.constant 1 : i32
    %dma_wait3A_300 = arith.constant 0 : i32
    %dma_wait3A_301 = arith.constant 0 : i32
    %dma_wait3A_302 = tpu.memref_slice %arg6[%dma_wait3A_299, %dma_wait3A_300, %dma_wait3A_301] : memref<3x64x512xf32, #tpu.memory_space<vmem>> -> memref<1x64x512xf32, #tpu.memory_space<vmem>>
    %dma_wait3A_303 = tpu.memref_squeeze %dma_wait3A_302 : memref<1x64x512xf32, #tpu.memory_space<vmem>> -> memref<64x512xf32, #tpu.memory_space<vmem>>
    %dma_wait3A_304 = arith.constant 0 : i32
    %dma_wait3A_305 = tpu.memref_slice %arg4[%add3A_275, %dma_wait3A_304] : memref<16384x512xf32, #tpu.memory_space<hbm>> -> memref<64x512xf32, #tpu.memory_space<hbm>>
    %dma_wait3A_306 = arith.constant 0 : i32
    %dma_wait3A_307 = tpu.memref_slice %arg4[%add3A_275, %dma_wait3A_306] : memref<16384x512xf32, #tpu.memory_space<hbm>> -> memref<64x512xf32, #tpu.memory_space<hbm>>
    %dma_wait3A_308 = arith.constant 0 : i32
    %dma_wait3A_309 = arith.constant 0 : i32
    %dma_wait3A_310 = tpu.memref_slice %arg6[%dma_wait3A_299, %dma_wait3A_308, %dma_wait3A_309] : memref<3x64x512xf32, #tpu.memory_space<vmem>> -> memref<1x64x512xf32, #tpu.memory_space<vmem>>
    %dma_wait3A_311 = tpu.memref_squeeze %dma_wait3A_310 : memref<1x64x512xf32, #tpu.memory_space<vmem>> -> memref<64x512xf32, #tpu.memory_space<vmem>>
    tpu.wait_dma2 semaphore(%arg8 : memref<!tpu.dma_semaphore, #tpu.memory_space<semaphore_mem>>) src(%dma_wait3A_311 : memref<64x512xf32, #tpu.memory_space<vmem>>) dst(%dma_wait3A_307 : memref<64x512xf32, #tpu.memory_space<hbm>>)
    %dma_start3A_312 = arith.constant 1 : i32
    %dma_start3A_313 = arith.constant 0 : i32
    %dma_start3A_314 = arith.constant 0 : i32
    %dma_start3A_315 = tpu.memref_slice %arg6[%dma_start3A_312, %dma_start3A_313, %dma_start3A_314] : memref<3x64x512xf32, #tpu.memory_space<vmem>> -> memref<1x64x512xf32, #tpu.memory_space<vmem>>
    %dma_start3A_316 = tpu.memref_squeeze %dma_start3A_315 : memref<1x64x512xf32, #tpu.memory_space<vmem>> -> memref<64x512xf32, #tpu.memory_space<vmem>>
    %dma_start3A_317 = arith.constant 448 : i32
    %dma_start3A_318 = tpu.memref_slice %arg5[%dma_start3A_317] : memref<512xi32, #tpu.memory_space<vmem>> -> memref<64xi32, #tpu.memory_space<vmem>>
    %dma_start3A_319 = arith.constant 0 : i32
    %dma_start3A_320 = arith.constant 0 : i32
    %dma_start3A_321 = tpu.memref_slice %arg2[%dma_start3A_319, %dma_start3A_320] : memref<32000x512xf32, #tpu.memory_space<hbm>> -> memref<32000x512xf32, #tpu.memory_space<hbm>>
    tpu.enqueue_indirect_dma source(%dma_start3A_321 : memref<32000x512xf32, #tpu.memory_space<hbm>>) target(%dma_start3A_316 : memref<64x512xf32, #tpu.memory_space<vmem>>) offsets(%dma_start3A_318 : memref<64xi32, #tpu.memory_space<vmem>>) semaphore(%arg7 : memref<!tpu.dma_semaphore, #tpu.memory_space<semaphore_mem>>)
    %add3A_322 = arith.constant 320 : i32
    %add3A_323 = arith.addi %mul3A_2, %add3A_322 : i32
    %dma_start3A_324 = arith.constant 2 : i32
    %dma_start3A_325 = arith.constant 0 : i32
    %dma_start3A_326 = arith.constant 0 : i32
    %dma_start3A_327 = tpu.memref_slice %arg6[%dma_start3A_324, %dma_start3A_325, %dma_start3A_326] : memref<3x64x512xf32, #tpu.memory_space<vmem>> -> memref<1x64x512xf32, #tpu.memory_space<vmem>>
    %dma_start3A_328 = tpu.memref_squeeze %dma_start3A_327 : memref<1x64x512xf32, #tpu.memory_space<vmem>> -> memref<64x512xf32, #tpu.memory_space<vmem>>
    %dma_start3A_329 = arith.constant 0 : i32
    %dma_start3A_330 = tpu.memref_slice %arg4[%add3A_323, %dma_start3A_329] : memref<16384x512xf32, #tpu.memory_space<hbm>> -> memref<64x512xf32, #tpu.memory_space<hbm>>
    %dma_start3A_331 = arith.constant 0 : i32
    %dma_start3A_332 = tpu.memref_slice %arg4[%add3A_323, %dma_start3A_331] : memref<16384x512xf32, #tpu.memory_space<hbm>> -> memref<64x512xf32, #tpu.memory_space<hbm>>
    %dma_start3A_333 = arith.constant 0 : i32
    %dma_start3A_334 = arith.constant 0 : i32
    %dma_start3A_335 = tpu.memref_slice %arg6[%dma_start3A_324, %dma_start3A_333, %dma_start3A_334] : memref<3x64x512xf32, #tpu.memory_space<vmem>> -> memref<1x64x512xf32, #tpu.memory_space<vmem>>
    %dma_start3A_336 = tpu.memref_squeeze %dma_start3A_335 : memref<1x64x512xf32, #tpu.memory_space<vmem>> -> memref<64x512xf32, #tpu.memory_space<vmem>>
    tpu.enqueue_dma source(%dma_start3A_336 : memref<64x512xf32, #tpu.memory_space<vmem>>) target(%dma_start3A_332 : memref<64x512xf32, #tpu.memory_space<hbm>>) target_semaphore(%arg8 : memref<!tpu.dma_semaphore, #tpu.memory_space<semaphore_mem>>)
    %dma_wait3A_337 = arith.constant 0 : i32
    %dma_wait3A_338 = arith.constant 0 : i32
    %dma_wait3A_339 = arith.constant 0 : i32
    %dma_wait3A_340 = tpu.memref_slice %arg6[%dma_wait3A_337, %dma_wait3A_338, %dma_wait3A_339] : memref<3x64x512xf32, #tpu.memory_space<vmem>> -> memref<1x64x512xf32, #tpu.memory_space<vmem>>
    %dma_wait3A_341 = tpu.memref_squeeze %dma_wait3A_340 : memref<1x64x512xf32, #tpu.memory_space<vmem>> -> memref<64x512xf32, #tpu.memory_space<vmem>>
    %dma_wait3A_342 = arith.constant 384 : i32
    %dma_wait3A_343 = tpu.memref_slice %arg5[%dma_wait3A_342] : memref<512xi32, #tpu.memory_space<vmem>> -> memref<64xi32, #tpu.memory_space<vmem>>
    %dma_wait3A_344 = arith.constant 0 : i32
    %dma_wait3A_345 = arith.constant 0 : i32
    %dma_wait3A_346 = tpu.memref_slice %arg2[%dma_wait3A_344, %dma_wait3A_345] : memref<32000x512xf32, #tpu.memory_space<hbm>> -> memref<32000x512xf32, #tpu.memory_space<hbm>>
    tpu.wait_indirect_dma semaphore(%arg7 : memref<!tpu.dma_semaphore, #tpu.memory_space<semaphore_mem>>) src(%dma_wait3A_346 : memref<32000x512xf32, #tpu.memory_space<hbm>>) dst(%dma_wait3A_341 : memref<64x512xf32, #tpu.memory_space<vmem>>)
    %add3A_347 = arith.constant 384 : i32
    %add3A_348 = arith.addi %mul3A_2, %add3A_347 : i32
    %dma_start3A_349 = arith.constant 0 : i32
    %dma_start3A_350 = arith.constant 0 : i32
    %dma_start3A_351 = arith.constant 0 : i32
    %dma_start3A_352 = tpu.memref_slice %arg6[%dma_start3A_349, %dma_start3A_350, %dma_start3A_351] : memref<3x64x512xf32, #tpu.memory_space<vmem>> -> memref<1x64x512xf32, #tpu.memory_space<vmem>>
    %dma_start3A_353 = tpu.memref_squeeze %dma_start3A_352 : memref<1x64x512xf32, #tpu.memory_space<vmem>> -> memref<64x512xf32, #tpu.memory_space<vmem>>
    %dma_start3A_354 = arith.constant 0 : i32
    %dma_start3A_355 = tpu.memref_slice %arg4[%add3A_348, %dma_start3A_354] : memref<16384x512xf32, #tpu.memory_space<hbm>> -> memref<64x512xf32, #tpu.memory_space<hbm>>
    %dma_start3A_356 = arith.constant 0 : i32
    %dma_start3A_357 = tpu.memref_slice %arg4[%add3A_348, %dma_start3A_356] : memref<16384x512xf32, #tpu.memory_space<hbm>> -> memref<64x512xf32, #tpu.memory_space<hbm>>
    %dma_start3A_358 = arith.constant 0 : i32
    %dma_start3A_359 = arith.constant 0 : i32
    %dma_start3A_360 = tpu.memref_slice %arg6[%dma_start3A_349, %dma_start3A_358, %dma_start3A_359] : memref<3x64x512xf32, #tpu.memory_space<vmem>> -> memref<1x64x512xf32, #tpu.memory_space<vmem>>
    %dma_start3A_361 = tpu.memref_squeeze %dma_start3A_360 : memref<1x64x512xf32, #tpu.memory_space<vmem>> -> memref<64x512xf32, #tpu.memory_space<vmem>>
    tpu.enqueue_dma source(%dma_start3A_361 : memref<64x512xf32, #tpu.memory_space<vmem>>) target(%dma_start3A_357 : memref<64x512xf32, #tpu.memory_space<hbm>>) target_semaphore(%arg8 : memref<!tpu.dma_semaphore, #tpu.memory_space<semaphore_mem>>)
    %dma_wait3A_362 = arith.constant 1 : i32
    %dma_wait3A_363 = arith.constant 0 : i32
    %dma_wait3A_364 = arith.constant 0 : i32
    %dma_wait3A_365 = tpu.memref_slice %arg6[%dma_wait3A_362, %dma_wait3A_363, %dma_wait3A_364] : memref<3x64x512xf32, #tpu.memory_space<vmem>> -> memref<1x64x512xf32, #tpu.memory_space<vmem>>
    %dma_wait3A_366 = tpu.memref_squeeze %dma_wait3A_365 : memref<1x64x512xf32, #tpu.memory_space<vmem>> -> memref<64x512xf32, #tpu.memory_space<vmem>>
    %dma_wait3A_367 = arith.constant 448 : i32
    %dma_wait3A_368 = tpu.memref_slice %arg5[%dma_wait3A_367] : memref<512xi32, #tpu.memory_space<vmem>> -> memref<64xi32, #tpu.memory_space<vmem>>
    %dma_wait3A_369 = arith.constant 0 : i32
    %dma_wait3A_370 = arith.constant 0 : i32
    %dma_wait3A_371 = tpu.memref_slice %arg2[%dma_wait3A_369, %dma_wait3A_370] : memref<32000x512xf32, #tpu.memory_space<hbm>> -> memref<32000x512xf32, #tpu.memory_space<hbm>>
    tpu.wait_indirect_dma semaphore(%arg7 : memref<!tpu.dma_semaphore, #tpu.memory_space<semaphore_mem>>) src(%dma_wait3A_371 : memref<32000x512xf32, #tpu.memory_space<hbm>>) dst(%dma_wait3A_366 : memref<64x512xf32, #tpu.memory_space<vmem>>)
    %add3A_372 = arith.constant 448 : i32
    %add3A_373 = arith.addi %mul3A_2, %add3A_372 : i32
    %dma_start3A_374 = arith.constant 1 : i32
    %dma_start3A_375 = arith.constant 0 : i32
    %dma_start3A_376 = arith.constant 0 : i32
    %dma_start3A_377 = tpu.memref_slice %arg6[%dma_start3A_374, %dma_start3A_375, %dma_start3A_376] : memref<3x64x512xf32, #tpu.memory_space<vmem>> -> memref<1x64x512xf32, #tpu.memory_space<vmem>>
    %dma_start3A_378 = tpu.memref_squeeze %dma_start3A_377 : memref<1x64x512xf32, #tpu.memory_space<vmem>> -> memref<64x512xf32, #tpu.memory_space<vmem>>
    %dma_start3A_379 = arith.constant 0 : i32
    %dma_start3A_380 = tpu.memref_slice %arg4[%add3A_373, %dma_start3A_379] : memref<16384x512xf32, #tpu.memory_space<hbm>> -> memref<64x512xf32, #tpu.memory_space<hbm>>
    %dma_start3A_381 = arith.constant 0 : i32
    %dma_start3A_382 = tpu.memref_slice %arg4[%add3A_373, %dma_start3A_381] : memref<16384x512xf32, #tpu.memory_space<hbm>> -> memref<64x512xf32, #tpu.memory_space<hbm>>
    %dma_start3A_383 = arith.constant 0 : i32
    %dma_start3A_384 = arith.constant 0 : i32
    %dma_start3A_385 = tpu.memref_slice %arg6[%dma_start3A_374, %dma_start3A_383, %dma_start3A_384] : memref<3x64x512xf32, #tpu.memory_space<vmem>> -> memref<1x64x512xf32, #tpu.memory_space<vmem>>
    %dma_start3A_386 = tpu.memref_squeeze %dma_start3A_385 : memref<1x64x512xf32, #tpu.memory_space<vmem>> -> memref<64x512xf32, #tpu.memory_space<vmem>>
    tpu.enqueue_dma source(%dma_start3A_386 : memref<64x512xf32, #tpu.memory_space<vmem>>) target(%dma_start3A_382 : memref<64x512xf32, #tpu.memory_space<hbm>>) target_semaphore(%arg8 : memref<!tpu.dma_semaphore, #tpu.memory_space<semaphore_mem>>)
    %dma_wait3A_387 = arith.constant 2 : i32
    %dma_wait3A_388 = arith.constant 0 : i32
    %dma_wait3A_389 = arith.constant 0 : i32
    %dma_wait3A_390 = tpu.memref_slice %arg6[%dma_wait3A_387, %dma_wait3A_388, %dma_wait3A_389] : memref<3x64x512xf32, #tpu.memory_space<vmem>> -> memref<1x64x512xf32, #tpu.memory_space<vmem>>
    %dma_wait3A_391 = tpu.memref_squeeze %dma_wait3A_390 : memref<1x64x512xf32, #tpu.memory_space<vmem>> -> memref<64x512xf32, #tpu.memory_space<vmem>>
    %dma_wait3A_392 = arith.constant 0 : i32
    %dma_wait3A_393 = tpu.memref_slice %arg4[%add3A_323, %dma_wait3A_392] : memref<16384x512xf32, #tpu.memory_space<hbm>> -> memref<64x512xf32, #tpu.memory_space<hbm>>
    %dma_wait3A_394 = arith.constant 0 : i32
    %dma_wait3A_395 = tpu.memref_slice %arg4[%add3A_323, %dma_wait3A_394] : memref<16384x512xf32, #tpu.memory_space<hbm>> -> memref<64x512xf32, #tpu.memory_space<hbm>>
    %dma_wait3A_396 = arith.constant 0 : i32
    %dma_wait3A_397 = arith.constant 0 : i32
    %dma_wait3A_398 = tpu.memref_slice %arg6[%dma_wait3A_387, %dma_wait3A_396, %dma_wait3A_397] : memref<3x64x512xf32, #tpu.memory_space<vmem>> -> memref<1x64x512xf32, #tpu.memory_space<vmem>>
    %dma_wait3A_399 = tpu.memref_squeeze %dma_wait3A_398 : memref<1x64x512xf32, #tpu.memory_space<vmem>> -> memref<64x512xf32, #tpu.memory_space<vmem>>
    tpu.wait_dma2 semaphore(%arg8 : memref<!tpu.dma_semaphore, #tpu.memory_space<semaphore_mem>>) src(%dma_wait3A_399 : memref<64x512xf32, #tpu.memory_space<vmem>>) dst(%dma_wait3A_395 : memref<64x512xf32, #tpu.memory_space<hbm>>)
    %dma_wait3A_400 = arith.constant 0 : i32
    %dma_wait3A_401 = arith.constant 0 : i32
    %dma_wait3A_402 = arith.constant 0 : i32
    %dma_wait3A_403 = tpu.memref_slice %arg6[%dma_wait3A_400, %dma_wait3A_401, %dma_wait3A_402] : memref<3x64x512xf32, #tpu.memory_space<vmem>> -> memref<1x64x512xf32, #tpu.memory_space<vmem>>
    %dma_wait3A_404 = tpu.memref_squeeze %dma_wait3A_403 : memref<1x64x512xf32, #tpu.memory_space<vmem>> -> memref<64x512xf32, #tpu.memory_space<vmem>>
    %dma_wait3A_405 = arith.constant 0 : i32
    %dma_wait3A_406 = tpu.memref_slice %arg4[%add3A_348, %dma_wait3A_405] : memref<16384x512xf32, #tpu.memory_space<hbm>> -> memref<64x512xf32, #tpu.memory_space<hbm>>
    %dma_wait3A_407 = arith.constant 0 : i32
    %dma_wait3A_408 = tpu.memref_slice %arg4[%add3A_348, %dma_wait3A_407] : memref<16384x512xf32, #tpu.memory_space<hbm>> -> memref<64x512xf32, #tpu.memory_space<hbm>>
    %dma_wait3A_409 = arith.constant 0 : i32
    %dma_wait3A_410 = arith.constant 0 : i32
    %dma_wait3A_411 = tpu.memref_slice %arg6[%dma_wait3A_400, %dma_wait3A_409, %dma_wait3A_410] : memref<3x64x512xf32, #tpu.memory_space<vmem>> -> memref<1x64x512xf32, #tpu.memory_space<vmem>>
    %dma_wait3A_412 = tpu.memref_squeeze %dma_wait3A_411 : memref<1x64x512xf32, #tpu.memory_space<vmem>> -> memref<64x512xf32, #tpu.memory_space<vmem>>
    tpu.wait_dma2 semaphore(%arg8 : memref<!tpu.dma_semaphore, #tpu.memory_space<semaphore_mem>>) src(%dma_wait3A_412 : memref<64x512xf32, #tpu.memory_space<vmem>>) dst(%dma_wait3A_408 : memref<64x512xf32, #tpu.memory_space<hbm>>)
    %dma_wait3A_413 = arith.constant 1 : i32
    %dma_wait3A_414 = arith.constant 0 : i32
    %dma_wait3A_415 = arith.constant 0 : i32
    %dma_wait3A_416 = tpu.memref_slice %arg6[%dma_wait3A_413, %dma_wait3A_414, %dma_wait3A_415] : memref<3x64x512xf32, #tpu.memory_space<vmem>> -> memref<1x64x512xf32, #tpu.memory_space<vmem>>
    %dma_wait3A_417 = tpu.memref_squeeze %dma_wait3A_416 : memref<1x64x512xf32, #tpu.memory_space<vmem>> -> memref<64x512xf32, #tpu.memory_space<vmem>>
    %dma_wait3A_418 = arith.constant 0 : i32
    %dma_wait3A_419 = tpu.memref_slice %arg4[%add3A_373, %dma_wait3A_418] : memref<16384x512xf32, #tpu.memory_space<hbm>> -> memref<64x512xf32, #tpu.memory_space<hbm>>
    %dma_wait3A_420 = arith.constant 0 : i32
    %dma_wait3A_421 = tpu.memref_slice %arg4[%add3A_373, %dma_wait3A_420] : memref<16384x512xf32, #tpu.memory_space<hbm>> -> memref<64x512xf32, #tpu.memory_space<hbm>>
    %dma_wait3A_422 = arith.constant 0 : i32
    %dma_wait3A_423 = arith.constant 0 : i32
    %dma_wait3A_424 = tpu.memref_slice %arg6[%dma_wait3A_413, %dma_wait3A_422, %dma_wait3A_423] : memref<3x64x512xf32, #tpu.memory_space<vmem>> -> memref<1x64x512xf32, #tpu.memory_space<vmem>>
    %dma_wait3A_425 = tpu.memref_squeeze %dma_wait3A_424 : memref<1x64x512xf32, #tpu.memory_space<vmem>> -> memref<64x512xf32, #tpu.memory_space<vmem>>
    tpu.wait_dma2 semaphore(%arg8 : memref<!tpu.dma_semaphore, #tpu.memory_space<semaphore_mem>>) src(%dma_wait3A_425 : memref<64x512xf32, #tpu.memory_space<vmem>>) dst(%dma_wait3A_421 : memref<64x512xf32, #tpu.memory_space<hbm>>)
    return
  }
}

module attributes {stable_mosaic.version = 14 : i64} {
  func.func @_attn_body(%arg0: i32, %arg1: memref<2048x512xf32, #tpu.memory_space<vmem>>, %arg2: memref<16x128xi32, #tpu.memory_space<vmem>>, %arg3: memref<1x1x512xf32, #tpu.memory_space<vmem>>, %arg4: memref<512x64xf32, #tpu.memory_space<vmem>>, %arg5: memref<1x64xf32, #tpu.memory_space<vmem>>, %arg6: memref<512x64xf32, #tpu.memory_space<vmem>>, %arg7: memref<64x1xf32, #tpu.memory_space<vmem>>, %arg8: memref<16x512xf32, #tpu.memory_space<vmem>>) attributes {dimension_semantics = [#tpu.dimension_semantics<arbitrary>], iteration_bounds = array<i64: 8>, scalar_prefetch = 0 : i64, scratch_operands = 0 : i64, tpu.core_type = #tpu.core_type<tc>, window_params = [{transform_indices = @transform_0, window_bounds = array<i64: 2048, 512>}, {transform_indices = @transform_1, window_bounds = array<i64: 16, 128>}, {transform_indices = @transform_2, window_bounds = array<i64: 1, 1, 512>}, {pipeline_mode = #tpu.pipeline_mode<synchronous>, transform_indices = @transform_3, window_bounds = array<i64: 512, 64>}, {pipeline_mode = #tpu.pipeline_mode<synchronous>, transform_indices = @transform_4, window_bounds = array<i64: 1, 64>}, {pipeline_mode = #tpu.pipeline_mode<synchronous>, transform_indices = @transform_5, window_bounds = array<i64: 512, 64>}, {pipeline_mode = #tpu.pipeline_mode<synchronous>, transform_indices = @transform_6, window_bounds = array<i64: 64, 1>}, {transform_indices = @transform_7, window_bounds = array<i64: 16, 512>}]} {
    %get3A = arith.constant 0 : index
    %get3A_0 = arith.constant 0 : index
    %get3A_1 = vector.load %arg1[%get3A, %get3A_0] : memref<2048x512xf32, #tpu.memory_space<vmem>>, vector<2048x512xf32>
    %get3A_2 = arith.constant 0 : index
    %get3A_3 = arith.constant 0 : index
    %get3A_4 = vector.load %arg2[%get3A_2, %get3A_3] : memref<16x128xi32, #tpu.memory_space<vmem>>, vector<16x128xi32>
    %ne3A = arith.constant 0 : i32
    %ne3A_5 = vector.broadcast %ne3A : i32 to vector<16x128xi32>
    %ne3A_6 = arith.cmpi ne, %get3A_4, %ne3A_5 : vector<16x128xi32>
    %convert_element_type3A = arith.extui %ne3A_6 : vector<16x128xi1> to vector<16x128xi32>
    %convert_element_type3A_7 = arith.sitofp %convert_element_type3A : vector<16x128xi32> to vector<16x128xf32>
    %iota3A = tpu.iota {dimensions = array<i32: 0>} : vector<2048x16xi32>
    %iota3A_8 = tpu.iota {dimensions = array<i32: 1>} : vector<2048x16xi32>
    %jit3A = arith.constant 128 : i32
    %div3A = vector.broadcast %jit3A : i32 to vector<2048x16xi32>
    %div3A_9 = arith.divsi %iota3A, %div3A : vector<2048x16xi32>
    %sign3A = arith.constant 0 : i32
    %sign3A_10 = vector.broadcast %sign3A : i32 to vector<2048x16xi32>
    %sign3A_11 = arith.cmpi sgt, %iota3A, %sign3A_10 : vector<2048x16xi32>
    %sign3A_12 = arith.extui %sign3A_11 : vector<2048x16xi1> to vector<2048x16xi32>
    %sign3A_13 = arith.constant 0 : i32
    %sign3A_14 = vector.broadcast %sign3A_13 : i32 to vector<2048x16xi32>
    %sign3A_15 = arith.cmpi slt, %iota3A, %sign3A_14 : vector<2048x16xi32>
    %sign3A_16 = arith.extui %sign3A_15 : vector<2048x16xi1> to vector<2048x16xi32>
    %sign3A_17 = arith.subi %sign3A_12, %sign3A_16 : vector<2048x16xi32>
    %sign3A_18 = arith.constant 0 : i32
    %sign3A_19 = arith.cmpi sgt, %jit3A, %sign3A_18 : i32
    %sign3A_20 = arith.extui %sign3A_19 : i1 to i32
    %sign3A_21 = arith.constant 0 : i32
    %sign3A_22 = arith.cmpi slt, %jit3A, %sign3A_21 : i32
    %sign3A_23 = arith.extui %sign3A_22 : i1 to i32
    %sign3A_24 = arith.subi %sign3A_20, %sign3A_23 : i32
    %ne3A_25 = vector.broadcast %sign3A_24 : i32 to vector<2048x16xi32>
    %ne3A_26 = arith.cmpi ne, %sign3A_17, %ne3A_25 : vector<2048x16xi32>
    %rem3A = vector.broadcast %jit3A : i32 to vector<2048x16xi32>
    %rem3A_27 = arith.remsi %iota3A, %rem3A : vector<2048x16xi32>
    %ne3A_28 = arith.constant 0 : i32
    %ne3A_29 = vector.broadcast %ne3A_28 : i32 to vector<2048x16xi32>
    %ne3A_30 = arith.cmpi ne, %rem3A_27, %ne3A_29 : vector<2048x16xi32>
    %and3A = arith.andi %ne3A_26, %ne3A_30 : vector<2048x16xi1>
    %sub3A = arith.constant 1 : i32
    %sub3A_31 = vector.broadcast %sub3A : i32 to vector<2048x16xi32>
    %sub3A_32 = arith.subi %div3A_9, %sub3A_31 : vector<2048x16xi32>
    %select_n3A = arith.select %and3A, %sub3A_32, %div3A_9 : vector<2048x16xi1>, vector<2048x16xi32>
    %eq3A = arith.cmpi eq, %select_n3A, %iota3A_8 : vector<2048x16xi32>
    %convert_element_type3A_33 = arith.extui %eq3A : vector<2048x16xi1> to vector<2048x16xi32>
    %convert_element_type3A_34 = arith.sitofp %convert_element_type3A_33 : vector<2048x16xi32> to vector<2048x16xf32>
    %dot_general3A = arith.constant dense<0.000000e+00> : vector<2048x128xf32>
    %dot_general3A_35 = tpu.matmul %convert_element_type3A_34, %convert_element_type3A_7, %dot_general3A {dimension_numbers = #tpu.dot_dimension_numbers<[1], [0], [0], [1], [0, 0, 1, 1], [], []>, transpose_lhs_hint = false} : vector<2048x16xf32>, vector<16x128xf32>, vector<2048x128xf32> -> vector<2048x128xf32>
    %iota3A_36 = tpu.iota {dimensions = array<i32: 0>} : vector<2048x128xi32>
    %iota3A_37 = tpu.iota {dimensions = array<i32: 1>} : vector<2048x128xi32>
    %jit3A_38 = arith.constant 128 : i32
    %eq3A_39 = arith.constant 0 : i32
    %eq3A_40 = arith.cmpi eq, %jit3A_38, %eq3A_39 : i32
    %jit3A_41 = arith.constant 1 : i32
    %select_n3A_42 = arith.select %eq3A_40, %jit3A_41, %jit3A_38 : i32
    %rem3A_43 = vector.broadcast %select_n3A_42 : i32 to vector<2048x128xi32>
    %rem3A_44 = arith.remsi %iota3A_36, %rem3A_43 : vector<2048x128xi32>
    %ne3A_45 = arith.constant 0 : i32
    %ne3A_46 = vector.broadcast %ne3A_45 : i32 to vector<2048x128xi32>
    %ne3A_47 = arith.cmpi ne, %rem3A_44, %ne3A_46 : vector<2048x128xi32>
    %lt3A = arith.constant 0 : i32
    %lt3A_48 = vector.broadcast %lt3A : i32 to vector<2048x128xi32>
    %lt3A_49 = arith.cmpi slt, %rem3A_44, %lt3A_48 : vector<2048x128xi32>
    %lt3A_50 = arith.constant 0 : i32
    %lt3A_51 = arith.cmpi slt, %select_n3A_42, %lt3A_50 : i32
    %ne3A_52 = vector.broadcast %lt3A_51 : i1 to vector<2048x128xi1>
    %ne3A_53 = vector.broadcast %ne3A_52 : vector<2048x128xi1> to vector<2048x128xi1>
    %ne3A_54 = arith.xori %lt3A_49, %ne3A_53 : vector<2048x128xi1>
    %and3A_55 = arith.andi %ne3A_54, %ne3A_47 : vector<2048x128xi1>
    %add3A = vector.broadcast %select_n3A_42 : i32 to vector<2048x128xi32>
    %add3A_56 = arith.addi %rem3A_44, %add3A : vector<2048x128xi32>
    %select_n3A_57 = arith.select %and3A_55, %add3A_56, %rem3A_44 : vector<2048x128xi1>, vector<2048x128xi32>
    %eq3A_58 = arith.cmpi eq, %select_n3A_57, %iota3A_37 : vector<2048x128xi32>
    %convert_element_type3A_59 = arith.extui %eq3A_58 : vector<2048x128xi1> to vector<2048x128xi32>
    %convert_element_type3A_60 = arith.sitofp %convert_element_type3A_59 : vector<2048x128xi32> to vector<2048x128xf32>
    %mul3A = arith.mulf %dot_general3A_35, %convert_element_type3A_60 : vector<2048x128xf32>
    %reduce_sum3A = arith.constant dense<0.000000e+00> : vector<2048xf32>
    %reduce_sum3A_61 = vector.multi_reduction <add>, %mul3A, %reduce_sum3A [1] : vector<2048x128xf32> to vector<2048xf32>
    %broadcast_in_dim3A = vector.shape_cast %reduce_sum3A_61 : vector<2048xf32> to vector<2048x1xf32>
    %get3A_62 = arith.constant 0 : index
    %get3A_63 = arith.constant 0 : index
    %get3A_64 = arith.constant 0 : index
    %get3A_65 = vector.load %arg3[%get3A_62, %get3A_63, %get3A_64] : memref<1x1x512xf32, #tpu.memory_space<vmem>>, vector<1x1x512xf32>
    %get3A_66 = vector.shape_cast %get3A_65 : vector<1x1x512xf32> to vector<1x512xf32>
    %get3A_67 = arith.constant 0 : index
    %get3A_68 = arith.constant 0 : index
    %get3A_69 = vector.load %arg6[%get3A_67, %get3A_68] : memref<512x64xf32, #tpu.memory_space<vmem>>, vector<512x64xf32>
    %dot_general3A_70 = arith.constant dense<0.000000e+00> : vector<1x64xf32>
    %dot_general3A_71 = tpu.matmul %get3A_66, %get3A_69, %dot_general3A_70 {dimension_numbers = #tpu.dot_dimension_numbers<[1], [0], [0], [1], [0, 0, 1, 1], [], []>, transpose_lhs_hint = false} : vector<1x512xf32>, vector<512x64xf32>, vector<1x64xf32> -> vector<1x64xf32>
    %get3A_72 = arith.constant 0 : index
    %get3A_73 = arith.constant 0 : index
    %get3A_74 = vector.load %arg4[%get3A_72, %get3A_73] : memref<512x64xf32, #tpu.memory_space<vmem>>, vector<512x64xf32>
    %dot_general3A_75 = arith.constant dense<0.000000e+00> : vector<2048x64xf32>
    %dot_general3A_76 = tpu.matmul %get3A_1, %get3A_74, %dot_general3A_75 {dimension_numbers = #tpu.dot_dimension_numbers<[1], [0], [0], [1], [0, 0, 1, 1], [], []>, transpose_lhs_hint = false} : vector<2048x512xf32>, vector<512x64xf32>, vector<2048x64xf32> -> vector<2048x64xf32>
    %mul3A_77 = vector.broadcast %broadcast_in_dim3A : vector<2048x1xf32> to vector<2048x64xf32>
    %mul3A_78 = arith.mulf %dot_general3A_76, %mul3A_77 : vector<2048x64xf32>
    %get3A_79 = arith.constant 0 : index
    %get3A_80 = arith.constant 0 : index
    %get3A_81 = vector.load %arg5[%get3A_79, %get3A_80] : memref<1x64xf32, #tpu.memory_space<vmem>>, vector<1x64xf32>
    %add3A_82 = vector.broadcast %get3A_81 : vector<1x64xf32> to vector<2048x64xf32>
    %add3A_83 = arith.addf %mul3A_78, %add3A_82 : vector<2048x64xf32>
    %add3A_84 = vector.broadcast %dot_general3A_71 : vector<1x64xf32> to vector<2048x64xf32>
    %add3A_85 = arith.addf %add3A_83, %add3A_84 : vector<2048x64xf32>
    %tanh3A = math.tanh %add3A_85 : vector<2048x64xf32>
    %get3A_86 = arith.constant 0 : index
    %get3A_87 = arith.constant 0 : index
    %get3A_88 = vector.load %arg7[%get3A_86, %get3A_87] : memref<64x1xf32, #tpu.memory_space<vmem>>, vector<64x1xf32>
    %dot_general3A_89 = arith.constant dense<0.000000e+00> : vector<2048x1xf32>
    %dot_general3A_90 = tpu.matmul %tanh3A, %get3A_88, %dot_general3A_89 {dimension_numbers = #tpu.dot_dimension_numbers<[1], [0], [0], [1], [0, 0, 1, 1], [], []>, transpose_lhs_hint = false} : vector<2048x64xf32>, vector<64x1xf32>, vector<2048x1xf32> -> vector<2048x1xf32>
    %reduce_max3A = vector.shape_cast %dot_general3A_90 : vector<2048x1xf32> to vector<1x2048x1xf32>
    %reduce_max3A_91 = arith.constant dense<0xFF800000> : vector<1xf32>
    %reduce_max3A_92 = vector.multi_reduction <maximumf>, %reduce_max3A, %reduce_max3A_91 [1, 2] : vector<1x2048x1xf32> to vector<1xf32>
    %reduce_max3A_93 = vector.shape_cast %reduce_max3A_92 : vector<1xf32> to vector<1x1x1xf32>
    %reduce_max3A_94 = vector.extract %reduce_max3A_93[0, 0, 0] : f32 from vector<1x1x1xf32>
    %sub3A_95 = vector.broadcast %reduce_max3A_94 : f32 to vector<2048x1xf32>
    %sub3A_96 = arith.subf %dot_general3A_90, %sub3A_95 : vector<2048x1xf32>
    %exp3A = math.exp %sub3A_96 : vector<2048x1xf32>
    %iota3A_97 = tpu.iota {dimensions = array<i32: 0>} : vector<16x2048xi32>
    %iota3A_98 = tpu.iota {dimensions = array<i32: 1>} : vector<16x2048xi32>
    %jit3A_99 = arith.constant 128 : i32
    %div3A_100 = vector.broadcast %jit3A_99 : i32 to vector<16x2048xi32>
    %div3A_101 = arith.divsi %iota3A_98, %div3A_100 : vector<16x2048xi32>
    %sign3A_102 = arith.constant 0 : i32
    %sign3A_103 = vector.broadcast %sign3A_102 : i32 to vector<16x2048xi32>
    %sign3A_104 = arith.cmpi sgt, %iota3A_98, %sign3A_103 : vector<16x2048xi32>
    %sign3A_105 = arith.extui %sign3A_104 : vector<16x2048xi1> to vector<16x2048xi32>
    %sign3A_106 = arith.constant 0 : i32
    %sign3A_107 = vector.broadcast %sign3A_106 : i32 to vector<16x2048xi32>
    %sign3A_108 = arith.cmpi slt, %iota3A_98, %sign3A_107 : vector<16x2048xi32>
    %sign3A_109 = arith.extui %sign3A_108 : vector<16x2048xi1> to vector<16x2048xi32>
    %sign3A_110 = arith.subi %sign3A_105, %sign3A_109 : vector<16x2048xi32>
    %sign3A_111 = arith.constant 0 : i32
    %sign3A_112 = arith.cmpi sgt, %jit3A_99, %sign3A_111 : i32
    %sign3A_113 = arith.extui %sign3A_112 : i1 to i32
    %sign3A_114 = arith.constant 0 : i32
    %sign3A_115 = arith.cmpi slt, %jit3A_99, %sign3A_114 : i32
    %sign3A_116 = arith.extui %sign3A_115 : i1 to i32
    %sign3A_117 = arith.subi %sign3A_113, %sign3A_116 : i32
    %ne3A_118 = vector.broadcast %sign3A_117 : i32 to vector<16x2048xi32>
    %ne3A_119 = arith.cmpi ne, %sign3A_110, %ne3A_118 : vector<16x2048xi32>
    %rem3A_120 = vector.broadcast %jit3A_99 : i32 to vector<16x2048xi32>
    %rem3A_121 = arith.remsi %iota3A_98, %rem3A_120 : vector<16x2048xi32>
    %ne3A_122 = arith.constant 0 : i32
    %ne3A_123 = vector.broadcast %ne3A_122 : i32 to vector<16x2048xi32>
    %ne3A_124 = arith.cmpi ne, %rem3A_121, %ne3A_123 : vector<16x2048xi32>
    %and3A_125 = arith.andi %ne3A_119, %ne3A_124 : vector<16x2048xi1>
    %sub3A_126 = arith.constant 1 : i32
    %sub3A_127 = vector.broadcast %sub3A_126 : i32 to vector<16x2048xi32>
    %sub3A_128 = arith.subi %div3A_101, %sub3A_127 : vector<16x2048xi32>
    %select_n3A_129 = arith.select %and3A_125, %sub3A_128, %div3A_101 : vector<16x2048xi1>, vector<16x2048xi32>
    %eq3A_130 = arith.cmpi eq, %select_n3A_129, %iota3A_97 : vector<16x2048xi32>
    %convert_element_type3A_131 = arith.extui %eq3A_130 : vector<16x2048xi1> to vector<16x2048xi32>
    %convert_element_type3A_132 = arith.sitofp %convert_element_type3A_131 : vector<16x2048xi32> to vector<16x2048xf32>
    %dot_general3A_133 = arith.constant dense<0.000000e+00> : vector<16x1xf32>
    %dot_general3A_134 = tpu.matmul %convert_element_type3A_132, %exp3A, %dot_general3A_133 {dimension_numbers = #tpu.dot_dimension_numbers<[1], [0], [0], [1], [0, 0, 1, 1], [], []>, transpose_lhs_hint = false} : vector<16x2048xf32>, vector<2048x1xf32>, vector<16x1xf32> -> vector<16x1xf32>
    %mul3A_135 = arith.mulf %exp3A, %broadcast_in_dim3A : vector<2048x1xf32>
    %mul3A_136 = vector.broadcast %mul3A_135 : vector<2048x1xf32> to vector<2048x512xf32>
    %mul3A_137 = arith.mulf %get3A_1, %mul3A_136 : vector<2048x512xf32>
    %dot_general3A_138 = arith.constant dense<0.000000e+00> : vector<16x512xf32>
    %dot_general3A_139 = tpu.matmul %convert_element_type3A_132, %mul3A_137, %dot_general3A_138 {dimension_numbers = #tpu.dot_dimension_numbers<[1], [0], [0], [1], [0, 0, 1, 1], [], []>, transpose_lhs_hint = false} : vector<16x2048xf32>, vector<2048x512xf32>, vector<16x512xf32> -> vector<16x512xf32>
    %div3A_140 = vector.broadcast %dot_general3A_134 : vector<16x1xf32> to vector<16x512xf32>
    %div3A_141 = arith.divf %dot_general3A_139, %div3A_140 : vector<16x512xf32>
    %swap3A = arith.constant 0 : index
    %swap3A_142 = arith.constant 0 : index
    %swap3A_143 = vector.load %arg8[%swap3A, %swap3A_142] : memref<16x512xf32, #tpu.memory_space<vmem>>, vector<16x512xf32>
    tpu.vector_store %arg8[%swap3A, %swap3A_142], %div3A_141 {strides = array<i32>} : memref<16x512xf32, #tpu.memory_space<vmem>>, vector<16x512xf32>,
    return
  }
  func.func @transform_0(%arg0: i32) -> (i32, i32) {
    %c0_i32 = arith.constant 0 : i32
    %c0_i32_0 = arith.constant 0 : i32
    return %arg0, %c0_i32 : i32, i32
  }
  func.func @transform_1(%arg0: i32) -> (i32, i32) {
    %c0_i32 = arith.constant 0 : i32
    %c0_i32_0 = arith.constant 0 : i32
    return %arg0, %c0_i32 : i32, i32
  }
  func.func @transform_2(%arg0: i32) -> (i32, i32, i32) {
    %jit3A = arith.constant 2 : i32
    %div3A = arith.divsi %arg0, %jit3A : i32
    %sign3A = arith.constant 0 : i32
    %sign3A_0 = arith.cmpi sgt, %arg0, %sign3A : i32
    %sign3A_1 = arith.extui %sign3A_0 : i1 to i32
    %sign3A_2 = arith.constant 0 : i32
    %sign3A_3 = arith.cmpi slt, %arg0, %sign3A_2 : i32
    %sign3A_4 = arith.extui %sign3A_3 : i1 to i32
    %sign3A_5 = arith.subi %sign3A_1, %sign3A_4 : i32
    %sign3A_6 = arith.constant 0 : i32
    %sign3A_7 = arith.cmpi sgt, %jit3A, %sign3A_6 : i32
    %sign3A_8 = arith.extui %sign3A_7 : i1 to i32
    %sign3A_9 = arith.constant 0 : i32
    %sign3A_10 = arith.cmpi slt, %jit3A, %sign3A_9 : i32
    %sign3A_11 = arith.extui %sign3A_10 : i1 to i32
    %sign3A_12 = arith.subi %sign3A_8, %sign3A_11 : i32
    %ne3A = arith.cmpi ne, %sign3A_5, %sign3A_12 : i32
    %rem3A = arith.remsi %arg0, %jit3A : i32
    %ne3A_13 = arith.constant 0 : i32
    %ne3A_14 = arith.cmpi ne, %rem3A, %ne3A_13 : i32
    %and3A = arith.andi %ne3A, %ne3A_14 : i1
    %sub3A = arith.constant 1 : i32
    %sub3A_15 = arith.subi %div3A, %sub3A : i32
    %select_n3A = arith.select %and3A, %sub3A_15, %div3A : i32
    %c0_i32 = arith.constant 0 : i32
    %c0_i32_16 = arith.constant 0 : i32
    %c0_i32_17 = arith.constant 0 : i32
    return %select_n3A, %c0_i32, %c0_i32_16 : i32, i32, i32
  }
  func.func @transform_3(%arg0: i32) -> (i32, i32) {
    %c0_i32 = arith.constant 0 : i32
    %c0_i32_0 = arith.constant 0 : i32
    %c0_i32_1 = arith.constant 0 : i32
    return %c0_i32, %c0_i32_0 : i32, i32
  }
  func.func @transform_4(%arg0: i32) -> (i32, i32) {
    %c0_i32 = arith.constant 0 : i32
    %c0_i32_0 = arith.constant 0 : i32
    %c0_i32_1 = arith.constant 0 : i32
    return %c0_i32, %c0_i32_0 : i32, i32
  }
  func.func @transform_5(%arg0: i32) -> (i32, i32) {
    %c0_i32 = arith.constant 0 : i32
    %c0_i32_0 = arith.constant 0 : i32
    %c0_i32_1 = arith.constant 0 : i32
    return %c0_i32, %c0_i32_0 : i32, i32
  }
  func.func @transform_6(%arg0: i32) -> (i32, i32) {
    %c0_i32 = arith.constant 0 : i32
    %c0_i32_0 = arith.constant 0 : i32
    %c0_i32_1 = arith.constant 0 : i32
    return %c0_i32, %c0_i32_0 : i32, i32
  }
  func.func @transform_7(%arg0: i32) -> (i32, i32) {
    %c0_i32 = arith.constant 0 : i32
    %c0_i32_0 = arith.constant 0 : i32
    return %arg0, %c0_i32 : i32, i32
  }
}

</mosaic_0001>

<sc_bundles>
// kernel: kernel.6.cloned.1.call-start
scs
__scs_entry_jumppad:
0x0: {  	(pc) =	sbr.rel $0x88, $3  }
0x1: {  	(tag) =	ssettag $0x0;
	lr =	simm.s32 $0x1  }
0x2: {  	[smem:$0x3F9A] =	sst lr;
	_ =	strace $0xD0000000  }
0x3: {  	_ = 	snop  }
0x4: {  	_ = 	snop  }
0x5: {  	_ = 	snop  }
0x6: {  	_ = 	snop  }
0x7: {  	_ = 	snop  }
__scs_overlays_trampoline_lowered:
0x8: {  	[smem:$0x3FA9] =	sst s0  }
0x9: {  	[smem:$0x3FAA] =	sst s1  }
0xa: {  	[smem:$0x3FAB] =	sst s2  }
0xb: {  	[smem:$0x3FAC] =	sst s3  }
0xc: {  	[smem:$0x3FAD] =	sst s4  }
0xd: {  	[smem:$0x3FAE] =	sst s5  }
0xe: {  	[smem:$0x3FAF] =	sst s6  }
0xf: {  	[smem:$0x3FB0] =	sst s7  }
0x10: {  	[smem:$0x3FB1] =	sst s8  }
0x11: {  	[smem:$0x3FB2] =	sst s9;
	s0 =	simm.s32 @!p0 $0x0  }
0x12: {  	s1 =	sld [smem:$0x3F98];
	s0 =	simm.s32 @p0 $0x1  }
0x13: {  	[smem:$0x3FB3] =	sst s0;
	s0 =	simm.s32 @!p1 $0x0  }
0x14: {  	s2 =	sld [smem:$0x3F97];
	s0 =	simm.s32 @p1 $0x1  }
0x15: {  	[smem:$0x3FB4] =	sst s0;
	s0 =	simm.s32 @!p2 $0x0  }
0x16: {  	s3 =	sld [smem:$0x3FDB];
	s0 =	simm.s32 @p2 $0x1  }
0x17: {  	s4 =	simm.s32 $0x1BF5;
	[smem:$0x3FB6] =	sst s0  }
0x18: {  	s0 =	sld [smem:$0x3F99];
	_ =	swait.ge [sflag:s4], $0x0  }
0x19: {  	s7 =	sld [smem:$0x3F9A]  }
0x1a: {  	s8 =	sadd.s32 $0xFFFFE003, lr  }
0x1b: {  	s9 =	sadd.s32 $0xFFFFFEF7, lr;
	s5 =	simm.s32 $0xFFFFFFFF;
	p2 =	slt.u32 s8, $0xFFFFF086  }
0x1c: {  	p1 =	slt.u32 s9, $0xF7A;
	s5 =	simm.s32 @!p2 $0x0  }
0x1d: {  	s5 =	simm.s32 @p1 $0x1;
	p0 =	seq.s32 s7, s2  }
0x1e: {  	s7 =	smul.u32 @!p0 $0xF7A, s2;
	p2 =	seq.s32 @!p0 s5, $0x0  }
0x1f: {  	s9 =	smul.u32 $0xF7A, s1;
	s8 =	simm.s32 @!p0 $0x1BF5;
	p2 =	por !p2, p0  }
0x20: {  	[sflag:s8] =	ssyncset.s32 @!p0 $0xFFFFF086;
	s6 =	sadd.s32 @!p0 s3, s7;
	s7 =	simm.s32 @!p0 $0x108  }
0x21: {  	s3 =	sadd.s32 s3, s9;
	s6 =	sadd.s32 @!p0 $0x88, s6;
	s7 =	simm.s32 @p2 $0x1082  }
0x22: {  	[simem:s7], [sflag:s8] =	dma.local @!p0 [hbm:s6], $0xF7A  }
0x23: {  	s9 =	sor.u32 $0xD0000000, s2;
	s6 =	simm.s32 $0x108;
	_ =	swait.ge @!p0 [sflag:s8], $0x0  }
0x24: {  	s3 =	sadd.s32 $0x88, s3;
	s6 =	simm.s32 @!p1 $0x1082;
	[sflag:s4] =	ssyncset.s32 $0xFFFFF086  }
0x25: {  	[simem:s6], [sflag:s4] =	dma.local [hbm:s3], $0xF7A  }
0x26: {  	[smem:$0x3F9A] =	sst s1;
	(tag) =	ssettag s2;
	_ =	strace s9  }
0x27: {  	s1 =	sld [smem:$0x3FAA]  }
0x28: {  	s2 =	sld [smem:$0x3FAB]  }
0x29: {  	s4 =	sld [smem:$0x3FAD]  }
0x2a: {  	p0 =	seq.s32 s5, $0x0;
	s5 =	sld [smem:$0x3FAE]  }
0x2b: {  	s6 =	sld [smem:$0x3FAF]  }
0x2c: {  	s7 =	sld [smem:$0x3FB0]  }
0x2d: {  	s3 =	simm.s32 $0x108;
	s8 =	sld [smem:$0x3FB1]  }
0x2e: {  	s3 =	simm.s32 @!p0 $0x1082;
	s9 =	sld [smem:$0x3FB2]  }
0x2f: {  	lr =	sadd.s32 s0, s3;
	s0 =	sld [smem:$0x3FA9]  }
0x30: {  	s3 =	sld [smem:$0x3FAC]  }
0x31: {  	[smem:$0x3FB5] =	sst s10  }
0x32: {  	s10 =	sld [smem:$0x3FB3];
	_ =	sdelay $0x3  }
0x33: {  	p0 =	seq.s32 s10, $0x1;
	s10 =	sld [smem:$0x3FB5];
	_ =	sdelay $0x3  }
0x34: {  	[smem:$0x3FB5] =	sst s10  }
0x35: {  	s10 =	sld [smem:$0x3FB4];
	_ =	sdelay $0x3  }
0x36: {  	p1 =	seq.s32 s10, $0x1;
	s10 =	sld [smem:$0x3FB5];
	_ =	sdelay $0x3  }
0x37: {  	[smem:$0x3FB5] =	sst s10  }
0x38: {  	s10 =	sld [smem:$0x3FB6]  }
0x39: {  	_ = 	snop;
	(pc) =	sbr.ind lr, $3  }
0x3a: {  	_ = 	snop  }
0x3b: {  	_ = 	snop  }
0x3c: {  	p2 =	seq.s32 s10, $0x1;
	s10 =	sld [smem:$0x3FB5]  }
0x3d: {  	_ =	shalt  }
0x3e: {  	_ =	shalt  }
0x3f: {  	_ =	shalt  }
0x40: {  	_ =	shalt  }
0x41: {  	_ =	shalt  }
0x42: {  	_ =	shalt  }
0x43: {  	_ =	shalt  }
0x44: {  	_ =	shalt  }
0x45: {  	_ =	shalt  }
0x46: {  	_ =	shalt  }
0x47: {  	_ =	shalt  }
0x48: {  	_ =	shalt  }
0x49: {  	_ =	shalt  }
0x4a: {  	_ =	shalt  }
0x4b: {  	_ =	shalt  }
0x4c: {  	_ =	shalt  }
0x4d: {  	_ =	shalt  }
0x4e: {  	_ =	shalt  }
0x4f: {  	_ =	shalt  }
0x50: {  	_ =	shalt  }
0x51: {  	_ =	shalt  }
0x52: {  	_ =	shalt  }
0x53: {  	_ =	shalt  }
0x54: {  	_ =	shalt  }
0x55: {  	_ =	shalt  }
0x56: {  	_ =	shalt  }
0x57: {  	_ =	shalt  }
0x58: {  	_ =	shalt  }
0x59: {  	_ =	shalt  }
0x5a: {  	_ =	shalt  }
0x5b: {  	_ =	shalt  }
0x5c: {  	_ =	shalt  }
0x5d: {  	_ =	shalt  }
0x5e: {  	_ =	shalt  }
0x5f: {  	_ =	shalt  }
0x60: {  	_ =	shalt  }
0x61: {  	_ =	shalt  }
0x62: {  	_ =	shalt  }
0x63: {  	_ =	shalt  }
0x64: {  	_ =	shalt  }
0x65: {  	_ =	shalt  }
0x66: {  	_ =	shalt  }
0x67: {  	_ =	shalt  }
0x68: {  	_ =	shalt  }
0x69: {  	_ =	shalt  }
0x6a: {  	_ =	shalt  }
0x6b: {  	_ =	shalt  }
0x6c: {  	_ =	shalt  }
0x6d: {  	_ =	shalt  }
0x6e: {  	_ =	shalt  }
0x6f: {  	_ =	shalt  }
0x70: {  	_ =	shalt  }
0x71: {  	_ =	shalt  }
0x72: {  	_ =	shalt  }
0x73: {  	_ =	shalt  }
0x74: {  	_ =	shalt  }
0x75: {  	_ =	shalt  }
0x76: {  	_ =	shalt  }
0x77: {  	_ =	shalt  }
0x78: {  	_ =	shalt  }
0x79: {  	_ =	shalt  }
0x7a: {  	_ =	shalt  }
0x7b: {  	_ =	shalt  }
0x7c: {  	_ =	shalt  }
0x7d: {  	_ =	shalt  }
0x7e: {  	_ =	shalt  }
0x7f: {  	_ =	shalt  }
0x80: {  	_ =	shalt  }
0x81: {  	_ =	shalt  }
0x82: {  	_ =	shalt  }
0x83: {  	_ =	shalt  }
0x84: {  	_ =	shalt  }
0x85: {  	_ =	shalt  }
0x86: {  	_ =	shalt  }
0x87: {  	_ =	shalt  }
.Lfunc_end0:
.L_simem_size_0:
called_computation_lowered:
.L_overlay_start_0:
0x88: {  	s2 =	sld [smem:$0x3FD9]  }
0x89: {  	s3 =	sld [smem:$0x3FFE];
	_ =	sdelay $0x1  }
0x8a: {  	s1 =	srdreg.scid  }
0x8b: {  	s0 =	sand.u32 $0x1, s1  }
0x8c: {  	s17 =	sshll.u32 s0, $0xA;
	s2 =	sadd.s32 s3, s2  }
0x8d: {  	s2 =	sadd.s32 s2, s17  }
0x8e: {  	[smem:$0x3FC1] =	sst s2  }
0x8f: {  	_ = 	snop  }
0x90: {  	s18 =	sld [smem:$0x3FC8]  }
0x91: {  	s4 =	sld [smem:$0x3FC7];
	(tm) =	ssettm $0x1  }
0x92: {  	s19 =	sld [smem:$0x3FFB];
	_ =	sdelay $0x3  }
0x93: {  	_ =	strace s19  }
0x94: {  	s2 =	sld [smem:$0x3FFC];
	_ =	sdelay $0x3  }
0x95: {  	_ =	strace s2  }
0x96: {  	s2 =	sld [smem:$0x3FFD];
	_ =	sdelay $0x3  }
0x97: {  	_ =	strace s2  }
0x98: {  	_ =	strace $0x8FFFFFFF  }
0x99: {  	s20 =	sld [smem:$0x3FDB];
	_ =	sdelay $0x1  }
0x9a: {  	s5 =	simm.s32 $_scs_section_size  }
0x9b: {  	s6 =	simm.s32 $_size__tile_overlayer_lowered;
	s7 =	simm.s32 $_tile_overlayer_lowered  }
0x9c: {  	s8 =	simm.s32 $0x1BFF;
	s21 =	sshll.u32 s7, $0x1;
	s5 =	sadd.s32 s5, s20  }
0x9d: {  	s22 =	simm.s32 $0x0;
	s6 =	sshll.u32 s6, $0x1;
	s7 =	sadd.s32 s21, s5  }
0x9e: {  	[timem:s22], [sflag:s8] =	dma.local [hbm:s7], s6  }
0x9f: {  	_ =	swait.ge [sflag:s8], s6  }
0xa0: {  	s6 =	ssub.s32 $0x0, s6;
	[sflag:s8] =	ssyncset.done $0x0  }
0xa1: {  	[sflag:s8] =	ssyncadd.s32 s6;
	_ =	sdelay $0x1  }
0xa2: {  	s23 =	simm.s32 $0x1B8B  }
0xa3: {  	_ =	swait.ge [sflag:s23], $0x1  }
0xa4: {  	[sflag:s23] =	ssyncset.done $0x0  }
0xa5: {  	[sflag:s23] =	ssyncadd.s32 $0xFFFFFFFF  }
0xa6: {  	s6 =	sld [smem:$0x0]  }
0xa7: {  	s7 =	sand.u32 $0xFFFFFFFE, s1  }
0xa8: {  	p0 =	sne.s32 s1, s7  }
0xa9: {  	s7 =	sshll.u32 @p0 s7, $0xE  }
0xaa: {  	s7 =	sadd.s32 @p0 $0x11B8D, s7;
	s8 =	sshll.u32 @p0 s6, $0x11  }
0xab: {  	s7 =	sor.u32 @p0 s8, s7  }
0xac: {  	[sflag:s7] =	ssyncadd.remote.s32 @p0 $0x1;
	_ =	sdelay $0x1  }
0xad: {  	s7 =	simm.s32 @p0 $0x1B8D  }
0xae: {  	_ =	swait.eq @p0 [sflag:s7], $0x1  }
0xaf: {  	[sflag:s7] =	ssyncadd.s32 @p0 $0xFFFFFFFF  }
0xb0: {  	s8 =	sshll.u32 @!p0 s1, $0xE  }
0xb1: {  	s8 =	sor.u32 @!p0 $0x4000, s8;
	s7 =	simm.s32 @!p0 $0x1B8D  }
0xb2: {  	s6 =	sshll.u32 @!p0 s6, $0x11;
	s8 =	sadd.s32 @!p0 $0x11B8D, s8;
	_ =	swait.eq @!p0 [sflag:s7], $0x1  }
0xb3: {  	s6 =	sor.u32 @!p0 s6, s8;
	[sflag:s7] =	ssyncadd.s32 @!p0 $0xFFFFFFFF  }
0xb4: {  	s25 =	simm.s32 $0x1B8E;
	s24 =	sld [smem:$0x3FFE];
	[sflag:s6] =	ssyncadd.remote.s32 @!p0 $0x1  }
0xb5: {  	s26 =	simm.s32 $execute0_lowered;
	[smem:$0x3FD2] =	sst s25  }
0xb6: {  	s7 =	sshll.u32 s26, $0x1;
	_ =	strace $0x80000049;
	[dreg:$0x1] =	wrdreg $0xFFFFFFFF  }
0xb7: {  	s28 =	simm.s32 $_size_execute0_lowered;
	s5 =	sadd.s32 s5, s7;
	[dreg:$0x0] =	wrdreg $0x0  }
0xb8: {  	s7 =	sshll.u32 s28, $0x1;
	[dreg:$0x2] =	wrdreg s5  }
0xb9: {  	[dreg:$0x3] =	wrdreg s7  }
0xba: {  	[dreg:$0x4] =	wrdreg $0xC0  }
0xbb: {  	_ =	task [dreg:s22], $0x5FFFF  }
0xbc: {  	[dreg:$0x1] =	wrdreg $0xFFFFFFFF  }
0xbd: {  	[dreg:$0x0] =	wrdreg $0x60  }
0xbe: {  	[dreg:$0x2] =	wrdreg s4  }
0xbf: {  	[dreg:$0x3] =	wrdreg s18  }
0xc0: {  	[dreg:$0x4] =	wrdreg s24  }
0xc1: {  	[dreg:$0x5] =	wrdreg $0x9  }
0xc2: {  	_ =	task.clear_ibuf [dreg:s22], $0x6FFFF;
	_ =	strace $0x90000049  }
0xc3: {  	s29 =	simm.s32 $0x9;
	_ =	strace $0x8000004B  }
0xc4: {  	_ =	swait.ge [sflag:s29], $0x1  }
0xc5: {  	[sflag:s29] =	ssyncadd.s32 $0xFFFFFFFF  }
0xc6: {  	_ =	strace $0x9000004B  }
0xc7: {  	_ =	sfence  }
0xc8: {  	s30 =	sld [smem:$0x0];
	_ =	sdelay $0x2  }
0xc9: {  	s31 =	sshll.u32 s1, $0xD;
	s1 =	sshrl.u32 s1, $0x2  }
0xca: {  	s4 =	sand.u32 $0x4000, s31;
	s1 =	sadd.s32 s1, s30  }
0xcb: {  	s0 =	sor.u32 s4, s0;
	s1 =	sshll.u32 s1, $0x11  }
0xcc: {  	s0 =	sor.u32 s1, s0  }
0xcd: {  	s0 =	sadd.s32 $0x8F2B, s0  }
0xce: {  	[sflag:s0] =	ssyncadd.remote.s32 $0x1  }
0xcf: {  	_ =	sfence.sel $0xFFFF  }
0xd0: {  	[dreg:$0x0] =	wrdreg $0xFFFFFFFF;
	(pc) =	sbr.abs _section_cstart, $3  }
0xd1: {  	[dreg:$0x1] =	wrdreg $0xFFFFFFFF  }
0xd2: {  	_ =	task.clear_ibuf [dreg:s22], $0x2FFFF;
	_ =	strace $0x9FFFFFFF  }
0xd3: {  	(tm) =	ssettm $0x7FFFFFFF  }
tec
execute0_lowered:
.L_overlay_start_1:
0x0: {  	(tag) =	ssettag $0x1  }
0x1: {  	s0 =	srdreg.scid;
	s1 =	rddreg [dreg:$0x0]  }
0x2: {  	s3 =	stileid.u32;
	s4 =	rddreg [dreg:$0x1]  }
0x3: {  	s5 =	rddreg [dreg:$0x2];
	s13 =	simm.s32 $0x1;
	s15 =	simm.s32 $0x2  }
0x4: {  	s28 =	simm.s32 $0x5200;
	s29 =	simm.s32 $0x5A00;
	s30 =	simm.s32 $0x6200  }
0x5: {  	s31 =	simm.s32 $0x6A00;
	s8 =	simm.s32 $0x11200;
	s9 =	simm.s32 $0x11A00  }
0x6: {  	s10 =	simm.s32 $0x12200;
	s11 =	simm.s32 $0x12A00;
	s12 =	simm.s32 $0x13200  }
0x7: {  	s14 =	simm.s32 $0x13A00;
	s0 =	sand.u32 $0x1, s0;
	s2 =	sshll.u32 s3, $0x1  }
0x8: {  	s17 =	simm.s32 $0x15200;
	s6 =	sshll.u32 s3, $0x9;
	s2 =	sor.u32 s0, s2  }
0x9: {  	s3 =	simm.s32 $0x0;
	s7 =	sshll.u32 s2, $0x6;
	s2 =	sshll.u32 s2, $0xF  }
0xa: {  	s18 =	simm.s32 $0x15A00;
	[smem:$0x7FF] =	sst s3;
	s2 =	sadd.s32 s2, s5  }
0xb: {  	s0 =	ssub.s32 $0x2, s0;
	_ =	strace $0x8000004A;
	s19 =	sadd.s32 $0x101400, s2  }
0xc: {  	s25 =	sshrl.u32 s0, $0x1;
	s20 =	sadd.s32 $0x102400, s2;
	[dreg:$0x5] =	wrdreg s19  }
0xd: {  	s6 =	sor.u32 s6, s7;
	s21 =	sadd.s32 $0x103400, s2;
	[dreg:$0x6] =	wrdreg s20  }
0xe: {  	s0 =	ssub.s32 s0, s25;
	s22 =	sadd.s32 $0x104400, s2;
	[dreg:$0x7] =	wrdreg s21  }
0xf: {  	s7 =	simm.s32 $0x10200;
	s23 =	sadd.s32 $0x105400, s2;
	[dreg:$0x8] =	wrdreg s22  }
0x10: {  	s6 =	sor.u32 $0x600, s6;
	s24 =	sadd.s32 $0x106400, s2;
	[dreg:$0x9] =	wrdreg s23  }
0x11: {  	s26 =	sadd.s32 $0x107400, s2;
	s2 =	sadd.s32 $0x108400, s2;
	[dreg:$0xa] =	wrdreg s24  }
0x12: {  	s5 =	smax.u32 s0, $0x1;
	s0 =	simm.s32 $0x200;
	[dreg:$0xb] =	wrdreg s26  }
0x13: {  	s4 =	sadd.s32 s4, s6;
	[dreg:$0xc] =	wrdreg s2;
	s24 =	simm.s32 $0x8200  }
0x14: {  	v2 =	vlaneseq.u32;
	s26 =	simm.s32 $0x4A00;
	s6 =	simm.s32 $0x10A00;
	s23 =	simm.s32 $0x14200  }
0x15: {  	vm0 =	vmmov $0xffff;
	v1 =	vshrl.u32 v2, $0x3;
	s19 =	simm.s32 $0x16200;
	s20 =	simm.s32 $0x16A00;
	s21 =	simm.s32 $0x17200  }
0x16: {  	v0 =	vand.u32 $0x7, v2;
	v2 =	vor.u32 $0x8, v2;
	v1 =	vmul.u32 $0x8, v1;
	s22 =	simm.s32 $0x17A00;
	[dreg:$0x4] =	wrdreg s4;
	s4 =	sadd.s32 $0x100, s1  }
.LBB2_1:
0x17: {  	s16 =	rddreg [dreg:$0x4];
	s2 =	simm.s32 $0x3  }
0x18: {  	[tilespmem:s3], [sflag:$0x3] =	stream.linear.gather [hbm4b:s16+s3], $0x200, $0x38;
	[tilespmem:$0x18200] =	vst v63  }
0x19: {  	_ =	swait.ge [sflag:s2], $0x200  }
0x1a: {  	[sflag:s2] =	ssyncset.done $0x0  }
0x1b: {  	[sflag:s2] =	ssyncadd.s32 $0xFFFFFE00  }
0x1c: {  	v3 =	vld [tilespmem:$0x0];
	_ =	sdelay $0x4  }
0x1d: {  	v4 =	vshll.u32 v3, $0x2  }
0x1e: {  	v3 =	vand.u32 $0x7, v3;
	v4 =	vand.u32 $0xFFFFFFE0, v4  }
0x1f: {  	v3 =	vor.u32 v3, v4  }
0x20: {  	v4 =	vperm.xlane v3, v0;
	_ =	sdelay $0x1  }
0x21: {  	v4 =	vadd.s32 v1, v4;
	_ =	sdelay $0x1  }
0x22: {  	v3 =	vperm.xlane v3, v2;
	_ =	sdelay $0x1  }
0x23: {  	v3 =	vadd.s32 v1, v3  }
0x24: {  	[tilespmem:s0], [sflag:$0x1] =	stream.indirect_vreg.gather [hbm4b:s1+s3], $0x80, v4, vm0, $0xb8;
	[tilespmem:$0x18200] =	vst v63  }
0x25: {  	s2 =	simm.s32 $0xA00  }
0x26: {  	[tilespmem:s2], [sflag:$0x1] =	stream.indirect_vreg.gather [hbm4b:s4+s3], $0x80, v4, vm0, $0xb8;
	[tilespmem:$0x18200] =	vst v63  }
0x27: {  	s16 =	simm.s32 $0x1200  }
0x28: {  	[tilespmem:s16], [sflag:$0x1] =	stream.indirect_vreg.gather [hbm4b:s1+s3], $0x80, v3, vm0, $0xb8;
	[tilespmem:$0x18200] =	vst v63  }
0x29: {  	s25 =	simm.s32 $0x1A00  }
0x2a: {  	[tilespmem:s25], [sflag:$0x1] =	stream.indirect_vreg.gather [hbm4b:s4+s3], $0x80, v3, vm0, $0xb8;
	[tilespmem:$0x18200] =	vst v63  }
0x2b: {  	v3 =	vld [tilespmem:$0x10];
	_ =	sdelay $0x4  }
0x2c: {  	v33 =	vshll.u32 v3, $0x2  }
0x2d: {  	v3 =	vand.u32 $0x7, v3;
	v4 =	vand.u32 $0xFFFFFFE0, v33  }
0x2e: {  	v3 =	vor.u32 v3, v4  }
0x2f: {  	v4 =	vperm.xlane v3, v0;
	_ =	sdelay $0x1  }
0x30: {  	v4 =	vadd.s32 v1, v4;
	_ =	sdelay $0x1  }
0x31: {  	v3 =	vperm.xlane v3, v2;
	_ =	sdelay $0x1  }
0x32: {  	s16 =	simm.s32 $0x2200;
	v3 =	vadd.s32 v1, v3  }
0x33: {  	[tilespmem:s16], [sflag:$0x1] =	stream.indirect_vreg.gather [hbm4b:s1+s3], $0x80, v4, vm0, $0xb8;
	[tilespmem:$0x18200] =	vst v63  }
0x34: {  	s16 =	simm.s32 $0x2A00  }
0x35: {  	[tilespmem:s16], [sflag:$0x1] =	stream.indirect_vreg.gather [hbm4b:s4+s3], $0x80, v4, vm0, $0xb8;
	[tilespmem:$0x18200] =	vst v63  }
0x36: {  	s16 =	simm.s32 $0x3200  }
0x37: {  	[tilespmem:s16], [sflag:$0x1] =	stream.indirect_vreg.gather [hbm4b:s1+s3], $0x80, v3, vm0, $0xb8;
	[tilespmem:$0x18200] =	vst v63  }
0x38: {  	s16 =	simm.s32 $0x3A00  }
0x39: {  	[tilespmem:s16], [sflag:$0x1] =	stream.indirect_vreg.gather [hbm4b:s4+s3], $0x80, v3, vm0, $0xb8;
	[tilespmem:$0x18200] =	vst v63  }
0x3a: {  	v3 =	vld [tilespmem:$0x20];
	_ =	sdelay $0x4  }
0x3b: {  	v34 =	vshll.u32 v3, $0x2  }
0x3c: {  	v3 =	vand.u32 $0x7, v3;
	v4 =	vand.u32 $0xFFFFFFE0, v34  }
0x3d: {  	v3 =	vor.u32 v3, v4  }
0x3e: {  	v4 =	vperm.xlane v3, v0;
	_ =	sdelay $0x1  }
0x3f: {  	v4 =	vadd.s32 v1, v4;
	_ =	sdelay $0x1  }
0x40: {  	v3 =	vperm.xlane v3, v2;
	_ =	sdelay $0x1  }
0x41: {  	s16 =	simm.s32 $0x4200;
	v3 =	vadd.s32 v1, v3  }
0x42: {  	[tilespmem:s16], [sflag:$0x1] =	stream.indirect_vreg.gather [hbm4b:s1+s3], $0x80, v4, vm0, $0xb8;
	[tilespmem:$0x18200] =	vst v63  }
0x43: {  	_ = 	snop  }
0x44: {  	[tilespmem:s26], [sflag:$0x1] =	stream.indirect_vreg.gather [hbm4b:s4+s3], $0x80, v4, vm0, $0xb8;
	[tilespmem:$0x18200] =	vst v63  }
0x45: {  	_ = 	snop  }
0x46: {  	[tilespmem:s28], [sflag:$0x1] =	stream.indirect_vreg.gather [hbm4b:s1+s3], $0x80, v3, vm0, $0xb8;
	[tilespmem:$0x18200] =	vst v63  }
0x47: {  	_ = 	snop  }
0x48: {  	[tilespmem:s29], [sflag:$0x1] =	stream.indirect_vreg.gather [hbm4b:s4+s3], $0x80, v3, vm0, $0xb8;
	[tilespmem:$0x18200] =	vst v63  }
0x49: {  	v3 =	vld [tilespmem:$0x30];
	_ =	sdelay $0x4  }
0x4a: {  	v35 =	vshll.u32 v3, $0x2  }
0x4b: {  	v3 =	vand.u32 $0x7, v3;
	v4 =	vand.u32 $0xFFFFFFE0, v35  }
0x4c: {  	v3 =	vor.u32 v3, v4  }
0x4d: {  	v4 =	vperm.xlane v3, v0;
	_ =	sdelay $0x1  }
0x4e: {  	v4 =	vadd.s32 v1, v4;
	_ =	sdelay $0x1  }
0x4f: {  	v3 =	vperm.xlane v3, v2;
	_ =	sdelay $0x1  }
0x50: {  	v3 =	vadd.s32 v1, v3  }
0x51: {  	[tilespmem:s30], [sflag:$0x1] =	stream.indirect_vreg.gather [hbm4b:s1+s3], $0x80, v4, vm0, $0xb8;
	[tilespmem:$0x18200] =	vst v63  }
0x52: {  	_ = 	snop  }
0x53: {  	[tilespmem:s31], [sflag:$0x1] =	stream.indirect_vreg.gather [hbm4b:s4+s3], $0x80, v4, vm0, $0xb8;
	[tilespmem:$0x18200] =	vst v63  }
0x54: {  	s16 =	simm.s32 $0x7200  }
0x55: {  	[tilespmem:s16], [sflag:$0x1] =	stream.indirect_vreg.gather [hbm4b:s1+s3], $0x80, v3, vm0, $0xb8;
	[tilespmem:$0x18200] =	vst v63  }
0x56: {  	s16 =	simm.s32 $0x7A00  }
0x57: {  	[tilespmem:s16], [sflag:$0x1] =	stream.indirect_vreg.gather [hbm4b:s4+s3], $0x80, v3, vm0, $0xb8;
	[tilespmem:$0x18200] =	vst v63  }
0x58: {  	v3 =	vld [tilespmem:$0x40];
	_ =	sdelay $0x4  }
0x59: {  	v36 =	vshll.u32 v3, $0x2  }
0x5a: {  	v3 =	vand.u32 $0x7, v3;
	v4 =	vand.u32 $0xFFFFFFE0, v36  }
0x5b: {  	v3 =	vor.u32 v3, v4  }
0x5c: {  	v4 =	vperm.xlane v3, v0;
	_ =	sdelay $0x1  }
0x5d: {  	v4 =	vadd.s32 v1, v4;
	_ =	sdelay $0x1  }
0x5e: {  	v3 =	vperm.xlane v3, v2;
	_ =	sdelay $0x1  }
0x5f: {  	v3 =	vadd.s32 v1, v3  }
0x60: {  	[tilespmem:s24], [sflag:$0x1] =	stream.indirect_vreg.gather [hbm4b:s1+s3], $0x80, v4, vm0, $0xb8;
	[tilespmem:$0x18200] =	vst v63  }
0x61: {  	s16 =	simm.s32 $0x8A00  }
0x62: {  	[tilespmem:s16], [sflag:$0x1] =	stream.indirect_vreg.gather [hbm4b:s4+s3], $0x80, v4, vm0, $0xb8;
	[tilespmem:$0x18200] =	vst v63  }
0x63: {  	s16 =	simm.s32 $0x9200  }
0x64: {  	[tilespmem:s16], [sflag:$0x1] =	stream.indirect_vreg.gather [hbm4b:s1+s3], $0x80, v3, vm0, $0xb8;
	[tilespmem:$0x18200] =	vst v63  }
0x65: {  	s16 =	simm.s32 $0x9A00  }
0x66: {  	[tilespmem:s16], [sflag:$0x1] =	stream.indirect_vreg.gather [hbm4b:s4+s3], $0x80, v3, vm0, $0xb8;
	[tilespmem:$0x18200] =	vst v63  }
0x67: {  	v3 =	vld [tilespmem:$0x50];
	_ =	sdelay $0x4  }
0x68: {  	v37 =	vshll.u32 v3, $0x2  }
0x69: {  	v3 =	vand.u32 $0x7, v3;
	v4 =	vand.u32 $0xFFFFFFE0, v37  }
0x6a: {  	v3 =	vor.u32 v3, v4  }
0x6b: {  	v4 =	vperm.xlane v3, v0;
	_ =	sdelay $0x1  }
0x6c: {  	v4 =	vadd.s32 v1, v4;
	_ =	sdelay $0x1  }
0x6d: {  	v3 =	vperm.xlane v3, v2;
	_ =	sdelay $0x1  }
0x6e: {  	s16 =	simm.s32 $0xA200;
	v3 =	vadd.s32 v1, v3  }
0x6f: {  	[tilespmem:s16], [sflag:$0x1] =	stream.indirect_vreg.gather [hbm4b:s1+s3], $0x80, v4, vm0, $0xb8;
	[tilespmem:$0x18200] =	vst v63  }
0x70: {  	s16 =	simm.s32 $0xAA00  }
0x71: {  	[tilespmem:s16], [sflag:$0x1] =	stream.indirect_vreg.gather [hbm4b:s4+s3], $0x80, v4, vm0, $0xb8;
	[tilespmem:$0x18200] =	vst v63  }
0x72: {  	s16 =	simm.s32 $0xB200  }
0x73: {  	[tilespmem:s16], [sflag:$0x1] =	stream.indirect_vreg.gather [hbm4b:s1+s3], $0x80, v3, vm0, $0xb8;
	[tilespmem:$0x18200] =	vst v63  }
0x74: {  	s16 =	simm.s32 $0xBA00  }
0x75: {  	[tilespmem:s16], [sflag:$0x1] =	stream.indirect_vreg.gather [hbm4b:s4+s3], $0x80, v3, vm0, $0xb8;
	[tilespmem:$0x18200] =	vst v63  }
0x76: {  	v3 =	vld [tilespmem:$0x60];
	_ =	sdelay $0x4  }
0x77: {  	v38 =	vshll.u32 v3, $0x2  }
0x78: {  	v3 =	vand.u32 $0x7, v3;
	v4 =	vand.u32 $0xFFFFFFE0, v38  }
0x79: {  	v3 =	vor.u32 v3, v4  }
0x7a: {  	v4 =	vperm.xlane v3, v0;
	_ =	sdelay $0x1  }
0x7b: {  	v4 =	vadd.s32 v1, v4;
	_ =	sdelay $0x1  }
0x7c: {  	v3 =	vperm.xlane v3, v2;
	_ =	sdelay $0x1  }
0x7d: {  	s16 =	simm.s32 $0xC200;
	v3 =	vadd.s32 v1, v3  }
0x7e: {  	[tilespmem:s16], [sflag:$0x1] =	stream.indirect_vreg.gather [hbm4b:s1+s3], $0x80, v4, vm0, $0xb8;
	[tilespmem:$0x18200] =	vst v63  }
0x7f: {  	s16 =	simm.s32 $0xCA00  }
0x80: {  	[tilespmem:s16], [sflag:$0x1] =	stream.indirect_vreg.gather [hbm4b:s4+s3], $0x80, v4, vm0, $0xb8;
	[tilespmem:$0x18200] =	vst v63  }
0x81: {  	s16 =	simm.s32 $0xD200  }
0x82: {  	[tilespmem:s16], [sflag:$0x1] =	stream.indirect_vreg.gather [hbm4b:s1+s3], $0x80, v3, vm0, $0xb8;
	[tilespmem:$0x18200] =	vst v63  }
0x83: {  	s16 =	simm.s32 $0xDA00  }
0x84: {  	[tilespmem:s16], [sflag:$0x1] =	stream.indirect_vreg.gather [hbm4b:s4+s3], $0x80, v3, vm0, $0xb8;
	[tilespmem:$0x18200] =	vst v63  }
0x85: {  	v3 =	vld [tilespmem:$0x70];
	_ =	sdelay $0x4  }
0x86: {  	v39 =	vshll.u32 v3, $0x2  }
0x87: {  	v3 =	vand.u32 $0x7, v3;
	v4 =	vand.u32 $0xFFFFFFE0, v39  }
0x88: {  	v3 =	vor.u32 v3, v4  }
0x89: {  	v4 =	vperm.xlane v3, v0;
	_ =	sdelay $0x1  }
0x8a: {  	v4 =	vadd.s32 v1, v4;
	_ =	sdelay $0x1  }
0x8b: {  	v3 =	vperm.xlane v3, v2;
	_ =	sdelay $0x1  }
0x8c: {  	s16 =	simm.s32 $0xE200;
	v3 =	vadd.s32 v1, v3  }
0x8d: {  	[tilespmem:s16], [sflag:$0x1] =	stream.indirect_vreg.gather [hbm4b:s1+s3], $0x80, v4, vm0, $0xb8;
	[tilespmem:$0x18200] =	vst v63  }
0x8e: {  	s16 =	simm.s32 $0xEA00  }
0x8f: {  	[tilespmem:s16], [sflag:$0x1] =	stream.indirect_vreg.gather [hbm4b:s4+s3], $0x80, v4, vm0, $0xb8;
	[tilespmem:$0x18200] =	vst v63  }
0x90: {  	s16 =	simm.s32 $0xF200  }
0x91: {  	[tilespmem:s16], [sflag:$0x1] =	stream.indirect_vreg.gather [hbm4b:s1+s3], $0x80, v3, vm0, $0xb8;
	[tilespmem:$0x18200] =	vst v63  }
0x92: {  	s16 =	simm.s32 $0xFA00  }
0x93: {  	[tilespmem:s16], [sflag:$0x1] =	stream.indirect_vreg.gather [hbm4b:s4+s3], $0x80, v3, vm0, $0xb8;
	[tilespmem:$0x18200] =	vst v63  }
0x94: {  	_ =	swait.ge [sflag:s13], $0x8000  }
0x95: {  	[sflag:s13] =	ssyncset.done $0x0  }
0x96: {  	[sflag:s13] =	ssyncadd.s32 $0xFFFF8000  }
0x97: {  	v3 =	vld [tilespmem:$0x80];
	_ =	sdelay $0x4  }
0x98: {  	v40 =	vshll.u32 v3, $0x2  }
0x99: {  	v3 =	vand.u32 $0x7, v3;
	v4 =	vand.u32 $0xFFFFFFE0, v40  }
0x9a: {  	v3 =	vor.u32 v3, v4  }
0x9b: {  	v4 =	vperm.xlane v3, v0;
	_ =	sdelay $0x1  }
0x9c: {  	v4 =	vadd.s32 v1, v4;
	_ =	sdelay $0x1  }
0x9d: {  	v3 =	vperm.xlane v3, v2;
	_ =	sdelay $0x1  }
0x9e: {  	v3 =	vadd.s32 v1, v3  }
0x9f: {  	[tilespmem:s7], [sflag:$0x1] =	stream.indirect_vreg.gather [hbm4b:s1+s3], $0x80, v4, vm0, $0xb8;
	[tilespmem:$0x18200] =	vst v63  }
0xa0: {  	_ = 	snop  }
0xa1: {  	[tilespmem:s6], [sflag:$0x1] =	stream.indirect_vreg.gather [hbm4b:s4+s3], $0x80, v4, vm0, $0xb8;
	[tilespmem:$0x18200] =	vst v63  }
0xa2: {  	_ = 	snop  }
0xa3: {  	[tilespmem:s8], [sflag:$0x1] =	stream.indirect_vreg.gather [hbm4b:s1+s3], $0x80, v3, vm0, $0xb8;
	[tilespmem:$0x18200] =	vst v63  }
0xa4: {  	_ = 	snop  }
0xa5: {  	[tilespmem:s9], [sflag:$0x1] =	stream.indirect_vreg.gather [hbm4b:s4+s3], $0x80, v3, vm0, $0xb8;
	[tilespmem:$0x18200] =	vst v63  }
0xa6: {  	v3 =	vld [tilespmem:$0x90];
	_ =	sdelay $0x4  }
0xa7: {  	v41 =	vshll.u32 v3, $0x2  }
0xa8: {  	v3 =	vand.u32 $0x7, v3;
	v4 =	vand.u32 $0xFFFFFFE0, v41  }
0xa9: {  	v3 =	vor.u32 v3, v4  }
0xaa: {  	v4 =	vperm.xlane v3, v0;
	_ =	sdelay $0x1  }
0xab: {  	v4 =	vadd.s32 v1, v4;
	_ =	sdelay $0x1  }
0xac: {  	v3 =	vperm.xlane v3, v2;
	_ =	sdelay $0x1  }
0xad: {  	v3 =	vadd.s32 v1, v3  }
0xae: {  	[tilespmem:s10], [sflag:$0x1] =	stream.indirect_vreg.gather [hbm4b:s1+s3], $0x80, v4, vm0, $0xb8;
	[tilespmem:$0x18200] =	vst v63  }
0xaf: {  	_ = 	snop  }
0xb0: {  	[tilespmem:s11], [sflag:$0x1] =	stream.indirect_vreg.gather [hbm4b:s4+s3], $0x80, v4, vm0, $0xb8;
	[tilespmem:$0x18200] =	vst v63  }
0xb1: {  	_ = 	snop  }
0xb2: {  	[tilespmem:s12], [sflag:$0x1] =	stream.indirect_vreg.gather [hbm4b:s1+s3], $0x80, v3, vm0, $0xb8;
	[tilespmem:$0x18200] =	vst v63  }
0xb3: {  	_ = 	snop  }
0xb4: {  	[tilespmem:s14], [sflag:$0x1] =	stream.indirect_vreg.gather [hbm4b:s4+s3], $0x80, v3, vm0, $0xb8;
	[tilespmem:$0x18200] =	vst v63  }
0xb5: {  	v3 =	vld [tilespmem:$0xA0];
	_ =	sdelay $0x4  }
0xb6: {  	v42 =	vshll.u32 v3, $0x2  }
0xb7: {  	v3 =	vand.u32 $0x7, v3;
	v4 =	vand.u32 $0xFFFFFFE0, v42  }
0xb8: {  	v3 =	vor.u32 v3, v4  }
0xb9: {  	v4 =	vperm.xlane v3, v0;
	_ =	sdelay $0x1  }
0xba: {  	v4 =	vadd.s32 v1, v4;
	_ =	sdelay $0x1  }
0xbb: {  	v3 =	vperm.xlane v3, v2;
	_ =	sdelay $0x1  }
0xbc: {  	v3 =	vadd.s32 v1, v3  }
0xbd: {  	[tilespmem:s23], [sflag:$0x1] =	stream.indirect_vreg.gather [hbm4b:s1+s3], $0x80, v4, vm0, $0xb8;
	[tilespmem:$0x18200] =	vst v63  }
0xbe: {  	s2 =	simm.s32 $0x14A00  }
0xbf: {  	[tilespmem:s2], [sflag:$0x1] =	stream.indirect_vreg.gather [hbm4b:s4+s3], $0x80, v4, vm0, $0xb8;
	[tilespmem:$0x18200] =	vst v63  }
0xc0: {  	_ = 	snop  }
0xc1: {  	[tilespmem:s17], [sflag:$0x1] =	stream.indirect_vreg.gather [hbm4b:s1+s3], $0x80, v3, vm0, $0xb8;
	[tilespmem:$0x18200] =	vst v63  }
0xc2: {  	_ = 	snop  }
0xc3: {  	[tilespmem:s18], [sflag:$0x1] =	stream.indirect_vreg.gather [hbm4b:s4+s3], $0x80, v3, vm0, $0xb8;
	[tilespmem:$0x18200] =	vst v63  }
0xc4: {  	v3 =	vld [tilespmem:$0xB0];
	_ =	sdelay $0x4  }
0xc5: {  	v43 =	vshll.u32 v3, $0x2  }
0xc6: {  	v3 =	vand.u32 $0x7, v3;
	v4 =	vand.u32 $0xFFFFFFE0, v43  }
0xc7: {  	v3 =	vor.u32 v3, v4  }
0xc8: {  	v4 =	vperm.xlane v3, v0;
	_ =	sdelay $0x1  }
0xc9: {  	v4 =	vadd.s32 v1, v4;
	_ =	sdelay $0x1  }
0xca: {  	v3 =	vperm.xlane v3, v2;
	_ =	sdelay $0x1  }
0xcb: {  	v3 =	vadd.s32 v1, v3  }
0xcc: {  	[tilespmem:s19], [sflag:$0x1] =	stream.indirect_vreg.gather [hbm4b:s1+s3], $0x80, v4, vm0, $0xb8;
	[tilespmem:$0x18200] =	vst v63  }
0xcd: {  	_ = 	snop  }
0xce: {  	[tilespmem:s20], [sflag:$0x1] =	stream.indirect_vreg.gather [hbm4b:s4+s3], $0x80, v4, vm0, $0xb8;
	[tilespmem:$0x18200] =	vst v63  }
0xcf: {  	_ = 	snop  }
0xd0: {  	[tilespmem:s21], [sflag:$0x1] =	stream.indirect_vreg.gather [hbm4b:s1+s3], $0x80, v3, vm0, $0xb8;
	[tilespmem:$0x18200] =	vst v63  }
0xd1: {  	_ = 	snop  }
0xd2: {  	[tilespmem:s22], [sflag:$0x1] =	stream.indirect_vreg.gather [hbm4b:s4+s3], $0x80, v3, vm0, $0xb8;
	[tilespmem:$0x18200] =	vst v63  }
0xd3: {  	s16 =	rddreg [dreg:$0x5]  }
0xd4: {  	[hbm4b:s16+s3] =	stream.linear.scatter [tilespmem:s0], [sflag:$0x2], $0x8000, $0x38;
	[tilespmem:$0x18200] =	vst v63  }
0xd5: {  	_ =	swait.ge [sflag:s13], $0x8000  }
0xd6: {  	[sflag:s13] =	ssyncset.done $0x0  }
0xd7: {  	[sflag:s13] =	ssyncadd.s32 $0xFFFF8000  }
0xd8: {  	_ =	swait.ge [sflag:s15], $0x8000  }
0xd9: {  	[sflag:s15] =	ssyncset.done $0x0  }
0xda: {  	[sflag:s15] =	ssyncadd.s32 $0xFFFF8000  }
0xdb: {  	v3 =	vld [tilespmem:$0xC0];
	_ =	sdelay $0x4  }
0xdc: {  	v44 =	vshll.u32 v3, $0x2  }
0xdd: {  	v3 =	vand.u32 $0x7, v3;
	v4 =	vand.u32 $0xFFFFFFE0, v44  }
0xde: {  	v3 =	vor.u32 v3, v4  }
0xdf: {  	v4 =	vperm.xlane v3, v0;
	_ =	sdelay $0x1  }
0xe0: {  	v4 =	vadd.s32 v1, v4;
	_ =	sdelay $0x1  }
0xe1: {  	v3 =	vperm.xlane v3, v2;
	_ =	sdelay $0x1  }
0xe2: {  	v3 =	vadd.s32 v1, v3  }
0xe3: {  	[tilespmem:s0], [sflag:$0x1] =	stream.indirect_vreg.gather [hbm4b:s1+s3], $0x80, v4, vm0, $0xb8;
	[tilespmem:$0x18200] =	vst v63  }
0xe4: {  	s16 =	simm.s32 $0xA00  }
0xe5: {  	[tilespmem:s16], [sflag:$0x1] =	stream.indirect_vreg.gather [hbm4b:s4+s3], $0x80, v4, vm0, $0xb8;
	[tilespmem:$0x18200] =	vst v63  }
0xe6: {  	s16 =	simm.s32 $0x1200  }
0xe7: {  	[tilespmem:s16], [sflag:$0x1] =	stream.indirect_vreg.gather [hbm4b:s1+s3], $0x80, v3, vm0, $0xb8;
	[tilespmem:$0x18200] =	vst v63  }
0xe8: {  	s25 =	simm.s32 $0x1A00  }
0xe9: {  	[tilespmem:s25], [sflag:$0x1] =	stream.indirect_vreg.gather [hbm4b:s4+s3], $0x80, v3, vm0, $0xb8;
	[tilespmem:$0x18200] =	vst v63  }
0xea: {  	v3 =	vld [tilespmem:$0xD0];
	_ =	sdelay $0x4  }
0xeb: {  	v45 =	vshll.u32 v3, $0x2  }
0xec: {  	v3 =	vand.u32 $0x7, v3;
	v4 =	vand.u32 $0xFFFFFFE0, v45  }
0xed: {  	v3 =	vor.u32 v3, v4  }
0xee: {  	v4 =	vperm.xlane v3, v0;
	_ =	sdelay $0x1  }
0xef: {  	v4 =	vadd.s32 v1, v4;
	_ =	sdelay $0x1  }
0xf0: {  	v3 =	vperm.xlane v3, v2;
	_ =	sdelay $0x1  }
0xf1: {  	s25 =	simm.s32 $0x2200;
	v3 =	vadd.s32 v1, v3  }
0xf2: {  	[tilespmem:s25], [sflag:$0x1] =	stream.indirect_vreg.gather [hbm4b:s1+s3], $0x80, v4, vm0, $0xb8;
	[tilespmem:$0x18200] =	vst v63  }
0xf3: {  	s25 =	simm.s32 $0x2A00  }
0xf4: {  	[tilespmem:s25], [sflag:$0x1] =	stream.indirect_vreg.gather [hbm4b:s4+s3], $0x80, v4, vm0, $0xb8;
	[tilespmem:$0x18200] =	vst v63  }
0xf5: {  	s25 =	simm.s32 $0x3200  }
0xf6: {  	[tilespmem:s25], [sflag:$0x1] =	stream.indirect_vreg.gather [hbm4b:s1+s3], $0x80, v3, vm0, $0xb8;
	[tilespmem:$0x18200] =	vst v63  }
0xf7: {  	s25 =	simm.s32 $0x3A00  }
0xf8: {  	[tilespmem:s25], [sflag:$0x1] =	stream.indirect_vreg.gather [hbm4b:s4+s3], $0x80, v3, vm0, $0xb8;
	[tilespmem:$0x18200] =	vst v63  }
0xf9: {  	v3 =	vld [tilespmem:$0xE0];
	_ =	sdelay $0x4  }
0xfa: {  	v46 =	vshll.u32 v3, $0x2  }
0xfb: {  	v3 =	vand.u32 $0x7, v3;
	v4 =	vand.u32 $0xFFFFFFE0, v46  }
0xfc: {  	v3 =	vor.u32 v3, v4  }
0xfd: {  	v4 =	vperm.xlane v3, v0;
	_ =	sdelay $0x1  }
0xfe: {  	v4 =	vadd.s32 v1, v4;
	_ =	sdelay $0x1  }
0xff: {  	v3 =	vperm.xlane v3, v2;
	_ =	sdelay $0x1  }
0x100: {  	s25 =	simm.s32 $0x4200;
	v3 =	vadd.s32 v1, v3  }
0x101: {  	[tilespmem:s25], [sflag:$0x1] =	stream.indirect_vreg.gather [hbm4b:s1+s3], $0x80, v4, vm0, $0xb8;
	[tilespmem:$0x18200] =	vst v63  }
0x102: {  	_ = 	snop  }
0x103: {  	[tilespmem:s26], [sflag:$0x1] =	stream.indirect_vreg.gather [hbm4b:s4+s3], $0x80, v4, vm0, $0xb8;
	[tilespmem:$0x18200] =	vst v63  }
0x104: {  	_ = 	snop  }
0x105: {  	[tilespmem:s28], [sflag:$0x1] =	stream.indirect_vreg.gather [hbm4b:s1+s3], $0x80, v3, vm0, $0xb8;
	[tilespmem:$0x18200] =	vst v63  }
0x106: {  	_ = 	snop  }
0x107: {  	[tilespmem:s29], [sflag:$0x1] =	stream.indirect_vreg.gather [hbm4b:s4+s3], $0x80, v3, vm0, $0xb8;
	[tilespmem:$0x18200] =	vst v63  }
0x108: {  	v3 =	vld [tilespmem:$0xF0];
	_ =	sdelay $0x4  }
0x109: {  	v47 =	vshll.u32 v3, $0x2  }
0x10a: {  	v3 =	vand.u32 $0x7, v3;
	v4 =	vand.u32 $0xFFFFFFE0, v47  }
0x10b: {  	v3 =	vor.u32 v3, v4  }
0x10c: {  	v4 =	vperm.xlane v3, v0;
	_ =	sdelay $0x1  }
0x10d: {  	v4 =	vadd.s32 v1, v4;
	_ =	sdelay $0x1  }
0x10e: {  	v3 =	vperm.xlane v3, v2;
	_ =	sdelay $0x1  }
0x10f: {  	v3 =	vadd.s32 v1, v3  }
0x110: {  	[tilespmem:s30], [sflag:$0x1] =	stream.indirect_vreg.gather [hbm4b:s1+s3], $0x80, v4, vm0, $0xb8;
	[tilespmem:$0x18200] =	vst v63  }
0x111: {  	_ = 	snop  }
0x112: {  	[tilespmem:s31], [sflag:$0x1] =	stream.indirect_vreg.gather [hbm4b:s4+s3], $0x80, v4, vm0, $0xb8;
	[tilespmem:$0x18200] =	vst v63  }
0x113: {  	s25 =	simm.s32 $0x7200  }
0x114: {  	[tilespmem:s25], [sflag:$0x1] =	stream.indirect_vreg.gather [hbm4b:s1+s3], $0x80, v3, vm0, $0xb8;
	[tilespmem:$0x18200] =	vst v63  }
0x115: {  	s25 =	simm.s32 $0x7A00  }
0x116: {  	[tilespmem:s25], [sflag:$0x1] =	stream.indirect_vreg.gather [hbm4b:s4+s3], $0x80, v3, vm0, $0xb8;
	[tilespmem:$0x18200] =	vst v63  }
0x117: {  	s16 =	rddreg [dreg:$0x6]  }
0x118: {  	[hbm4b:s16+s3] =	stream.linear.scatter [tilespmem:s24], [sflag:$0x2], $0x8000, $0x38;
	[tilespmem:$0x18200] =	vst v63  }
0x119: {  	_ =	swait.ge [sflag:s13], $0x8000  }
0x11a: {  	[sflag:s13] =	ssyncset.done $0x0  }
0x11b: {  	[sflag:s13] =	ssyncadd.s32 $0xFFFF8000  }
0x11c: {  	_ =	swait.ge [sflag:s15], $0x8000  }
0x11d: {  	[sflag:s15] =	ssyncset.done $0x0  }
0x11e: {  	[sflag:s15] =	ssyncadd.s32 $0xFFFF8000  }
0x11f: {  	v3 =	vld [tilespmem:$0x100];
	_ =	sdelay $0x4  }
0x120: {  	v48 =	vshll.u32 v3, $0x2  }
0x121: {  	v3 =	vand.u32 $0x7, v3;
	v4 =	vand.u32 $0xFFFFFFE0, v48  }
0x122: {  	v3 =	vor.u32 v3, v4  }
0x123: {  	v4 =	vperm.xlane v3, v0;
	_ =	sdelay $0x1  }
0x124: {  	v4 =	vadd.s32 v1, v4;
	_ =	sdelay $0x1  }
0x125: {  	v3 =	vperm.xlane v3, v2;
	_ =	sdelay $0x1  }
0x126: {  	v3 =	vadd.s32 v1, v3  }
0x127: {  	[tilespmem:s24], [sflag:$0x1] =	stream.indirect_vreg.gather [hbm4b:s1+s3], $0x80, v4, vm0, $0xb8;
	[tilespmem:$0x18200] =	vst v63  }
0x128: {  	s25 =	simm.s32 $0x8A00  }
0x129: {  	[tilespmem:s25], [sflag:$0x1] =	stream.indirect_vreg.gather [hbm4b:s4+s3], $0x80, v4, vm0, $0xb8;
	[tilespmem:$0x18200] =	vst v63  }
0x12a: {  	s25 =	simm.s32 $0x9200  }
0x12b: {  	[tilespmem:s25], [sflag:$0x1] =	stream.indirect_vreg.gather [hbm4b:s1+s3], $0x80, v3, vm0, $0xb8;
	[tilespmem:$0x18200] =	vst v63  }
0x12c: {  	s25 =	simm.s32 $0x9A00  }
0x12d: {  	[tilespmem:s25], [sflag:$0x1] =	stream.indirect_vreg.gather [hbm4b:s4+s3], $0x80, v3, vm0, $0xb8;
	[tilespmem:$0x18200] =	vst v63  }
0x12e: {  	v3 =	vld [tilespmem:$0x110];
	_ =	sdelay $0x4  }
0x12f: {  	v49 =	vshll.u32 v3, $0x2  }
0x130: {  	v3 =	vand.u32 $0x7, v3;
	v4 =	vand.u32 $0xFFFFFFE0, v49  }
0x131: {  	v3 =	vor.u32 v3, v4  }
0x132: {  	v4 =	vperm.xlane v3, v0;
	_ =	sdelay $0x1  }
0x133: {  	v4 =	vadd.s32 v1, v4;
	_ =	sdelay $0x1  }
0x134: {  	v3 =	vperm.xlane v3, v2;
	_ =	sdelay $0x1  }
0x135: {  	s25 =	simm.s32 $0xA200;
	v3 =	vadd.s32 v1, v3  }
0x136: {  	[tilespmem:s25], [sflag:$0x1] =	stream.indirect_vreg.gather [hbm4b:s1+s3], $0x80, v4, vm0, $0xb8;
	[tilespmem:$0x18200] =	vst v63  }
0x137: {  	s25 =	simm.s32 $0xAA00  }
0x138: {  	[tilespmem:s25], [sflag:$0x1] =	stream.indirect_vreg.gather [hbm4b:s4+s3], $0x80, v4, vm0, $0xb8;
	[tilespmem:$0x18200] =	vst v63  }
0x139: {  	s25 =	simm.s32 $0xB200  }
0x13a: {  	[tilespmem:s25], [sflag:$0x1] =	stream.indirect_vreg.gather [hbm4b:s1+s3], $0x80, v3, vm0, $0xb8;
	[tilespmem:$0x18200] =	vst v63  }
0x13b: {  	s25 =	simm.s32 $0xBA00  }
0x13c: {  	[tilespmem:s25], [sflag:$0x1] =	stream.indirect_vreg.gather [hbm4b:s4+s3], $0x80, v3, vm0, $0xb8;
	[tilespmem:$0x18200] =	vst v63  }
0x13d: {  	v3 =	vld [tilespmem:$0x120];
	_ =	sdelay $0x4  }
0x13e: {  	v50 =	vshll.u32 v3, $0x2  }
0x13f: {  	v3 =	vand.u32 $0x7, v3;
	v4 =	vand.u32 $0xFFFFFFE0, v50  }
0x140: {  	v3 =	vor.u32 v3, v4  }
0x141: {  	v4 =	vperm.xlane v3, v0;
	_ =	sdelay $0x1  }
0x142: {  	v4 =	vadd.s32 v1, v4;
	_ =	sdelay $0x1  }
0x143: {  	v3 =	vperm.xlane v3, v2;
	_ =	sdelay $0x1  }
0x144: {  	s25 =	simm.s32 $0xC200;
	v3 =	vadd.s32 v1, v3  }
0x145: {  	[tilespmem:s25], [sflag:$0x1] =	stream.indirect_vreg.gather [hbm4b:s1+s3], $0x80, v4, vm0, $0xb8;
	[tilespmem:$0x18200] =	vst v63  }
0x146: {  	s25 =	simm.s32 $0xCA00  }
0x147: {  	[tilespmem:s25], [sflag:$0x1] =	stream.indirect_vreg.gather [hbm4b:s4+s3], $0x80, v4, vm0, $0xb8;
	[tilespmem:$0x18200] =	vst v63  }
0x148: {  	s25 =	simm.s32 $0xD200  }
0x149: {  	[tilespmem:s25], [sflag:$0x1] =	stream.indirect_vreg.gather [hbm4b:s1+s3], $0x80, v3, vm0, $0xb8;
	[tilespmem:$0x18200] =	vst v63  }
0x14a: {  	s25 =	simm.s32 $0xDA00  }
0x14b: {  	[tilespmem:s25], [sflag:$0x1] =	stream.indirect_vreg.gather [hbm4b:s4+s3], $0x80, v3, vm0, $0xb8;
	[tilespmem:$0x18200] =	vst v63  }
0x14c: {  	v3 =	vld [tilespmem:$0x130];
	_ =	sdelay $0x4  }
0x14d: {  	v51 =	vshll.u32 v3, $0x2  }
0x14e: {  	v3 =	vand.u32 $0x7, v3;
	v4 =	vand.u32 $0xFFFFFFE0, v51  }
0x14f: {  	v3 =	vor.u32 v3, v4  }
0x150: {  	v4 =	vperm.xlane v3, v0;
	_ =	sdelay $0x1  }
0x151: {  	v4 =	vadd.s32 v1, v4;
	_ =	sdelay $0x1  }
0x152: {  	v3 =	vperm.xlane v3, v2;
	_ =	sdelay $0x1  }
0x153: {  	s25 =	simm.s32 $0xE200;
	v3 =	vadd.s32 v1, v3  }
0x154: {  	[tilespmem:s25], [sflag:$0x1] =	stream.indirect_vreg.gather [hbm4b:s1+s3], $0x80, v4, vm0, $0xb8;
	[tilespmem:$0x18200] =	vst v63  }
0x155: {  	s25 =	simm.s32 $0xEA00  }
0x156: {  	[tilespmem:s25], [sflag:$0x1] =	stream.indirect_vreg.gather [hbm4b:s4+s3], $0x80, v4, vm0, $0xb8;
	[tilespmem:$0x18200] =	vst v63  }
0x157: {  	s25 =	simm.s32 $0xF200  }
0x158: {  	[tilespmem:s25], [sflag:$0x1] =	stream.indirect_vreg.gather [hbm4b:s1+s3], $0x80, v3, vm0, $0xb8;
	[tilespmem:$0x18200] =	vst v63  }
0x159: {  	s25 =	simm.s32 $0xFA00  }
0x15a: {  	[tilespmem:s25], [sflag:$0x1] =	stream.indirect_vreg.gather [hbm4b:s4+s3], $0x80, v3, vm0, $0xb8;
	[tilespmem:$0x18200] =	vst v63  }
0x15b: {  	s16 =	rddreg [dreg:$0x7]  }
0x15c: {  	[hbm4b:s16+s3] =	stream.linear.scatter [tilespmem:s7], [sflag:$0x2], $0x8000, $0x38;
	[tilespmem:$0x18200] =	vst v63  }
0x15d: {  	_ =	swait.ge [sflag:s13], $0x8000  }
0x15e: {  	[sflag:s13] =	ssyncset.done $0x0  }
0x15f: {  	[sflag:s13] =	ssyncadd.s32 $0xFFFF8000  }
0x160: {  	_ =	swait.ge [sflag:s15], $0x8000  }
0x161: {  	[sflag:s15] =	ssyncset.done $0x0  }
0x162: {  	[sflag:s15] =	ssyncadd.s32 $0xFFFF8000  }
0x163: {  	v3 =	vld [tilespmem:$0x140];
	_ =	sdelay $0x4  }
0x164: {  	v52 =	vshll.u32 v3, $0x2  }
0x165: {  	v3 =	vand.u32 $0x7, v3;
	v4 =	vand.u32 $0xFFFFFFE0, v52  }
0x166: {  	v3 =	vor.u32 v3, v4  }
0x167: {  	v4 =	vperm.xlane v3, v0;
	_ =	sdelay $0x1  }
0x168: {  	v4 =	vadd.s32 v1, v4;
	_ =	sdelay $0x1  }
0x169: {  	v3 =	vperm.xlane v3, v2;
	_ =	sdelay $0x1  }
0x16a: {  	v3 =	vadd.s32 v1, v3  }
0x16b: {  	[tilespmem:s7], [sflag:$0x1] =	stream.indirect_vreg.gather [hbm4b:s1+s3], $0x80, v4, vm0, $0xb8;
	[tilespmem:$0x18200] =	vst v63  }
0x16c: {  	_ = 	snop  }
0x16d: {  	[tilespmem:s6], [sflag:$0x1] =	stream.indirect_vreg.gather [hbm4b:s4+s3], $0x80, v4, vm0, $0xb8;
	[tilespmem:$0x18200] =	vst v63  }
0x16e: {  	_ = 	snop  }
0x16f: {  	[tilespmem:s8], [sflag:$0x1] =	stream.indirect_vreg.gather [hbm4b:s1+s3], $0x80, v3, vm0, $0xb8;
	[tilespmem:$0x18200] =	vst v63  }
0x170: {  	_ = 	snop  }
0x171: {  	[tilespmem:s9], [sflag:$0x1] =	stream.indirect_vreg.gather [hbm4b:s4+s3], $0x80, v3, vm0, $0xb8;
	[tilespmem:$0x18200] =	vst v63  }
0x172: {  	v3 =	vld [tilespmem:$0x150];
	_ =	sdelay $0x4  }
0x173: {  	v53 =	vshll.u32 v3, $0x2  }
0x174: {  	v3 =	vand.u32 $0x7, v3;
	v4 =	vand.u32 $0xFFFFFFE0, v53  }
0x175: {  	v3 =	vor.u32 v3, v4  }
0x176: {  	v4 =	vperm.xlane v3, v0;
	_ =	sdelay $0x1  }
0x177: {  	v4 =	vadd.s32 v1, v4;
	_ =	sdelay $0x1  }
0x178: {  	v3 =	vperm.xlane v3, v2;
	_ =	sdelay $0x1  }
0x179: {  	v3 =	vadd.s32 v1, v3  }
0x17a: {  	[tilespmem:s10], [sflag:$0x1] =	stream.indirect_vreg.gather [hbm4b:s1+s3], $0x80, v4, vm0, $0xb8;
	[tilespmem:$0x18200] =	vst v63  }
0x17b: {  	_ = 	snop  }
0x17c: {  	[tilespmem:s11], [sflag:$0x1] =	stream.indirect_vreg.gather [hbm4b:s4+s3], $0x80, v4, vm0, $0xb8;
	[tilespmem:$0x18200] =	vst v63  }
0x17d: {  	_ = 	snop  }
0x17e: {  	[tilespmem:s12], [sflag:$0x1] =	stream.indirect_vreg.gather [hbm4b:s1+s3], $0x80, v3, vm0, $0xb8;
	[tilespmem:$0x18200] =	vst v63  }
0x17f: {  	_ = 	snop  }
0x180: {  	[tilespmem:s14], [sflag:$0x1] =	stream.indirect_vreg.gather [hbm4b:s4+s3], $0x80, v3, vm0, $0xb8;
	[tilespmem:$0x18200] =	vst v63  }
0x181: {  	v3 =	vld [tilespmem:$0x160];
	_ =	sdelay $0x4  }
0x182: {  	v54 =	vshll.u32 v3, $0x2  }
0x183: {  	v3 =	vand.u32 $0x7, v3;
	v4 =	vand.u32 $0xFFFFFFE0, v54  }
0x184: {  	v3 =	vor.u32 v3, v4  }
0x185: {  	v4 =	vperm.xlane v3, v0;
	_ =	sdelay $0x1  }
0x186: {  	v4 =	vadd.s32 v1, v4;
	_ =	sdelay $0x1  }
0x187: {  	v3 =	vperm.xlane v3, v2;
	_ =	sdelay $0x1  }
0x188: {  	v3 =	vadd.s32 v1, v3  }
0x189: {  	[tilespmem:s23], [sflag:$0x1] =	stream.indirect_vreg.gather [hbm4b:s1+s3], $0x80, v4, vm0, $0xb8;
	[tilespmem:$0x18200] =	vst v63  }
0x18a: {  	_ = 	snop  }
0x18b: {  	[tilespmem:s2], [sflag:$0x1] =	stream.indirect_vreg.gather [hbm4b:s4+s3], $0x80, v4, vm0, $0xb8;
	[tilespmem:$0x18200] =	vst v63  }
0x18c: {  	_ = 	snop  }
0x18d: {  	[tilespmem:s17], [sflag:$0x1] =	stream.indirect_vreg.gather [hbm4b:s1+s3], $0x80, v3, vm0, $0xb8;
	[tilespmem:$0x18200] =	vst v63  }
0x18e: {  	_ = 	snop  }
0x18f: {  	[tilespmem:s18], [sflag:$0x1] =	stream.indirect_vreg.gather [hbm4b:s4+s3], $0x80, v3, vm0, $0xb8;
	[tilespmem:$0x18200] =	vst v63  }
0x190: {  	v3 =	vld [tilespmem:$0x170];
	_ =	sdelay $0x4  }
0x191: {  	v55 =	vshll.u32 v3, $0x2  }
0x192: {  	v3 =	vand.u32 $0x7, v3;
	v4 =	vand.u32 $0xFFFFFFE0, v55  }
0x193: {  	v3 =	vor.u32 v3, v4  }
0x194: {  	v4 =	vperm.xlane v3, v0;
	_ =	sdelay $0x1  }
0x195: {  	v4 =	vadd.s32 v1, v4;
	_ =	sdelay $0x1  }
0x196: {  	v3 =	vperm.xlane v3, v2;
	_ =	sdelay $0x1  }
0x197: {  	v3 =	vadd.s32 v1, v3  }
0x198: {  	[tilespmem:s19], [sflag:$0x1] =	stream.indirect_vreg.gather [hbm4b:s1+s3], $0x80, v4, vm0, $0xb8;
	[tilespmem:$0x18200] =	vst v63  }
0x199: {  	_ = 	snop  }
0x19a: {  	[tilespmem:s20], [sflag:$0x1] =	stream.indirect_vreg.gather [hbm4b:s4+s3], $0x80, v4, vm0, $0xb8;
	[tilespmem:$0x18200] =	vst v63  }
0x19b: {  	_ = 	snop  }
0x19c: {  	[tilespmem:s21], [sflag:$0x1] =	stream.indirect_vreg.gather [hbm4b:s1+s3], $0x80, v3, vm0, $0xb8;
	[tilespmem:$0x18200] =	vst v63  }
0x19d: {  	_ = 	snop  }
0x19e: {  	[tilespmem:s22], [sflag:$0x1] =	stream.indirect_vreg.gather [hbm4b:s4+s3], $0x80, v3, vm0, $0xb8;
	[tilespmem:$0x18200] =	vst v63  }
0x19f: {  	s2 =	rddreg [dreg:$0x8]  }
0x1a0: {  	[hbm4b:s2+s3] =	stream.linear.scatter [tilespmem:s0], [sflag:$0x2], $0x8000, $0x38;
	[tilespmem:$0x18200] =	vst v63  }
0x1a1: {  	_ =	swait.ge [sflag:s13], $0x8000  }
0x1a2: {  	[sflag:s13] =	ssyncset.done $0x0  }
0x1a3: {  	[sflag:s13] =	ssyncadd.s32 $0xFFFF8000  }
0x1a4: {  	_ =	swait.ge [sflag:s15], $0x8000  }
0x1a5: {  	[sflag:s15] =	ssyncset.done $0x0  }
0x1a6: {  	[sflag:s15] =	ssyncadd.s32 $0xFFFF8000  }
0x1a7: {  	v3 =	vld [tilespmem:$0x180];
	_ =	sdelay $0x4  }
0x1a8: {  	v56 =	vshll.u32 v3, $0x2  }
0x1a9: {  	v3 =	vand.u32 $0x7, v3;
	v4 =	vand.u32 $0xFFFFFFE0, v56  }
0x1aa: {  	v3 =	vor.u32 v3, v4  }
0x1ab: {  	v4 =	vperm.xlane v3, v0;
	_ =	sdelay $0x1  }
0x1ac: {  	v4 =	vadd.s32 v1, v4;
	_ =	sdelay $0x1  }
0x1ad: {  	v3 =	vperm.xlane v3, v2;
	_ =	sdelay $0x1  }
0x1ae: {  	v3 =	vadd.s32 v1, v3  }
0x1af: {  	[tilespmem:s0], [sflag:$0x1] =	stream.indirect_vreg.gather [hbm4b:s1+s3], $0x80, v4, vm0, $0xb8;
	[tilespmem:$0x18200] =	vst v63  }
0x1b0: {  	s16 =	simm.s32 $0xA00  }
0x1b1: {  	[tilespmem:s16], [sflag:$0x1] =	stream.indirect_vreg.gather [hbm4b:s4+s3], $0x80, v4, vm0, $0xb8;
	[tilespmem:$0x18200] =	vst v63  }
0x1b2: {  	s16 =	simm.s32 $0x1200  }
0x1b3: {  	[tilespmem:s16], [sflag:$0x1] =	stream.indirect_vreg.gather [hbm4b:s1+s3], $0x80, v3, vm0, $0xb8;
	[tilespmem:$0x18200] =	vst v63  }
0x1b4: {  	s16 =	simm.s32 $0x1A00  }
0x1b5: {  	[tilespmem:s16], [sflag:$0x1] =	stream.indirect_vreg.gather [hbm4b:s4+s3], $0x80, v3, vm0, $0xb8;
	[tilespmem:$0x18200] =	vst v63  }
0x1b6: {  	v3 =	vld [tilespmem:$0x190];
	_ =	sdelay $0x4  }
0x1b7: {  	v57 =	vshll.u32 v3, $0x2  }
0x1b8: {  	v3 =	vand.u32 $0x7, v3;
	v4 =	vand.u32 $0xFFFFFFE0, v57  }
0x1b9: {  	v3 =	vor.u32 v3, v4  }
0x1ba: {  	v4 =	vperm.xlane v3, v0;
	_ =	sdelay $0x1  }
0x1bb: {  	v4 =	vadd.s32 v1, v4;
	_ =	sdelay $0x1  }
0x1bc: {  	v3 =	vperm.xlane v3, v2;
	_ =	sdelay $0x1  }
0x1bd: {  	s16 =	simm.s32 $0x2200;
	v3 =	vadd.s32 v1, v3  }
0x1be: {  	[tilespmem:s16], [sflag:$0x1] =	stream.indirect_vreg.gather [hbm4b:s1+s3], $0x80, v4, vm0, $0xb8;
	[tilespmem:$0x18200] =	vst v63  }
0x1bf: {  	s16 =	simm.s32 $0x2A00  }
0x1c0: {  	[tilespmem:s16], [sflag:$0x1] =	stream.indirect_vreg.gather [hbm4b:s4+s3], $0x80, v4, vm0, $0xb8;
	[tilespmem:$0x18200] =	vst v63  }
0x1c1: {  	s16 =	simm.s32 $0x3200  }
0x1c2: {  	[tilespmem:s16], [sflag:$0x1] =	stream.indirect_vreg.gather [hbm4b:s1+s3], $0x80, v3, vm0, $0xb8;
	[tilespmem:$0x18200] =	vst v63  }
0x1c3: {  	s16 =	simm.s32 $0x3A00  }
0x1c4: {  	[tilespmem:s16], [sflag:$0x1] =	stream.indirect_vreg.gather [hbm4b:s4+s3], $0x80, v3, vm0, $0xb8;
	[tilespmem:$0x18200] =	vst v63  }
0x1c5: {  	v3 =	vld [tilespmem:$0x1A0];
	_ =	sdelay $0x4  }
0x1c6: {  	v58 =	vshll.u32 v3, $0x2  }
0x1c7: {  	v3 =	vand.u32 $0x7, v3;
	v4 =	vand.u32 $0xFFFFFFE0, v58  }
0x1c8: {  	v3 =	vor.u32 v3, v4  }
0x1c9: {  	v4 =	vperm.xlane v3, v0;
	_ =	sdelay $0x1  }
0x1ca: {  	v4 =	vadd.s32 v1, v4;
	_ =	sdelay $0x1  }
0x1cb: {  	v3 =	vperm.xlane v3, v2;
	_ =	sdelay $0x1  }
0x1cc: {  	s16 =	simm.s32 $0x4200;
	v3 =	vadd.s32 v1, v3  }
0x1cd: {  	[tilespmem:s16], [sflag:$0x1] =	stream.indirect_vreg.gather [hbm4b:s1+s3], $0x80, v4, vm0, $0xb8;
	[tilespmem:$0x18200] =	vst v63  }
0x1ce: {  	_ = 	snop  }
0x1cf: {  	[tilespmem:s26], [sflag:$0x1] =	stream.indirect_vreg.gather [hbm4b:s4+s3], $0x80, v4, vm0, $0xb8;
	[tilespmem:$0x18200] =	vst v63  }
0x1d0: {  	_ = 	snop  }
0x1d1: {  	[tilespmem:s28], [sflag:$0x1] =	stream.indirect_vreg.gather [hbm4b:s1+s3], $0x80, v3, vm0, $0xb8;
	[tilespmem:$0x18200] =	vst v63  }
0x1d2: {  	_ = 	snop  }
0x1d3: {  	[tilespmem:s29], [sflag:$0x1] =	stream.indirect_vreg.gather [hbm4b:s4+s3], $0x80, v3, vm0, $0xb8;
	[tilespmem:$0x18200] =	vst v63  }
0x1d4: {  	v3 =	vld [tilespmem:$0x1B0];
	_ =	sdelay $0x4  }
0x1d5: {  	v59 =	vshll.u32 v3, $0x2  }
0x1d6: {  	v3 =	vand.u32 $0x7, v3;
	v4 =	vand.u32 $0xFFFFFFE0, v59  }
0x1d7: {  	v3 =	vor.u32 v3, v4  }
0x1d8: {  	v4 =	vperm.xlane v3, v0;
	_ =	sdelay $0x1  }
0x1d9: {  	v4 =	vadd.s32 v1, v4;
	_ =	sdelay $0x1  }
0x1da: {  	v3 =	vperm.xlane v3, v2;
	_ =	sdelay $0x1  }
0x1db: {  	v3 =	vadd.s32 v1, v3  }
0x1dc: {  	[tilespmem:s30], [sflag:$0x1] =	stream.indirect_vreg.gather [hbm4b:s1+s3], $0x80, v4, vm0, $0xb8;
	[tilespmem:$0x18200] =	vst v63  }
0x1dd: {  	_ = 	snop  }
0x1de: {  	[tilespmem:s31], [sflag:$0x1] =	stream.indirect_vreg.gather [hbm4b:s4+s3], $0x80, v4, vm0, $0xb8;
	[tilespmem:$0x18200] =	vst v63  }
0x1df: {  	s16 =	simm.s32 $0x7200  }
0x1e0: {  	[tilespmem:s16], [sflag:$0x1] =	stream.indirect_vreg.gather [hbm4b:s1+s3], $0x80, v3, vm0, $0xb8;
	[tilespmem:$0x18200] =	vst v63  }
0x1e1: {  	s2 =	simm.s32 $0x7A00  }
0x1e2: {  	[tilespmem:s2], [sflag:$0x1] =	stream.indirect_vreg.gather [hbm4b:s4+s3], $0x80, v3, vm0, $0xb8;
	[tilespmem:$0x18200] =	vst v63  }
0x1e3: {  	s16 =	rddreg [dreg:$0x9]  }
0x1e4: {  	[hbm4b:s16+s3] =	stream.linear.scatter [tilespmem:s24], [sflag:$0x2], $0x8000, $0x38;
	[tilespmem:$0x18200] =	vst v63  }
0x1e5: {  	_ =	swait.ge [sflag:s13], $0x8000  }
0x1e6: {  	[sflag:s13] =	ssyncset.done $0x0  }
0x1e7: {  	[sflag:s13] =	ssyncadd.s32 $0xFFFF8000  }
0x1e8: {  	_ =	swait.ge [sflag:s15], $0x8000  }
0x1e9: {  	[sflag:s15] =	ssyncset.done $0x0  }
0x1ea: {  	[sflag:s15] =	ssyncadd.s32 $0xFFFF8000  }
0x1eb: {  	v3 =	vld [tilespmem:$0x1C0];
	_ =	sdelay $0x4  }
0x1ec: {  	v60 =	vshll.u32 v3, $0x2  }
0x1ed: {  	v3 =	vand.u32 $0x7, v3;
	v4 =	vand.u32 $0xFFFFFFE0, v60  }
0x1ee: {  	v3 =	vor.u32 v3, v4  }
0x1ef: {  	v4 =	vperm.xlane v3, v0;
	_ =	sdelay $0x1  }
0x1f0: {  	v4 =	vadd.s32 v1, v4;
	_ =	sdelay $0x1  }
0x1f1: {  	v3 =	vperm.xlane v3, v2;
	_ =	sdelay $0x1  }
0x1f2: {  	v3 =	vadd.s32 v1, v3  }
0x1f3: {  	[tilespmem:s24], [sflag:$0x1] =	stream.indirect_vreg.gather [hbm4b:s1+s3], $0x80, v4, vm0, $0xb8;
	[tilespmem:$0x18200] =	vst v63  }
0x1f4: {  	s16 =	simm.s32 $0x8A00  }
0x1f5: {  	[tilespmem:s16], [sflag:$0x1] =	stream.indirect_vreg.gather [hbm4b:s4+s3], $0x80, v4, vm0, $0xb8;
	[tilespmem:$0x18200] =	vst v63  }
0x1f6: {  	s16 =	simm.s32 $0x9200  }
0x1f7: {  	[tilespmem:s16], [sflag:$0x1] =	stream.indirect_vreg.gather [hbm4b:s1+s3], $0x80, v3, vm0, $0xb8;
	[tilespmem:$0x18200] =	vst v63  }
0x1f8: {  	s16 =	simm.s32 $0x9A00  }
0x1f9: {  	[tilespmem:s16], [sflag:$0x1] =	stream.indirect_vreg.gather [hbm4b:s4+s3], $0x80, v3, vm0, $0xb8;
	[tilespmem:$0x18200] =	vst v63  }
0x1fa: {  	v3 =	vld [tilespmem:$0x1D0];
	_ =	sdelay $0x4  }
0x1fb: {  	v61 =	vshll.u32 v3, $0x2  }
0x1fc: {  	v3 =	vand.u32 $0x7, v3;
	v4 =	vand.u32 $0xFFFFFFE0, v61  }
0x1fd: {  	v3 =	vor.u32 v3, v4  }
0x1fe: {  	v4 =	vperm.xlane v3, v0;
	_ =	sdelay $0x1  }
0x1ff: {  	v4 =	vadd.s32 v1, v4;
	_ =	sdelay $0x1  }
0x200: {  	v3 =	vperm.xlane v3, v2;
	_ =	sdelay $0x1  }
0x201: {  	s16 =	simm.s32 $0xA200;
	v3 =	vadd.s32 v1, v3  }
0x202: {  	[tilespmem:s16], [sflag:$0x1] =	stream.indirect_vreg.gather [hbm4b:s1+s3], $0x80, v4, vm0, $0xb8;
	[tilespmem:$0x18200] =	vst v63  }
0x203: {  	s16 =	simm.s32 $0xAA00  }
0x204: {  	[tilespmem:s16], [sflag:$0x1] =	stream.indirect_vreg.gather [hbm4b:s4+s3], $0x80, v4, vm0, $0xb8;
	[tilespmem:$0x18200] =	vst v63  }
0x205: {  	s16 =	simm.s32 $0xB200  }
0x206: {  	[tilespmem:s16], [sflag:$0x1] =	stream.indirect_vreg.gather [hbm4b:s1+s3], $0x80, v3, vm0, $0xb8;
	[tilespmem:$0x18200] =	vst v63  }
0x207: {  	s16 =	simm.s32 $0xBA00  }
0x208: {  	[tilespmem:s16], [sflag:$0x1] =	stream.indirect_vreg.gather [hbm4b:s4+s3], $0x80, v3, vm0, $0xb8;
	[tilespmem:$0x18200] =	vst v63  }
0x209: {  	v3 =	vld [tilespmem:$0x1E0];
	_ =	sdelay $0x4  }
0x20a: {  	v62 =	vshll.u32 v3, $0x2  }
0x20b: {  	v3 =	vand.u32 $0x7, v3;
	v4 =	vand.u32 $0xFFFFFFE0, v62  }
0x20c: {  	v3 =	vor.u32 v3, v4  }
0x20d: {  	v4 =	vperm.xlane v3, v0;
	_ =	sdelay $0x1  }
0x20e: {  	v4 =	vadd.s32 v1, v4;
	_ =	sdelay $0x1  }
0x20f: {  	v3 =	vperm.xlane v3, v2;
	_ =	sdelay $0x1  }
0x210: {  	s16 =	simm.s32 $0xC200;
	v3 =	vadd.s32 v1, v3  }
0x211: {  	[tilespmem:s16], [sflag:$0x1] =	stream.indirect_vreg.gather [hbm4b:s1+s3], $0x80, v4, vm0, $0xb8;
	[tilespmem:$0x18200] =	vst v63  }
0x212: {  	s16 =	simm.s32 $0xCA00  }
0x213: {  	[tilespmem:s16], [sflag:$0x1] =	stream.indirect_vreg.gather [hbm4b:s4+s3], $0x80, v4, vm0, $0xb8;
	[tilespmem:$0x18200] =	vst v63  }
0x214: {  	s16 =	simm.s32 $0xD200  }
0x215: {  	[tilespmem:s16], [sflag:$0x1] =	stream.indirect_vreg.gather [hbm4b:s1+s3], $0x80, v3, vm0, $0xb8;
	[tilespmem:$0x18200] =	vst v63  }
0x216: {  	s16 =	simm.s32 $0xDA00  }
0x217: {  	[tilespmem:s16], [sflag:$0x1] =	stream.indirect_vreg.gather [hbm4b:s4+s3], $0x80, v3, vm0, $0xb8;
	[tilespmem:$0x18200] =	vst v63  }
0x218: {  	v3 =	vld [tilespmem:$0x1F0];
	_ =	sdelay $0x4  }
0x219: {  	v63 =	vshll.u32 v3, $0x2  }
0x21a: {  	v3 =	vand.u32 $0x7, v3;
	v4 =	vand.u32 $0xFFFFFFE0, v63  }
0x21b: {  	v3 =	vor.u32 v3, v4  }
0x21c: {  	v4 =	vperm.xlane v3, v0;
	_ =	sdelay $0x1  }
0x21d: {  	v4 =	vadd.s32 v1, v4;
	_ =	sdelay $0x1  }
0x21e: {  	v3 =	vperm.xlane v3, v2;
	_ =	sdelay $0x1  }
0x21f: {  	s16 =	simm.s32 $0xE200;
	v3 =	vadd.s32 v1, v3  }
0x220: {  	[tilespmem:s16], [sflag:$0x1] =	stream.indirect_vreg.gather [hbm4b:s1+s3], $0x80, v4, vm0, $0xb8;
	[tilespmem:$0x18200] =	vst v63  }
0x221: {  	s16 =	simm.s32 $0xEA00  }
0x222: {  	[tilespmem:s16], [sflag:$0x1] =	stream.indirect_vreg.gather [hbm4b:s4+s3], $0x80, v4, vm0, $0xb8;
	[tilespmem:$0x18200] =	vst v63  }
0x223: {  	s16 =	simm.s32 $0xF200  }
0x224: {  	[tilespmem:s16], [sflag:$0x1] =	stream.indirect_vreg.gather [hbm4b:s1+s3], $0x80, v3, vm0, $0xb8;
	[tilespmem:$0x18200] =	vst v63  }
0x225: {  	s25 =	simm.s32 $0xFA00  }
0x226: {  	[tilespmem:s25], [sflag:$0x1] =	stream.indirect_vreg.gather [hbm4b:s4+s3], $0x80, v3, vm0, $0xb8;
	[tilespmem:$0x18200] =	vst v63  }
0x227: {  	s2 =	rddreg [dreg:$0xa]  }
0x228: {  	[hbm4b:s2+s3] =	stream.linear.scatter [tilespmem:s7], [sflag:$0x2], $0x8000, $0x38;
	[tilespmem:$0x18200] =	vst v63  }
0x229: {  	_ =	swait.ge [sflag:s13], $0x8000  }
0x22a: {  	[sflag:s13] =	ssyncset.done $0x0  }
0x22b: {  	s2 =	rddreg [dreg:$0xb];
	[sflag:s13] =	ssyncadd.s32 $0xFFFF8000  }
0x22c: {  	[hbm4b:s2+s3] =	stream.linear.scatter [tilespmem:s0], [sflag:$0x2], $0x8000, $0x38;
	[tilespmem:$0x18200] =	vst v63  }
0x22d: {  	_ =	swait.ge [sflag:s13], $0x8000  }
0x22e: {  	[sflag:s13] =	ssyncset.done $0x0  }
0x22f: {  	s25 =	rddreg [dreg:$0xc];
	[sflag:s13] =	ssyncadd.s32 $0xFFFF8000  }
0x230: {  	[hbm4b:s25+s3] =	stream.linear.scatter [tilespmem:s24], [sflag:$0x2], $0x8000, $0x38;
	[tilespmem:$0x18200] =	vst v63  }
0x231: {  	_ =	swait.ge [sflag:s15], $0x8000  }
0x232: {  	[sflag:s15] =	ssyncset.done $0x0  }
0x233: {  	[sflag:s15] =	ssyncadd.s32 $0xFFFF8000  }
0x234: {  	p0 =	sne.s32 s5, $0x1;
	_ =	swait.ge [sflag:s15], $0x8000  }
.Ltmp0:
0x235: {  	[sflag:s15] =	ssyncset.done $0x0;
	(pc) =	sbr.rel @p0 .LBB2_1-.Ltmp0, $4  }
0x236: {  	[sflag:s15] =	ssyncadd.s32 $0xFFFF8000  }
0x237: {  	_ =	swait.ge [sflag:s15], $0x8000  }
0x238: {  	[sflag:s15] =	ssyncset.done $0x0  }
0x239: {  	s5 =	sadd.s32 $0xFFFFFFFF, s5;
	[sflag:s15] =	ssyncadd.s32 $0xFFFF8000  }
0x23a: {  	_ =	sfence.sel $0x180000  }
0x23b: {  	[bflag:$0x0] =	sbarrier.arrive $0xFFFF  }
0x23c: {  	_ =	strace $0x9000004A  }
0x23d: {  	s0 =	stileid.u32;
	[bflag:$0x2] =	sbarrier.arrive $0xFFFF  }
0x23e: {  	p0 =	sne.s32 s0, $0x0;
	s0 =	rddreg [dreg:$0x3]  }
0x23f: {  	s0 =	sadd.s32 @!p0 $0x100000, s0  }
0x240: {  	[sflag:s0] =	ssyncadd.tile.s32 @!p0 $0x1;
	_ =	shalt  }
.Lfunc_end2:
_tile_overlayer_lowered:
.L_overlay_start_2:
0x241: {  	(tag) =	ssettag $0x2  }
0x242: {  	s0 =	rddreg [dreg:$0x0];
	s2 =	stileid.u32  }
0x243: {  	s1 =	rddreg [dreg:$0x1];
	p0 =	sne.s32 s2, $0x0  }
0x244: {  	s3 =	rddreg [dreg:$0x2];
	[bflag:$0x3] =	sbarrier.arrive $0xFFFF;
	s2 =	simm.s32 @!p0 $0x1C03  }
0x245: {  	[timem:s3], [sflag:s2] =	dma.local @!p0 [hbm:s0], s1  }
0x246: {  	s0 =	simm.s32 @!p0 $0x3  }
0x247: {  	_ =	swait.ge @!p0 [sflag:s0], s1  }
0x248: {  	s1 =	ssub.s32 @!p0 $0x0, s1;
	[sflag:s0] =	ssyncset.done @!p0 $0x0  }
0x249: {  	[sflag:s0] =	ssyncadd.s32 @!p0 s1  }
0x24a: {  	[bflag:$0x3] =	sbarrier.arrive $0xFFFF  }
0x24b: {  	_ =	shalt  }

// kernel: kernel.9.cloned.1.call-start
scs
__scs_entry_jumppad:
0x0: {  	(pc) =	sbr.rel $0x88, $3  }
0x1: {  	(tag) =	ssettag $0x0;
	lr =	simm.s32 $0x1  }
0x2: {  	[smem:$0x3F9A] =	sst lr;
	_ =	strace $0xD0000000  }
0x3: {  	_ = 	snop  }
0x4: {  	_ = 	snop  }
0x5: {  	_ = 	snop  }
0x6: {  	_ = 	snop  }
0x7: {  	_ = 	snop  }
__scs_overlays_trampoline_lowered:
0x8: {  	[smem:$0x3FA9] =	sst s0  }
0x9: {  	[smem:$0x3FAA] =	sst s1  }
0xa: {  	[smem:$0x3FAB] =	sst s2  }
0xb: {  	[smem:$0x3FAC] =	sst s3  }
0xc: {  	[smem:$0x3FAD] =	sst s4  }
0xd: {  	[smem:$0x3FAE] =	sst s5  }
0xe: {  	[smem:$0x3FAF] =	sst s6  }
0xf: {  	[smem:$0x3FB0] =	sst s7  }
0x10: {  	[smem:$0x3FB1] =	sst s8  }
0x11: {  	[smem:$0x3FB2] =	sst s9;
	s0 =	simm.s32 @!p0 $0x0  }
0x12: {  	s1 =	sld [smem:$0x3F98];
	s0 =	simm.s32 @p0 $0x1  }
0x13: {  	[smem:$0x3FB3] =	sst s0;
	s0 =	simm.s32 @!p1 $0x0  }
0x14: {  	s2 =	sld [smem:$0x3F97];
	s0 =	simm.s32 @p1 $0x1  }
0x15: {  	[smem:$0x3FB4] =	sst s0;
	s0 =	simm.s32 @!p2 $0x0  }
0x16: {  	s3 =	sld [smem:$0x3FDB];
	s0 =	simm.s32 @p2 $0x1  }
0x17: {  	s4 =	simm.s32 $0x1BF5;
	[smem:$0x3FB6] =	sst s0  }
0x18: {  	s0 =	sld [smem:$0x3F99];
	_ =	swait.ge [sflag:s4], $0x0  }
0x19: {  	s7 =	sld [smem:$0x3F9A]  }
0x1a: {  	s8 =	sadd.s32 $0xFFFFE003, lr  }
0x1b: {  	s9 =	sadd.s32 $0xFFFFFEF7, lr;
	s5 =	simm.s32 $0xFFFFFFFF;
	p2 =	slt.u32 s8, $0xFFFFF086  }
0x1c: {  	p1 =	slt.u32 s9, $0xF7A;
	s5 =	simm.s32 @!p2 $0x0  }
0x1d: {  	s5 =	simm.s32 @p1 $0x1;
	p0 =	seq.s32 s7, s2  }
0x1e: {  	s7 =	smul.u32 @!p0 $0xF7A, s2;
	p2 =	seq.s32 @!p0 s5, $0x0  }
0x1f: {  	s9 =	smul.u32 $0xF7A, s1;
	s8 =	simm.s32 @!p0 $0x1BF5;
	p2 =	por !p2, p0  }
0x20: {  	[sflag:s8] =	ssyncset.s32 @!p0 $0xFFFFF086;
	s6 =	sadd.s32 @!p0 s3, s7;
	s7 =	simm.s32 @!p0 $0x108  }
0x21: {  	s3 =	sadd.s32 s3, s9;
	s6 =	sadd.s32 @!p0 $0x88, s6;
	s7 =	simm.s32 @p2 $0x1082  }
0x22: {  	[simem:s7], [sflag:s8] =	dma.local @!p0 [hbm:s6], $0xF7A  }
0x23: {  	s9 =	sor.u32 $0xD0000000, s2;
	s6 =	simm.s32 $0x108;
	_ =	swait.ge @!p0 [sflag:s8], $0x0  }
0x24: {  	s3 =	sadd.s32 $0x88, s3;
	s6 =	simm.s32 @!p1 $0x1082;
	[sflag:s4] =	ssyncset.s32 $0xFFFFF086  }
0x25: {  	[simem:s6], [sflag:s4] =	dma.local [hbm:s3], $0xF7A  }
0x26: {  	[smem:$0x3F9A] =	sst s1;
	(tag) =	ssettag s2;
	_ =	strace s9  }
0x27: {  	s1 =	sld [smem:$0x3FAA]  }
0x28: {  	s2 =	sld [smem:$0x3FAB]  }
0x29: {  	s4 =	sld [smem:$0x3FAD]  }
0x2a: {  	p0 =	seq.s32 s5, $0x0;
	s5 =	sld [smem:$0x3FAE]  }
0x2b: {  	s6 =	sld [smem:$0x3FAF]  }
0x2c: {  	s7 =	sld [smem:$0x3FB0]  }
0x2d: {  	s3 =	simm.s32 $0x108;
	s8 =	sld [smem:$0x3FB1]  }
0x2e: {  	s3 =	simm.s32 @!p0 $0x1082;
	s9 =	sld [smem:$0x3FB2]  }
0x2f: {  	lr =	sadd.s32 s0, s3;
	s0 =	sld [smem:$0x3FA9]  }
0x30: {  	s3 =	sld [smem:$0x3FAC]  }
0x31: {  	[smem:$0x3FB5] =	sst s10  }
0x32: {  	s10 =	sld [smem:$0x3FB3];
	_ =	sdelay $0x3  }
0x33: {  	p0 =	seq.s32 s10, $0x1;
	s10 =	sld [smem:$0x3FB5];
	_ =	sdelay $0x3  }
0x34: {  	[smem:$0x3FB5] =	sst s10  }
0x35: {  	s10 =	sld [smem:$0x3FB4];
	_ =	sdelay $0x3  }
0x36: {  	p1 =	seq.s32 s10, $0x1;
	s10 =	sld [smem:$0x3FB5];
	_ =	sdelay $0x3  }
0x37: {  	[smem:$0x3FB5] =	sst s10  }
0x38: {  	s10 =	sld [smem:$0x3FB6]  }
0x39: {  	_ = 	snop;
	(pc) =	sbr.ind lr, $3  }
0x3a: {  	_ = 	snop  }
0x3b: {  	_ = 	snop  }
0x3c: {  	p2 =	seq.s32 s10, $0x1;
	s10 =	sld [smem:$0x3FB5]  }
0x3d: {  	_ =	shalt  }
0x3e: {  	_ =	shalt  }
0x3f: {  	_ =	shalt  }
0x40: {  	_ =	shalt  }
0x41: {  	_ =	shalt  }
0x42: {  	_ =	shalt  }
0x43: {  	_ =	shalt  }
0x44: {  	_ =	shalt  }
0x45: {  	_ =	shalt  }
0x46: {  	_ =	shalt  }
0x47: {  	_ =	shalt  }
0x48: {  	_ =	shalt  }
0x49: {  	_ =	shalt  }
0x4a: {  	_ =	shalt  }
0x4b: {  	_ =	shalt  }
0x4c: {  	_ =	shalt  }
0x4d: {  	_ =	shalt  }
0x4e: {  	_ =	shalt  }
0x4f: {  	_ =	shalt  }
0x50: {  	_ =	shalt  }
0x51: {  	_ =	shalt  }
0x52: {  	_ =	shalt  }
0x53: {  	_ =	shalt  }
0x54: {  	_ =	shalt  }
0x55: {  	_ =	shalt  }
0x56: {  	_ =	shalt  }
0x57: {  	_ =	shalt  }
0x58: {  	_ =	shalt  }
0x59: {  	_ =	shalt  }
0x5a: {  	_ =	shalt  }
0x5b: {  	_ =	shalt  }
0x5c: {  	_ =	shalt  }
0x5d: {  	_ =	shalt  }
0x5e: {  	_ =	shalt  }
0x5f: {  	_ =	shalt  }
0x60: {  	_ =	shalt  }
0x61: {  	_ =	shalt  }
0x62: {  	_ =	shalt  }
0x63: {  	_ =	shalt  }
0x64: {  	_ =	shalt  }
0x65: {  	_ =	shalt  }
0x66: {  	_ =	shalt  }
0x67: {  	_ =	shalt  }
0x68: {  	_ =	shalt  }
0x69: {  	_ =	shalt  }
0x6a: {  	_ =	shalt  }
0x6b: {  	_ =	shalt  }
0x6c: {  	_ =	shalt  }
0x6d: {  	_ =	shalt  }
0x6e: {  	_ =	shalt  }
0x6f: {  	_ =	shalt  }
0x70: {  	_ =	shalt  }
0x71: {  	_ =	shalt  }
0x72: {  	_ =	shalt  }
0x73: {  	_ =	shalt  }
0x74: {  	_ =	shalt  }
0x75: {  	_ =	shalt  }
0x76: {  	_ =	shalt  }
0x77: {  	_ =	shalt  }
0x78: {  	_ =	shalt  }
0x79: {  	_ =	shalt  }
0x7a: {  	_ =	shalt  }
0x7b: {  	_ =	shalt  }
0x7c: {  	_ =	shalt  }
0x7d: {  	_ =	shalt  }
0x7e: {  	_ =	shalt  }
0x7f: {  	_ =	shalt  }
0x80: {  	_ =	shalt  }
0x81: {  	_ =	shalt  }
0x82: {  	_ =	shalt  }
0x83: {  	_ =	shalt  }
0x84: {  	_ =	shalt  }
0x85: {  	_ =	shalt  }
0x86: {  	_ =	shalt  }
0x87: {  	_ =	shalt  }
.Lfunc_end0:
.L_simem_size_0:
called_computation.1_lowered:
.L_overlay_start_0:
0x88: {  	s2 =	sld [smem:$0x3FD9]  }
0x89: {  	s3 =	sld [smem:$0x3FFE];
	_ =	sdelay $0x1  }
0x8a: {  	s1 =	srdreg.scid  }
0x8b: {  	s0 =	sand.u32 $0x1, s1  }
0x8c: {  	s17 =	sshll.u32 s0, $0xA;
	s2 =	sadd.s32 s3, s2  }
0x8d: {  	s2 =	sadd.s32 s2, s17  }
0x8e: {  	[smem:$0x3FC1] =	sst s2  }
0x8f: {  	_ = 	snop  }
0x90: {  	s2 =	sld [smem:$0x3FC8]  }
0x91: {  	s18 =	sld [smem:$0x3FC7];
	(tm) =	ssettm $0x1  }
0x92: {  	s4 =	sld [smem:$0x3FFB];
	_ =	sdelay $0x3  }
0x93: {  	_ =	strace s4  }
0x94: {  	s4 =	sld [smem:$0x3FFC];
	_ =	sdelay $0x3  }
0x95: {  	_ =	strace s4  }
0x96: {  	s4 =	sld [smem:$0x3FFD];
	_ =	sdelay $0x3  }
0x97: {  	_ =	strace s4  }
0x98: {  	_ =	strace $0x8FFFFFFF  }
0x99: {  	s19 =	sld [smem:$0x3FDB];
	_ =	sdelay $0x1  }
0x9a: {  	s5 =	simm.s32 $_scs_section_size  }
0x9b: {  	s6 =	simm.s32 $_size__tile_overlayer_lowered;
	s7 =	simm.s32 $_tile_overlayer_lowered  }
0x9c: {  	s22 =	simm.s32 $0x1BFF;
	s21 =	sshll.u32 s7, $0x1;
	s4 =	sadd.s32 s5, s19  }
0x9d: {  	s8 =	simm.s32 $0x0;
	s20 =	sshll.u32 s6, $0x1;
	s6 =	sadd.s32 s21, s4  }
0x9e: {  	[timem:s8], [sflag:s22] =	dma.local [hbm:s6], s20  }
0x9f: {  	_ =	swait.ge [sflag:s22], s20  }
0xa0: {  	s5 =	ssub.s32 $0x0, s20;
	[sflag:s22] =	ssyncset.done $0x0  }
0xa1: {  	[sflag:s22] =	ssyncadd.s32 s5;
	_ =	sdelay $0x1  }
0xa2: {  	s23 =	simm.s32 $0x1B8B  }
0xa3: {  	_ =	swait.ge [sflag:s23], $0x1  }
0xa4: {  	[sflag:s23] =	ssyncset.done $0x0  }
0xa5: {  	s25 =	simm.s32 $0x1B8E;
	s24 =	sld [smem:$0x3FFE];
	[sflag:s23] =	ssyncadd.s32 $0xFFFFFFFF  }
0xa6: {  	s26 =	simm.s32 $execute0_lowered;
	[smem:$0x3FD2] =	sst s25  }
0xa7: {  	s6 =	sshll.u32 s26, $0x1;
	_ =	strace $0x80000046;
	[dreg:$0x1] =	wrdreg $0xFFFFFFFF  }
0xa8: {  	s28 =	simm.s32 $_size_execute0_lowered;
	s4 =	sadd.s32 s4, s6;
	[dreg:$0x0] =	wrdreg $0x0  }
0xa9: {  	s6 =	sshll.u32 s28, $0x1;
	[dreg:$0x2] =	wrdreg s4  }
0xaa: {  	[dreg:$0x3] =	wrdreg s6  }
0xab: {  	[dreg:$0x4] =	wrdreg $0xC0  }
0xac: {  	_ =	task [dreg:s8], $0x5FFFF  }
0xad: {  	[dreg:$0x1] =	wrdreg $0xFFFFFFFF  }
0xae: {  	[dreg:$0x0] =	wrdreg $0x60  }
0xaf: {  	[dreg:$0x2] =	wrdreg s18  }
0xb0: {  	[dreg:$0x3] =	wrdreg s2  }
0xb1: {  	[dreg:$0x4] =	wrdreg s24  }
0xb2: {  	[dreg:$0x5] =	wrdreg $0xA  }
0xb3: {  	_ =	task.clear_ibuf [dreg:s8], $0x6FFFF;
	_ =	strace $0x90000046  }
0xb4: {  	s29 =	simm.s32 $0xA;
	_ =	strace $0x80000048  }
0xb5: {  	_ =	swait.ge [sflag:s29], $0x1  }
0xb6: {  	[sflag:s29] =	ssyncadd.s32 $0xFFFFFFFF  }
0xb7: {  	_ =	strace $0x90000048  }
0xb8: {  	_ =	sfence  }
0xb9: {  	s30 =	sld [smem:$0x0];
	_ =	sdelay $0x2  }
0xba: {  	s31 =	sshll.u32 s1, $0xD;
	s1 =	sshrl.u32 s1, $0x2  }
0xbb: {  	s3 =	sand.u32 $0x4000, s31;
	s1 =	sadd.s32 s1, s30  }
0xbc: {  	s0 =	sor.u32 s3, s0;
	s1 =	sshll.u32 s1, $0x11  }
0xbd: {  	s0 =	sor.u32 s1, s0  }
0xbe: {  	s0 =	sadd.s32 $0x8F2B, s0  }
0xbf: {  	[sflag:s0] =	ssyncadd.remote.s32 $0x1  }
0xc0: {  	_ =	sfence.sel $0xFFFF  }
0xc1: {  	[dreg:$0x0] =	wrdreg $0xFFFFFFFF;
	(pc) =	sbr.abs _section_cstart, $3  }
0xc2: {  	[dreg:$0x1] =	wrdreg $0xFFFFFFFF  }
0xc3: {  	_ =	task.clear_ibuf [dreg:s8], $0x2FFFF;
	_ =	strace $0x9FFFFFFF  }
0xc4: {  	(tm) =	ssettm $0x7FFFFFFF  }
0xc5: {  	_ =	shalt  }
tec
execute0_lowered:
.L_overlay_start_1:
0x0: {  	(tag) =	ssettag $0x1  }
0x1: {  	s0 =	srdreg.scid;
	s1 =	rddreg [dreg:$0x0]  }
0x2: {  	s3 =	stileid.u32;
	s4 =	rddreg [dreg:$0x1]  }
0x3: {  	s5 =	rddreg [dreg:$0x2];
	s13 =	simm.s32 $0x1;
	s15 =	simm.s32 $0x2  }
0x4: {  	s28 =	simm.s32 $0x5200;
	s29 =	simm.s32 $0x5A00;
	s30 =	simm.s32 $0x6200  }
0x5: {  	s31 =	simm.s32 $0x6A00;
	s8 =	simm.s32 $0x11200;
	s9 =	simm.s32 $0x11A00  }
0x6: {  	s10 =	simm.s32 $0x12200;
	s11 =	simm.s32 $0x12A00;
	s12 =	simm.s32 $0x13200  }
0x7: {  	s14 =	simm.s32 $0x13A00;
	s0 =	sand.u32 $0x1, s0;
	s2 =	sshll.u32 s3, $0x1  }
0x8: {  	s17 =	simm.s32 $0x15200;
	s6 =	sshll.u32 s3, $0x9;
	s2 =	sor.u32 s0, s2  }
0x9: {  	s3 =	simm.s32 $0x0;
	s7 =	sshll.u32 s2, $0x6;
	s2 =	sshll.u32 s2, $0xF  }
0xa: {  	s18 =	simm.s32 $0x15A00;
	[smem:$0x7FF] =	sst s3;
	s2 =	sadd.s32 s2, s5  }
0xb: {  	s0 =	ssub.s32 $0x2, s0;
	_ =	strace $0x80000047;
	s19 =	sadd.s32 $0x1400, s2  }
0xc: {  	s25 =	sshrl.u32 s0, $0x1;
	s20 =	sadd.s32 $0x2400, s2;
	[dreg:$0x5] =	wrdreg s19  }
0xd: {  	s6 =	sor.u32 s6, s7;
	s21 =	sadd.s32 $0x3400, s2;
	[dreg:$0x6] =	wrdreg s20  }
0xe: {  	s0 =	ssub.s32 s0, s25;
	s22 =	sadd.s32 $0x4400, s2;
	[dreg:$0x7] =	wrdreg s21  }
0xf: {  	s7 =	simm.s32 $0x10200;
	s23 =	sadd.s32 $0x5400, s2;
	[dreg:$0x8] =	wrdreg s22  }
0x10: {  	s6 =	sor.u32 $0x2600, s6;
	s24 =	sadd.s32 $0x6400, s2;
	[dreg:$0x9] =	wrdreg s23  }
0x11: {  	s26 =	sadd.s32 $0x7400, s2;
	s2 =	sadd.s32 $0x8400, s2;
	[dreg:$0xa] =	wrdreg s24  }
0x12: {  	s5 =	smax.u32 s0, $0x1;
	s0 =	simm.s32 $0x200;
	[dreg:$0xb] =	wrdreg s26  }
0x13: {  	s4 =	sadd.s32 s4, s6;
	[dreg:$0xc] =	wrdreg s2;
	s24 =	simm.s32 $0x8200  }
0x14: {  	v2 =	vlaneseq.u32;
	s26 =	simm.s32 $0x4A00;
	s6 =	simm.s32 $0x10A00;
	s23 =	simm.s32 $0x14200  }
0x15: {  	vm0 =	vmmov $0xffff;
	v1 =	vshrl.u32 v2, $0x3;
	s19 =	simm.s32 $0x16200;
	s20 =	simm.s32 $0x16A00;
	s21 =	simm.s32 $0x17200  }
0x16: {  	v0 =	vand.u32 $0x7, v2;
	v2 =	vor.u32 $0x8, v2;
	v1 =	vmul.u32 $0x8, v1;
	s22 =	simm.s32 $0x17A00;
	[dreg:$0x4] =	wrdreg s4;
	s4 =	sadd.s32 $0x100, s1  }
.LBB2_1:
0x17: {  	s16 =	rddreg [dreg:$0x4];
	s2 =	simm.s32 $0x3  }
0x18: {  	[tilespmem:s3], [sflag:$0x3] =	stream.linear.gather [hbm4b:s16+s3], $0x200, $0x38;
	[tilespmem:$0x18200] =	vst v63  }
0x19: {  	_ =	swait.ge [sflag:s2], $0x200  }
0x1a: {  	[sflag:s2] =	ssyncset.done $0x0  }
0x1b: {  	[sflag:s2] =	ssyncadd.s32 $0xFFFFFE00  }
0x1c: {  	v3 =	vld [tilespmem:$0x0];
	_ =	sdelay $0x4  }
0x1d: {  	v4 =	vshll.u32 v3, $0x2  }
0x1e: {  	v3 =	vand.u32 $0x7, v3;
	v4 =	vand.u32 $0xFFFFFFE0, v4  }
0x1f: {  	v3 =	vor.u32 v3, v4  }
0x20: {  	v4 =	vperm.xlane v3, v0;
	_ =	sdelay $0x1  }
0x21: {  	v4 =	vadd.s32 v1, v4;
	_ =	sdelay $0x1  }
0x22: {  	v3 =	vperm.xlane v3, v2;
	_ =	sdelay $0x1  }
0x23: {  	v3 =	vadd.s32 v1, v3  }
0x24: {  	[tilespmem:s0], [sflag:$0x1] =	stream.indirect_vreg.gather [hbm4b:s1+s3], $0x80, v4, vm0, $0xb8;
	[tilespmem:$0x18200] =	vst v63  }
0x25: {  	s2 =	simm.s32 $0xA00  }
0x26: {  	[tilespmem:s2], [sflag:$0x1] =	stream.indirect_vreg.gather [hbm4b:s4+s3], $0x80, v4, vm0, $0xb8;
	[tilespmem:$0x18200] =	vst v63  }
0x27: {  	s16 =	simm.s32 $0x1200  }
0x28: {  	[tilespmem:s16], [sflag:$0x1] =	stream.indirect_vreg.gather [hbm4b:s1+s3], $0x80, v3, vm0, $0xb8;
	[tilespmem:$0x18200] =	vst v63  }
0x29: {  	s25 =	simm.s32 $0x1A00  }
0x2a: {  	[tilespmem:s25], [sflag:$0x1] =	stream.indirect_vreg.gather [hbm4b:s4+s3], $0x80, v3, vm0, $0xb8;
	[tilespmem:$0x18200] =	vst v63  }
0x2b: {  	v3 =	vld [tilespmem:$0x10];
	_ =	sdelay $0x4  }
0x2c: {  	v33 =	vshll.u32 v3, $0x2  }
0x2d: {  	v3 =	vand.u32 $0x7, v3;
	v4 =	vand.u32 $0xFFFFFFE0, v33  }
0x2e: {  	v3 =	vor.u32 v3, v4  }
0x2f: {  	v4 =	vperm.xlane v3, v0;
	_ =	sdelay $0x1  }
0x30: {  	v4 =	vadd.s32 v1, v4;
	_ =	sdelay $0x1  }
0x31: {  	v3 =	vperm.xlane v3, v2;
	_ =	sdelay $0x1  }
0x32: {  	s16 =	simm.s32 $0x2200;
	v3 =	vadd.s32 v1, v3  }
0x33: {  	[tilespmem:s16], [sflag:$0x1] =	stream.indirect_vreg.gather [hbm4b:s1+s3], $0x80, v4, vm0, $0xb8;
	[tilespmem:$0x18200] =	vst v63  }
0x34: {  	s16 =	simm.s32 $0x2A00  }
0x35: {  	[tilespmem:s16], [sflag:$0x1] =	stream.indirect_vreg.gather [hbm4b:s4+s3], $0x80, v4, vm0, $0xb8;
	[tilespmem:$0x18200] =	vst v63  }
0x36: {  	s16 =	simm.s32 $0x3200  }
0x37: {  	[tilespmem:s16], [sflag:$0x1] =	stream.indirect_vreg.gather [hbm4b:s1+s3], $0x80, v3, vm0, $0xb8;
	[tilespmem:$0x18200] =	vst v63  }
0x38: {  	s16 =	simm.s32 $0x3A00  }
0x39: {  	[tilespmem:s16], [sflag:$0x1] =	stream.indirect_vreg.gather [hbm4b:s4+s3], $0x80, v3, vm0, $0xb8;
	[tilespmem:$0x18200] =	vst v63  }
0x3a: {  	v3 =	vld [tilespmem:$0x20];
	_ =	sdelay $0x4  }
0x3b: {  	v34 =	vshll.u32 v3, $0x2  }
0x3c: {  	v3 =	vand.u32 $0x7, v3;
	v4 =	vand.u32 $0xFFFFFFE0, v34  }
0x3d: {  	v3 =	vor.u32 v3, v4  }
0x3e: {  	v4 =	vperm.xlane v3, v0;
	_ =	sdelay $0x1  }
0x3f: {  	v4 =	vadd.s32 v1, v4;
	_ =	sdelay $0x1  }
0x40: {  	v3 =	vperm.xlane v3, v2;
	_ =	sdelay $0x1  }
0x41: {  	s16 =	simm.s32 $0x4200;
	v3 =	vadd.s32 v1, v3  }
0x42: {  	[tilespmem:s16], [sflag:$0x1] =	stream.indirect_vreg.gather [hbm4b:s1+s3], $0x80, v4, vm0, $0xb8;
	[tilespmem:$0x18200] =	vst v63  }
0x43: {  	_ = 	snop  }
0x44: {  	[tilespmem:s26], [sflag:$0x1] =	stream.indirect_vreg.gather [hbm4b:s4+s3], $0x80, v4, vm0, $0xb8;
	[tilespmem:$0x18200] =	vst v63  }
0x45: {  	_ = 	snop  }
0x46: {  	[tilespmem:s28], [sflag:$0x1] =	stream.indirect_vreg.gather [hbm4b:s1+s3], $0x80, v3, vm0, $0xb8;
	[tilespmem:$0x18200] =	vst v63  }
0x47: {  	_ = 	snop  }
0x48: {  	[tilespmem:s29], [sflag:$0x1] =	stream.indirect_vreg.gather [hbm4b:s4+s3], $0x80, v3, vm0, $0xb8;
	[tilespmem:$0x18200] =	vst v63  }
0x49: {  	v3 =	vld [tilespmem:$0x30];
	_ =	sdelay $0x4  }
0x4a: {  	v35 =	vshll.u32 v3, $0x2  }
0x4b: {  	v3 =	vand.u32 $0x7, v3;
	v4 =	vand.u32 $0xFFFFFFE0, v35  }
0x4c: {  	v3 =	vor.u32 v3, v4  }
0x4d: {  	v4 =	vperm.xlane v3, v0;
	_ =	sdelay $0x1  }
0x4e: {  	v4 =	vadd.s32 v1, v4;
	_ =	sdelay $0x1  }
0x4f: {  	v3 =	vperm.xlane v3, v2;
	_ =	sdelay $0x1  }
0x50: {  	v3 =	vadd.s32 v1, v3  }
0x51: {  	[tilespmem:s30], [sflag:$0x1] =	stream.indirect_vreg.gather [hbm4b:s1+s3], $0x80, v4, vm0, $0xb8;
	[tilespmem:$0x18200] =	vst v63  }
0x52: {  	_ = 	snop  }
0x53: {  	[tilespmem:s31], [sflag:$0x1] =	stream.indirect_vreg.gather [hbm4b:s4+s3], $0x80, v4, vm0, $0xb8;
	[tilespmem:$0x18200] =	vst v63  }
0x54: {  	s16 =	simm.s32 $0x7200  }
0x55: {  	[tilespmem:s16], [sflag:$0x1] =	stream.indirect_vreg.gather [hbm4b:s1+s3], $0x80, v3, vm0, $0xb8;
	[tilespmem:$0x18200] =	vst v63  }
0x56: {  	s16 =	simm.s32 $0x7A00  }
0x57: {  	[tilespmem:s16], [sflag:$0x1] =	stream.indirect_vreg.gather [hbm4b:s4+s3], $0x80, v3, vm0, $0xb8;
	[tilespmem:$0x18200] =	vst v63  }
0x58: {  	v3 =	vld [tilespmem:$0x40];
	_ =	sdelay $0x4  }
0x59: {  	v36 =	vshll.u32 v3, $0x2  }
0x5a: {  	v3 =	vand.u32 $0x7, v3;
	v4 =	vand.u32 $0xFFFFFFE0, v36  }
0x5b: {  	v3 =	vor.u32 v3, v4  }
0x5c: {  	v4 =	vperm.xlane v3, v0;
	_ =	sdelay $0x1  }
0x5d: {  	v4 =	vadd.s32 v1, v4;
	_ =	sdelay $0x1  }
0x5e: {  	v3 =	vperm.xlane v3, v2;
	_ =	sdelay $0x1  }
0x5f: {  	v3 =	vadd.s32 v1, v3  }
0x60: {  	[tilespmem:s24], [sflag:$0x1] =	stream.indirect_vreg.gather [hbm4b:s1+s3], $0x80, v4, vm0, $0xb8;
	[tilespmem:$0x18200] =	vst v63  }
0x61: {  	s16 =	simm.s32 $0x8A00  }
0x62: {  	[tilespmem:s16], [sflag:$0x1] =	stream.indirect_vreg.gather [hbm4b:s4+s3], $0x80, v4, vm0, $0xb8;
	[tilespmem:$0x18200] =	vst v63  }
0x63: {  	s16 =	simm.s32 $0x9200  }
0x64: {  	[tilespmem:s16], [sflag:$0x1] =	stream.indirect_vreg.gather [hbm4b:s1+s3], $0x80, v3, vm0, $0xb8;
	[tilespmem:$0x18200] =	vst v63  }
0x65: {  	s16 =	simm.s32 $0x9A00  }
0x66: {  	[tilespmem:s16], [sflag:$0x1] =	stream.indirect_vreg.gather [hbm4b:s4+s3], $0x80, v3, vm0, $0xb8;
	[tilespmem:$0x18200] =	vst v63  }
0x67: {  	v3 =	vld [tilespmem:$0x50];
	_ =	sdelay $0x4  }
0x68: {  	v37 =	vshll.u32 v3, $0x2  }
0x69: {  	v3 =	vand.u32 $0x7, v3;
	v4 =	vand.u32 $0xFFFFFFE0, v37  }
0x6a: {  	v3 =	vor.u32 v3, v4  }
0x6b: {  	v4 =	vperm.xlane v3, v0;
	_ =	sdelay $0x1  }
0x6c: {  	v4 =	vadd.s32 v1, v4;
	_ =	sdelay $0x1  }
0x6d: {  	v3 =	vperm.xlane v3, v2;
	_ =	sdelay $0x1  }
0x6e: {  	s16 =	simm.s32 $0xA200;
	v3 =	vadd.s32 v1, v3  }
0x6f: {  	[tilespmem:s16], [sflag:$0x1] =	stream.indirect_vreg.gather [hbm4b:s1+s3], $0x80, v4, vm0, $0xb8;
	[tilespmem:$0x18200] =	vst v63  }
0x70: {  	s16 =	simm.s32 $0xAA00  }
0x71: {  	[tilespmem:s16], [sflag:$0x1] =	stream.indirect_vreg.gather [hbm4b:s4+s3], $0x80, v4, vm0, $0xb8;
	[tilespmem:$0x18200] =	vst v63  }
0x72: {  	s16 =	simm.s32 $0xB200  }
0x73: {  	[tilespmem:s16], [sflag:$0x1] =	stream.indirect_vreg.gather [hbm4b:s1+s3], $0x80, v3, vm0, $0xb8;
	[tilespmem:$0x18200] =	vst v63  }
0x74: {  	s16 =	simm.s32 $0xBA00  }
0x75: {  	[tilespmem:s16], [sflag:$0x1] =	stream.indirect_vreg.gather [hbm4b:s4+s3], $0x80, v3, vm0, $0xb8;
	[tilespmem:$0x18200] =	vst v63  }
0x76: {  	v3 =	vld [tilespmem:$0x60];
	_ =	sdelay $0x4  }
0x77: {  	v38 =	vshll.u32 v3, $0x2  }
0x78: {  	v3 =	vand.u32 $0x7, v3;
	v4 =	vand.u32 $0xFFFFFFE0, v38  }
0x79: {  	v3 =	vor.u32 v3, v4  }
0x7a: {  	v4 =	vperm.xlane v3, v0;
	_ =	sdelay $0x1  }
0x7b: {  	v4 =	vadd.s32 v1, v4;
	_ =	sdelay $0x1  }
0x7c: {  	v3 =	vperm.xlane v3, v2;
	_ =	sdelay $0x1  }
0x7d: {  	s16 =	simm.s32 $0xC200;
	v3 =	vadd.s32 v1, v3  }
0x7e: {  	[tilespmem:s16], [sflag:$0x1] =	stream.indirect_vreg.gather [hbm4b:s1+s3], $0x80, v4, vm0, $0xb8;
	[tilespmem:$0x18200] =	vst v63  }
0x7f: {  	s16 =	simm.s32 $0xCA00  }
0x80: {  	[tilespmem:s16], [sflag:$0x1] =	stream.indirect_vreg.gather [hbm4b:s4+s3], $0x80, v4, vm0, $0xb8;
	[tilespmem:$0x18200] =	vst v63  }
0x81: {  	s16 =	simm.s32 $0xD200  }
0x82: {  	[tilespmem:s16], [sflag:$0x1] =	stream.indirect_vreg.gather [hbm4b:s1+s3], $0x80, v3, vm0, $0xb8;
	[tilespmem:$0x18200] =	vst v63  }
0x83: {  	s16 =	simm.s32 $0xDA00  }
0x84: {  	[tilespmem:s16], [sflag:$0x1] =	stream.indirect_vreg.gather [hbm4b:s4+s3], $0x80, v3, vm0, $0xb8;
	[tilespmem:$0x18200] =	vst v63  }
0x85: {  	v3 =	vld [tilespmem:$0x70];
	_ =	sdelay $0x4  }
0x86: {  	v39 =	vshll.u32 v3, $0x2  }
0x87: {  	v3 =	vand.u32 $0x7, v3;
	v4 =	vand.u32 $0xFFFFFFE0, v39  }
0x88: {  	v3 =	vor.u32 v3, v4  }
0x89: {  	v4 =	vperm.xlane v3, v0;
	_ =	sdelay $0x1  }
0x8a: {  	v4 =	vadd.s32 v1, v4;
	_ =	sdelay $0x1  }
0x8b: {  	v3 =	vperm.xlane v3, v2;
	_ =	sdelay $0x1  }
0x8c: {  	s16 =	simm.s32 $0xE200;
	v3 =	vadd.s32 v1, v3  }
0x8d: {  	[tilespmem:s16], [sflag:$0x1] =	stream.indirect_vreg.gather [hbm4b:s1+s3], $0x80, v4, vm0, $0xb8;
	[tilespmem:$0x18200] =	vst v63  }
0x8e: {  	s16 =	simm.s32 $0xEA00  }
0x8f: {  	[tilespmem:s16], [sflag:$0x1] =	stream.indirect_vreg.gather [hbm4b:s4+s3], $0x80, v4, vm0, $0xb8;
	[tilespmem:$0x18200] =	vst v63  }
0x90: {  	s16 =	simm.s32 $0xF200  }
0x91: {  	[tilespmem:s16], [sflag:$0x1] =	stream.indirect_vreg.gather [hbm4b:s1+s3], $0x80, v3, vm0, $0xb8;
	[tilespmem:$0x18200] =	vst v63  }
0x92: {  	s16 =	simm.s32 $0xFA00  }
0x93: {  	[tilespmem:s16], [sflag:$0x1] =	stream.indirect_vreg.gather [hbm4b:s4+s3], $0x80, v3, vm0, $0xb8;
	[tilespmem:$0x18200] =	vst v63  }
0x94: {  	_ =	swait.ge [sflag:s13], $0x8000  }
0x95: {  	[sflag:s13] =	ssyncset.done $0x0  }
0x96: {  	[sflag:s13] =	ssyncadd.s32 $0xFFFF8000  }
0x97: {  	v3 =	vld [tilespmem:$0x80];
	_ =	sdelay $0x4  }
0x98: {  	v40 =	vshll.u32 v3, $0x2  }
0x99: {  	v3 =	vand.u32 $0x7, v3;
	v4 =	vand.u32 $0xFFFFFFE0, v40  }
0x9a: {  	v3 =	vor.u32 v3, v4  }
0x9b: {  	v4 =	vperm.xlane v3, v0;
	_ =	sdelay $0x1  }
0x9c: {  	v4 =	vadd.s32 v1, v4;
	_ =	sdelay $0x1  }
0x9d: {  	v3 =	vperm.xlane v3, v2;
	_ =	sdelay $0x1  }
0x9e: {  	v3 =	vadd.s32 v1, v3  }
0x9f: {  	[tilespmem:s7], [sflag:$0x1] =	stream.indirect_vreg.gather [hbm4b:s1+s3], $0x80, v4, vm0, $0xb8;
	[tilespmem:$0x18200] =	vst v63  }
0xa0: {  	_ = 	snop  }
0xa1: {  	[tilespmem:s6], [sflag:$0x1] =	stream.indirect_vreg.gather [hbm4b:s4+s3], $0x80, v4, vm0, $0xb8;
	[tilespmem:$0x18200] =	vst v63  }
0xa2: {  	_ = 	snop  }
0xa3: {  	[tilespmem:s8], [sflag:$0x1] =	stream.indirect_vreg.gather [hbm4b:s1+s3], $0x80, v3, vm0, $0xb8;
	[tilespmem:$0x18200] =	vst v63  }
0xa4: {  	_ = 	snop  }
0xa5: {  	[tilespmem:s9], [sflag:$0x1] =	stream.indirect_vreg.gather [hbm4b:s4+s3], $0x80, v3, vm0, $0xb8;
	[tilespmem:$0x18200] =	vst v63  }
0xa6: {  	v3 =	vld [tilespmem:$0x90];
	_ =	sdelay $0x4  }
0xa7: {  	v41 =	vshll.u32 v3, $0x2  }
0xa8: {  	v3 =	vand.u32 $0x7, v3;
	v4 =	vand.u32 $0xFFFFFFE0, v41  }
0xa9: {  	v3 =	vor.u32 v3, v4  }
0xaa: {  	v4 =	vperm.xlane v3, v0;
	_ =	sdelay $0x1  }
0xab: {  	v4 =	vadd.s32 v1, v4;
	_ =	sdelay $0x1  }
0xac: {  	v3 =	vperm.xlane v3, v2;
	_ =	sdelay $0x1  }
0xad: {  	v3 =	vadd.s32 v1, v3  }
0xae: {  	[tilespmem:s10], [sflag:$0x1] =	stream.indirect_vreg.gather [hbm4b:s1+s3], $0x80, v4, vm0, $0xb8;
	[tilespmem:$0x18200] =	vst v63  }
0xaf: {  	_ = 	snop  }
0xb0: {  	[tilespmem:s11], [sflag:$0x1] =	stream.indirect_vreg.gather [hbm4b:s4+s3], $0x80, v4, vm0, $0xb8;
	[tilespmem:$0x18200] =	vst v63  }
0xb1: {  	_ = 	snop  }
0xb2: {  	[tilespmem:s12], [sflag:$0x1] =	stream.indirect_vreg.gather [hbm4b:s1+s3], $0x80, v3, vm0, $0xb8;
	[tilespmem:$0x18200] =	vst v63  }
0xb3: {  	_ = 	snop  }
0xb4: {  	[tilespmem:s14], [sflag:$0x1] =	stream.indirect_vreg.gather [hbm4b:s4+s3], $0x80, v3, vm0, $0xb8;
	[tilespmem:$0x18200] =	vst v63  }
0xb5: {  	v3 =	vld [tilespmem:$0xA0];
	_ =	sdelay $0x4  }
0xb6: {  	v42 =	vshll.u32 v3, $0x2  }
0xb7: {  	v3 =	vand.u32 $0x7, v3;
	v4 =	vand.u32 $0xFFFFFFE0, v42  }
0xb8: {  	v3 =	vor.u32 v3, v4  }
0xb9: {  	v4 =	vperm.xlane v3, v0;
	_ =	sdelay $0x1  }
0xba: {  	v4 =	vadd.s32 v1, v4;
	_ =	sdelay $0x1  }
0xbb: {  	v3 =	vperm.xlane v3, v2;
	_ =	sdelay $0x1  }
0xbc: {  	v3 =	vadd.s32 v1, v3  }
0xbd: {  	[tilespmem:s23], [sflag:$0x1] =	stream.indirect_vreg.gather [hbm4b:s1+s3], $0x80, v4, vm0, $0xb8;
	[tilespmem:$0x18200] =	vst v63  }
0xbe: {  	s2 =	simm.s32 $0x14A00  }
0xbf: {  	[tilespmem:s2], [sflag:$0x1] =	stream.indirect_vreg.gather [hbm4b:s4+s3], $0x80, v4, vm0, $0xb8;
	[tilespmem:$0x18200] =	vst v63  }
0xc0: {  	_ = 	snop  }
0xc1: {  	[tilespmem:s17], [sflag:$0x1] =	stream.indirect_vreg.gather [hbm4b:s1+s3], $0x80, v3, vm0, $0xb8;
	[tilespmem:$0x18200] =	vst v63  }
0xc2: {  	_ = 	snop  }
0xc3: {  	[tilespmem:s18], [sflag:$0x1] =	stream.indirect_vreg.gather [hbm4b:s4+s3], $0x80, v3, vm0, $0xb8;
	[tilespmem:$0x18200] =	vst v63  }
0xc4: {  	v3 =	vld [tilespmem:$0xB0];
	_ =	sdelay $0x4  }
0xc5: {  	v43 =	vshll.u32 v3, $0x2  }
0xc6: {  	v3 =	vand.u32 $0x7, v3;
	v4 =	vand.u32 $0xFFFFFFE0, v43  }
0xc7: {  	v3 =	vor.u32 v3, v4  }
0xc8: {  	v4 =	vperm.xlane v3, v0;
	_ =	sdelay $0x1  }
0xc9: {  	v4 =	vadd.s32 v1, v4;
	_ =	sdelay $0x1  }
0xca: {  	v3 =	vperm.xlane v3, v2;
	_ =	sdelay $0x1  }
0xcb: {  	v3 =	vadd.s32 v1, v3  }
0xcc: {  	[tilespmem:s19], [sflag:$0x1] =	stream.indirect_vreg.gather [hbm4b:s1+s3], $0x80, v4, vm0, $0xb8;
	[tilespmem:$0x18200] =	vst v63  }
0xcd: {  	_ = 	snop  }
0xce: {  	[tilespmem:s20], [sflag:$0x1] =	stream.indirect_vreg.gather [hbm4b:s4+s3], $0x80, v4, vm0, $0xb8;
	[tilespmem:$0x18200] =	vst v63  }
0xcf: {  	_ = 	snop  }
0xd0: {  	[tilespmem:s21], [sflag:$0x1] =	stream.indirect_vreg.gather [hbm4b:s1+s3], $0x80, v3, vm0, $0xb8;
	[tilespmem:$0x18200] =	vst v63  }
0xd1: {  	_ = 	snop  }
0xd2: {  	[tilespmem:s22], [sflag:$0x1] =	stream.indirect_vreg.gather [hbm4b:s4+s3], $0x80, v3, vm0, $0xb8;
	[tilespmem:$0x18200] =	vst v63  }
0xd3: {  	s16 =	rddreg [dreg:$0x5]  }
0xd4: {  	[hbm4b:s16+s3] =	stream.linear.scatter [tilespmem:s0], [sflag:$0x2], $0x8000, $0x38;
	[tilespmem:$0x18200] =	vst v63  }
0xd5: {  	_ =	swait.ge [sflag:s13], $0x8000  }
0xd6: {  	[sflag:s13] =	ssyncset.done $0x0  }
0xd7: {  	[sflag:s13] =	ssyncadd.s32 $0xFFFF8000  }
0xd8: {  	_ =	swait.ge [sflag:s15], $0x8000  }
0xd9: {  	[sflag:s15] =	ssyncset.done $0x0  }
0xda: {  	[sflag:s15] =	ssyncadd.s32 $0xFFFF8000  }
0xdb: {  	v3 =	vld [tilespmem:$0xC0];
	_ =	sdelay $0x4  }
0xdc: {  	v44 =	vshll.u32 v3, $0x2  }
0xdd: {  	v3 =	vand.u32 $0x7, v3;
	v4 =	vand.u32 $0xFFFFFFE0, v44  }
0xde: {  	v3 =	vor.u32 v3, v4  }
0xdf: {  	v4 =	vperm.xlane v3, v0;
	_ =	sdelay $0x1  }
0xe0: {  	v4 =	vadd.s32 v1, v4;
	_ =	sdelay $0x1  }
0xe1: {  	v3 =	vperm.xlane v3, v2;
	_ =	sdelay $0x1  }
0xe2: {  	v3 =	vadd.s32 v1, v3  }
0xe3: {  	[tilespmem:s0], [sflag:$0x1] =	stream.indirect_vreg.gather [hbm4b:s1+s3], $0x80, v4, vm0, $0xb8;
	[tilespmem:$0x18200] =	vst v63  }
0xe4: {  	s16 =	simm.s32 $0xA00  }
0xe5: {  	[tilespmem:s16], [sflag:$0x1] =	stream.indirect_vreg.gather [hbm4b:s4+s3], $0x80, v4, vm0, $0xb8;
	[tilespmem:$0x18200] =	vst v63  }
0xe6: {  	s16 =	simm.s32 $0x1200  }
0xe7: {  	[tilespmem:s16], [sflag:$0x1] =	stream.indirect_vreg.gather [hbm4b:s1+s3], $0x80, v3, vm0, $0xb8;
	[tilespmem:$0x18200] =	vst v63  }
0xe8: {  	s25 =	simm.s32 $0x1A00  }
0xe9: {  	[tilespmem:s25], [sflag:$0x1] =	stream.indirect_vreg.gather [hbm4b:s4+s3], $0x80, v3, vm0, $0xb8;
	[tilespmem:$0x18200] =	vst v63  }
0xea: {  	v3 =	vld [tilespmem:$0xD0];
	_ =	sdelay $0x4  }
0xeb: {  	v45 =	vshll.u32 v3, $0x2  }
0xec: {  	v3 =	vand.u32 $0x7, v3;
	v4 =	vand.u32 $0xFFFFFFE0, v45  }
0xed: {  	v3 =	vor.u32 v3, v4  }
0xee: {  	v4 =	vperm.xlane v3, v0;
	_ =	sdelay $0x1  }
0xef: {  	v4 =	vadd.s32 v1, v4;
	_ =	sdelay $0x1  }
0xf0: {  	v3 =	vperm.xlane v3, v2;
	_ =	sdelay $0x1  }
0xf1: {  	s25 =	simm.s32 $0x2200;
	v3 =	vadd.s32 v1, v3  }
0xf2: {  	[tilespmem:s25], [sflag:$0x1] =	stream.indirect_vreg.gather [hbm4b:s1+s3], $0x80, v4, vm0, $0xb8;
	[tilespmem:$0x18200] =	vst v63  }
0xf3: {  	s25 =	simm.s32 $0x2A00  }
0xf4: {  	[tilespmem:s25], [sflag:$0x1] =	stream.indirect_vreg.gather [hbm4b:s4+s3], $0x80, v4, vm0, $0xb8;
	[tilespmem:$0x18200] =	vst v63  }
0xf5: {  	s25 =	simm.s32 $0x3200  }
0xf6: {  	[tilespmem:s25], [sflag:$0x1] =	stream.indirect_vreg.gather [hbm4b:s1+s3], $0x80, v3, vm0, $0xb8;
	[tilespmem:$0x18200] =	vst v63  }
0xf7: {  	s25 =	simm.s32 $0x3A00  }
0xf8: {  	[tilespmem:s25], [sflag:$0x1] =	stream.indirect_vreg.gather [hbm4b:s4+s3], $0x80, v3, vm0, $0xb8;
	[tilespmem:$0x18200] =	vst v63  }
0xf9: {  	v3 =	vld [tilespmem:$0xE0];
	_ =	sdelay $0x4  }
0xfa: {  	v46 =	vshll.u32 v3, $0x2  }
0xfb: {  	v3 =	vand.u32 $0x7, v3;
	v4 =	vand.u32 $0xFFFFFFE0, v46  }
0xfc: {  	v3 =	vor.u32 v3, v4  }
0xfd: {  	v4 =	vperm.xlane v3, v0;
	_ =	sdelay $0x1  }
0xfe: {  	v4 =	vadd.s32 v1, v4;
	_ =	sdelay $0x1  }
0xff: {  	v3 =	vperm.xlane v3, v2;
	_ =	sdelay $0x1  }
0x100: {  	s25 =	simm.s32 $0x4200;
	v3 =	vadd.s32 v1, v3  }
0x101: {  	[tilespmem:s25], [sflag:$0x1] =	stream.indirect_vreg.gather [hbm4b:s1+s3], $0x80, v4, vm0, $0xb8;
	[tilespmem:$0x18200] =	vst v63  }
0x102: {  	_ = 	snop  }
0x103: {  	[tilespmem:s26], [sflag:$0x1] =	stream.indirect_vreg.gather [hbm4b:s4+s3], $0x80, v4, vm0, $0xb8;
	[tilespmem:$0x18200] =	vst v63  }
0x104: {  	_ = 	snop  }
0x105: {  	[tilespmem:s28], [sflag:$0x1] =	stream.indirect_vreg.gather [hbm4b:s1+s3], $0x80, v3, vm0, $0xb8;
	[tilespmem:$0x18200] =	vst v63  }
0x106: {  	_ = 	snop  }
0x107: {  	[tilespmem:s29], [sflag:$0x1] =	stream.indirect_vreg.gather [hbm4b:s4+s3], $0x80, v3, vm0, $0xb8;
	[tilespmem:$0x18200] =	vst v63  }
0x108: {  	v3 =	vld [tilespmem:$0xF0];
	_ =	sdelay $0x4  }
0x109: {  	v47 =	vshll.u32 v3, $0x2  }
0x10a: {  	v3 =	vand.u32 $0x7, v3;
	v4 =	vand.u32 $0xFFFFFFE0, v47  }
0x10b: {  	v3 =	vor.u32 v3, v4  }
0x10c: {  	v4 =	vperm.xlane v3, v0;
	_ =	sdelay $0x1  }
0x10d: {  	v4 =	vadd.s32 v1, v4;
	_ =	sdelay $0x1  }
0x10e: {  	v3 =	vperm.xlane v3, v2;
	_ =	sdelay $0x1  }
0x10f: {  	v3 =	vadd.s32 v1, v3  }
0x110: {  	[tilespmem:s30], [sflag:$0x1] =	stream.indirect_vreg.gather [hbm4b:s1+s3], $0x80, v4, vm0, $0xb8;
	[tilespmem:$0x18200] =	vst v63  }
0x111: {  	_ = 	snop  }
0x112: {  	[tilespmem:s31], [sflag:$0x1] =	stream.indirect_vreg.gather [hbm4b:s4+s3], $0x80, v4, vm0, $0xb8;
	[tilespmem:$0x18200] =	vst v63  }
0x113: {  	s25 =	simm.s32 $0x7200  }
0x114: {  	[tilespmem:s25], [sflag:$0x1] =	stream.indirect_vreg.gather [hbm4b:s1+s3], $0x80, v3, vm0, $0xb8;
	[tilespmem:$0x18200] =	vst v63  }
0x115: {  	s25 =	simm.s32 $0x7A00  }
0x116: {  	[tilespmem:s25], [sflag:$0x1] =	stream.indirect_vreg.gather [hbm4b:s4+s3], $0x80, v3, vm0, $0xb8;
	[tilespmem:$0x18200] =	vst v63  }
0x117: {  	s16 =	rddreg [dreg:$0x6]  }
0x118: {  	[hbm4b:s16+s3] =	stream.linear.scatter [tilespmem:s24], [sflag:$0x2], $0x8000, $0x38;
	[tilespmem:$0x18200] =	vst v63  }
0x119: {  	_ =	swait.ge [sflag:s13], $0x8000  }
0x11a: {  	[sflag:s13] =	ssyncset.done $0x0  }
0x11b: {  	[sflag:s13] =	ssyncadd.s32 $0xFFFF8000  }
0x11c: {  	_ =	swait.ge [sflag:s15], $0x8000  }
0x11d: {  	[sflag:s15] =	ssyncset.done $0x0  }
0x11e: {  	[sflag:s15] =	ssyncadd.s32 $0xFFFF8000  }
0x11f: {  	v3 =	vld [tilespmem:$0x100];
	_ =	sdelay $0x4  }
0x120: {  	v48 =	vshll.u32 v3, $0x2  }
0x121: {  	v3 =	vand.u32 $0x7, v3;
	v4 =	vand.u32 $0xFFFFFFE0, v48  }
0x122: {  	v3 =	vor.u32 v3, v4  }
0x123: {  	v4 =	vperm.xlane v3, v0;
	_ =	sdelay $0x1  }
0x124: {  	v4 =	vadd.s32 v1, v4;
	_ =	sdelay $0x1  }
0x125: {  	v3 =	vperm.xlane v3, v2;
	_ =	sdelay $0x1  }
0x126: {  	v3 =	vadd.s32 v1, v3  }
0x127: {  	[tilespmem:s24], [sflag:$0x1] =	stream.indirect_vreg.gather [hbm4b:s1+s3], $0x80, v4, vm0, $0xb8;
	[tilespmem:$0x18200] =	vst v63  }
0x128: {  	s25 =	simm.s32 $0x8A00  }
0x129: {  	[tilespmem:s25], [sflag:$0x1] =	stream.indirect_vreg.gather [hbm4b:s4+s3], $0x80, v4, vm0, $0xb8;
	[tilespmem:$0x18200] =	vst v63  }
0x12a: {  	s25 =	simm.s32 $0x9200  }
0x12b: {  	[tilespmem:s25], [sflag:$0x1] =	stream.indirect_vreg.gather [hbm4b:s1+s3], $0x80, v3, vm0, $0xb8;
	[tilespmem:$0x18200] =	vst v63  }
0x12c: {  	s25 =	simm.s32 $0x9A00  }
0x12d: {  	[tilespmem:s25], [sflag:$0x1] =	stream.indirect_vreg.gather [hbm4b:s4+s3], $0x80, v3, vm0, $0xb8;
	[tilespmem:$0x18200] =	vst v63  }
0x12e: {  	v3 =	vld [tilespmem:$0x110];
	_ =	sdelay $0x4  }
0x12f: {  	v49 =	vshll.u32 v3, $0x2  }
0x130: {  	v3 =	vand.u32 $0x7, v3;
	v4 =	vand.u32 $0xFFFFFFE0, v49  }
0x131: {  	v3 =	vor.u32 v3, v4  }
0x132: {  	v4 =	vperm.xlane v3, v0;
	_ =	sdelay $0x1  }
0x133: {  	v4 =	vadd.s32 v1, v4;
	_ =	sdelay $0x1  }
0x134: {  	v3 =	vperm.xlane v3, v2;
	_ =	sdelay $0x1  }
0x135: {  	s25 =	simm.s32 $0xA200;
	v3 =	vadd.s32 v1, v3  }
0x136: {  	[tilespmem:s25], [sflag:$0x1] =	stream.indirect_vreg.gather [hbm4b:s1+s3], $0x80, v4, vm0, $0xb8;
	[tilespmem:$0x18200] =	vst v63  }
0x137: {  	s25 =	simm.s32 $0xAA00  }
0x138: {  	[tilespmem:s25], [sflag:$0x1] =	stream.indirect_vreg.gather [hbm4b:s4+s3], $0x80, v4, vm0, $0xb8;
	[tilespmem:$0x18200] =	vst v63  }
0x139: {  	s25 =	simm.s32 $0xB200  }
0x13a: {  	[tilespmem:s25], [sflag:$0x1] =	stream.indirect_vreg.gather [hbm4b:s1+s3], $0x80, v3, vm0, $0xb8;
	[tilespmem:$0x18200] =	vst v63  }
0x13b: {  	s25 =	simm.s32 $0xBA00  }
0x13c: {  	[tilespmem:s25], [sflag:$0x1] =	stream.indirect_vreg.gather [hbm4b:s4+s3], $0x80, v3, vm0, $0xb8;
	[tilespmem:$0x18200] =	vst v63  }
0x13d: {  	v3 =	vld [tilespmem:$0x120];
	_ =	sdelay $0x4  }
0x13e: {  	v50 =	vshll.u32 v3, $0x2  }
0x13f: {  	v3 =	vand.u32 $0x7, v3;
	v4 =	vand.u32 $0xFFFFFFE0, v50  }
0x140: {  	v3 =	vor.u32 v3, v4  }
0x141: {  	v4 =	vperm.xlane v3, v0;
	_ =	sdelay $0x1  }
0x142: {  	v4 =	vadd.s32 v1, v4;
	_ =	sdelay $0x1  }
0x143: {  	v3 =	vperm.xlane v3, v2;
	_ =	sdelay $0x1  }
0x144: {  	s25 =	simm.s32 $0xC200;
	v3 =	vadd.s32 v1, v3  }
0x145: {  	[tilespmem:s25], [sflag:$0x1] =	stream.indirect_vreg.gather [hbm4b:s1+s3], $0x80, v4, vm0, $0xb8;
	[tilespmem:$0x18200] =	vst v63  }
0x146: {  	s25 =	simm.s32 $0xCA00  }
0x147: {  	[tilespmem:s25], [sflag:$0x1] =	stream.indirect_vreg.gather [hbm4b:s4+s3], $0x80, v4, vm0, $0xb8;
	[tilespmem:$0x18200] =	vst v63  }
0x148: {  	s25 =	simm.s32 $0xD200  }
0x149: {  	[tilespmem:s25], [sflag:$0x1] =	stream.indirect_vreg.gather [hbm4b:s1+s3], $0x80, v3, vm0, $0xb8;
	[tilespmem:$0x18200] =	vst v63  }
0x14a: {  	s25 =	simm.s32 $0xDA00  }
0x14b: {  	[tilespmem:s25], [sflag:$0x1] =	stream.indirect_vreg.gather [hbm4b:s4+s3], $0x80, v3, vm0, $0xb8;
	[tilespmem:$0x18200] =	vst v63  }
0x14c: {  	v3 =	vld [tilespmem:$0x130];
	_ =	sdelay $0x4  }
0x14d: {  	v51 =	vshll.u32 v3, $0x2  }
0x14e: {  	v3 =	vand.u32 $0x7, v3;
	v4 =	vand.u32 $0xFFFFFFE0, v51  }
0x14f: {  	v3 =	vor.u32 v3, v4  }
0x150: {  	v4 =	vperm.xlane v3, v0;
	_ =	sdelay $0x1  }
0x151: {  	v4 =	vadd.s32 v1, v4;
	_ =	sdelay $0x1  }
0x152: {  	v3 =	vperm.xlane v3, v2;
	_ =	sdelay $0x1  }
0x153: {  	s25 =	simm.s32 $0xE200;
	v3 =	vadd.s32 v1, v3  }
0x154: {  	[tilespmem:s25], [sflag:$0x1] =	stream.indirect_vreg.gather [hbm4b:s1+s3], $0x80, v4, vm0, $0xb8;
	[tilespmem:$0x18200] =	vst v63  }
0x155: {  	s25 =	simm.s32 $0xEA00  }
0x156: {  	[tilespmem:s25], [sflag:$0x1] =	stream.indirect_vreg.gather [hbm4b:s4+s3], $0x80, v4, vm0, $0xb8;
	[tilespmem:$0x18200] =	vst v63  }
0x157: {  	s25 =	simm.s32 $0xF200  }
0x158: {  	[tilespmem:s25], [sflag:$0x1] =	stream.indirect_vreg.gather [hbm4b:s1+s3], $0x80, v3, vm0, $0xb8;
	[tilespmem:$0x18200] =	vst v63  }
0x159: {  	s25 =	simm.s32 $0xFA00  }
0x15a: {  	[tilespmem:s25], [sflag:$0x1] =	stream.indirect_vreg.gather [hbm4b:s4+s3], $0x80, v3, vm0, $0xb8;
	[tilespmem:$0x18200] =	vst v63  }
0x15b: {  	s16 =	rddreg [dreg:$0x7]  }
0x15c: {  	[hbm4b:s16+s3] =	stream.linear.scatter [tilespmem:s7], [sflag:$0x2], $0x8000, $0x38;
	[tilespmem:$0x18200] =	vst v63  }
0x15d: {  	_ =	swait.ge [sflag:s13], $0x8000  }
0x15e: {  	[sflag:s13] =	ssyncset.done $0x0  }
0x15f: {  	[sflag:s13] =	ssyncadd.s32 $0xFFFF8000  }
0x160: {  	_ =	swait.ge [sflag:s15], $0x8000  }
0x161: {  	[sflag:s15] =	ssyncset.done $0x0  }
0x162: {  	[sflag:s15] =	ssyncadd.s32 $0xFFFF8000  }
0x163: {  	v3 =	vld [tilespmem:$0x140];
	_ =	sdelay $0x4  }
0x164: {  	v52 =	vshll.u32 v3, $0x2  }
0x165: {  	v3 =	vand.u32 $0x7, v3;
	v4 =	vand.u32 $0xFFFFFFE0, v52  }
0x166: {  	v3 =	vor.u32 v3, v4  }
0x167: {  	v4 =	vperm.xlane v3, v0;
	_ =	sdelay $0x1  }
0x168: {  	v4 =	vadd.s32 v1, v4;
	_ =	sdelay $0x1  }
0x169: {  	v3 =	vperm.xlane v3, v2;
	_ =	sdelay $0x1  }
0x16a: {  	v3 =	vadd.s32 v1, v3  }
0x16b: {  	[tilespmem:s7], [sflag:$0x1] =	stream.indirect_vreg.gather [hbm4b:s1+s3], $0x80, v4, vm0, $0xb8;
	[tilespmem:$0x18200] =	vst v63  }
0x16c: {  	_ = 	snop  }
0x16d: {  	[tilespmem:s6], [sflag:$0x1] =	stream.indirect_vreg.gather [hbm4b:s4+s3], $0x80, v4, vm0, $0xb8;
	[tilespmem:$0x18200] =	vst v63  }
0x16e: {  	_ = 	snop  }
0x16f: {  	[tilespmem:s8], [sflag:$0x1] =	stream.indirect_vreg.gather [hbm4b:s1+s3], $0x80, v3, vm0, $0xb8;
	[tilespmem:$0x18200] =	vst v63  }
0x170: {  	_ = 	snop  }
0x171: {  	[tilespmem:s9], [sflag:$0x1] =	stream.indirect_vreg.gather [hbm4b:s4+s3], $0x80, v3, vm0, $0xb8;
	[tilespmem:$0x18200] =	vst v63  }
0x172: {  	v3 =	vld [tilespmem:$0x150];
	_ =	sdelay $0x4  }
0x173: {  	v53 =	vshll.u32 v3, $0x2  }
0x174: {  	v3 =	vand.u32 $0x7, v3;
	v4 =	vand.u32 $0xFFFFFFE0, v53  }
0x175: {  	v3 =	vor.u32 v3, v4  }
0x176: {  	v4 =	vperm.xlane v3, v0;
	_ =	sdelay $0x1  }
0x177: {  	v4 =	vadd.s32 v1, v4;
	_ =	sdelay $0x1  }
0x178: {  	v3 =	vperm.xlane v3, v2;
	_ =	sdelay $0x1  }
0x179: {  	v3 =	vadd.s32 v1, v3  }
0x17a: {  	[tilespmem:s10], [sflag:$0x1] =	stream.indirect_vreg.gather [hbm4b:s1+s3], $0x80, v4, vm0, $0xb8;
	[tilespmem:$0x18200] =	vst v63  }
0x17b: {  	_ = 	snop  }
0x17c: {  	[tilespmem:s11], [sflag:$0x1] =	stream.indirect_vreg.gather [hbm4b:s4+s3], $0x80, v4, vm0, $0xb8;
	[tilespmem:$0x18200] =	vst v63  }
0x17d: {  	_ = 	snop  }
0x17e: {  	[tilespmem:s12], [sflag:$0x1] =	stream.indirect_vreg.gather [hbm4b:s1+s3], $0x80, v3, vm0, $0xb8;
	[tilespmem:$0x18200] =	vst v63  }
0x17f: {  	_ = 	snop  }
0x180: {  	[tilespmem:s14], [sflag:$0x1] =	stream.indirect_vreg.gather [hbm4b:s4+s3], $0x80, v3, vm0, $0xb8;
	[tilespmem:$0x18200] =	vst v63  }
0x181: {  	v3 =	vld [tilespmem:$0x160];
	_ =	sdelay $0x4  }
0x182: {  	v54 =	vshll.u32 v3, $0x2  }
0x183: {  	v3 =	vand.u32 $0x7, v3;
	v4 =	vand.u32 $0xFFFFFFE0, v54  }
0x184: {  	v3 =	vor.u32 v3, v4  }
0x185: {  	v4 =	vperm.xlane v3, v0;
	_ =	sdelay $0x1  }
0x186: {  	v4 =	vadd.s32 v1, v4;
	_ =	sdelay $0x1  }
0x187: {  	v3 =	vperm.xlane v3, v2;
	_ =	sdelay $0x1  }
0x188: {  	v3 =	vadd.s32 v1, v3  }
0x189: {  	[tilespmem:s23], [sflag:$0x1] =	stream.indirect_vreg.gather [hbm4b:s1+s3], $0x80, v4, vm0, $0xb8;
	[tilespmem:$0x18200] =	vst v63  }
0x18a: {  	_ = 	snop  }
0x18b: {  	[tilespmem:s2], [sflag:$0x1] =	stream.indirect_vreg.gather [hbm4b:s4+s3], $0x80, v4, vm0, $0xb8;
	[tilespmem:$0x18200] =	vst v63  }
0x18c: {  	_ = 	snop  }
0x18d: {  	[tilespmem:s17], [sflag:$0x1] =	stream.indirect_vreg.gather [hbm4b:s1+s3], $0x80, v3, vm0, $0xb8;
	[tilespmem:$0x18200] =	vst v63  }
0x18e: {  	_ = 	snop  }
0x18f: {  	[tilespmem:s18], [sflag:$0x1] =	stream.indirect_vreg.gather [hbm4b:s4+s3], $0x80, v3, vm0, $0xb8;
	[tilespmem:$0x18200] =	vst v63  }
0x190: {  	v3 =	vld [tilespmem:$0x170];
	_ =	sdelay $0x4  }
0x191: {  	v55 =	vshll.u32 v3, $0x2  }
0x192: {  	v3 =	vand.u32 $0x7, v3;
	v4 =	vand.u32 $0xFFFFFFE0, v55  }
0x193: {  	v3 =	vor.u32 v3, v4  }
0x194: {  	v4 =	vperm.xlane v3, v0;
	_ =	sdelay $0x1  }
0x195: {  	v4 =	vadd.s32 v1, v4;
	_ =	sdelay $0x1  }
0x196: {  	v3 =	vperm.xlane v3, v2;
	_ =	sdelay $0x1  }
0x197: {  	v3 =	vadd.s32 v1, v3  }
0x198: {  	[tilespmem:s19], [sflag:$0x1] =	stream.indirect_vreg.gather [hbm4b:s1+s3], $0x80, v4, vm0, $0xb8;
	[tilespmem:$0x18200] =	vst v63  }
0x199: {  	_ = 	snop  }
0x19a: {  	[tilespmem:s20], [sflag:$0x1] =	stream.indirect_vreg.gather [hbm4b:s4+s3], $0x80, v4, vm0, $0xb8;
	[tilespmem:$0x18200] =	vst v63  }
0x19b: {  	_ = 	snop  }
0x19c: {  	[tilespmem:s21], [sflag:$0x1] =	stream.indirect_vreg.gather [hbm4b:s1+s3], $0x80, v3, vm0, $0xb8;
	[tilespmem:$0x18200] =	vst v63  }
0x19d: {  	_ = 	snop  }
0x19e: {  	[tilespmem:s22], [sflag:$0x1] =	stream.indirect_vreg.gather [hbm4b:s4+s3], $0x80, v3, vm0, $0xb8;
	[tilespmem:$0x18200] =	vst v63  }
0x19f: {  	s2 =	rddreg [dreg:$0x8]  }
0x1a0: {  	[hbm4b:s2+s3] =	stream.linear.scatter [tilespmem:s0], [sflag:$0x2], $0x8000, $0x38;
	[tilespmem:$0x18200] =	vst v63  }
0x1a1: {  	_ =	swait.ge [sflag:s13], $0x8000  }
0x1a2: {  	[sflag:s13] =	ssyncset.done $0x0  }
0x1a3: {  	[sflag:s13] =	ssyncadd.s32 $0xFFFF8000  }
0x1a4: {  	_ =	swait.ge [sflag:s15], $0x8000  }
0x1a5: {  	[sflag:s15] =	ssyncset.done $0x0  }
0x1a6: {  	[sflag:s15] =	ssyncadd.s32 $0xFFFF8000  }
0x1a7: {  	v3 =	vld [tilespmem:$0x180];
	_ =	sdelay $0x4  }
0x1a8: {  	v56 =	vshll.u32 v3, $0x2  }
0x1a9: {  	v3 =	vand.u32 $0x7, v3;
	v4 =	vand.u32 $0xFFFFFFE0, v56  }
0x1aa: {  	v3 =	vor.u32 v3, v4  }
0x1ab: {  	v4 =	vperm.xlane v3, v0;
	_ =	sdelay $0x1  }
0x1ac: {  	v4 =	vadd.s32 v1, v4;
	_ =	sdelay $0x1  }
0x1ad: {  	v3 =	vperm.xlane v3, v2;
	_ =	sdelay $0x1  }
0x1ae: {  	v3 =	vadd.s32 v1, v3  }
0x1af: {  	[tilespmem:s0], [sflag:$0x1] =	stream.indirect_vreg.gather [hbm4b:s1+s3], $0x80, v4, vm0, $0xb8;
	[tilespmem:$0x18200] =	vst v63  }
0x1b0: {  	s16 =	simm.s32 $0xA00  }
0x1b1: {  	[tilespmem:s16], [sflag:$0x1] =	stream.indirect_vreg.gather [hbm4b:s4+s3], $0x80, v4, vm0, $0xb8;
	[tilespmem:$0x18200] =	vst v63  }
0x1b2: {  	s16 =	simm.s32 $0x1200  }
0x1b3: {  	[tilespmem:s16], [sflag:$0x1] =	stream.indirect_vreg.gather [hbm4b:s1+s3], $0x80, v3, vm0, $0xb8;
	[tilespmem:$0x18200] =	vst v63  }
0x1b4: {  	s16 =	simm.s32 $0x1A00  }
0x1b5: {  	[tilespmem:s16], [sflag:$0x1] =	stream.indirect_vreg.gather [hbm4b:s4+s3], $0x80, v3, vm0, $0xb8;
	[tilespmem:$0x18200] =	vst v63  }
0x1b6: {  	v3 =	vld [tilespmem:$0x190];
	_ =	sdelay $0x4  }
0x1b7: {  	v57 =	vshll.u32 v3, $0x2  }
0x1b8: {  	v3 =	vand.u32 $0x7, v3;
	v4 =	vand.u32 $0xFFFFFFE0, v57  }
0x1b9: {  	v3 =	vor.u32 v3, v4  }
0x1ba: {  	v4 =	vperm.xlane v3, v0;
	_ =	sdelay $0x1  }
0x1bb: {  	v4 =	vadd.s32 v1, v4;
	_ =	sdelay $0x1  }
0x1bc: {  	v3 =	vperm.xlane v3, v2;
	_ =	sdelay $0x1  }
0x1bd: {  	s16 =	simm.s32 $0x2200;
	v3 =	vadd.s32 v1, v3  }
0x1be: {  	[tilespmem:s16], [sflag:$0x1] =	stream.indirect_vreg.gather [hbm4b:s1+s3], $0x80, v4, vm0, $0xb8;
	[tilespmem:$0x18200] =	vst v63  }
0x1bf: {  	s16 =	simm.s32 $0x2A00  }
0x1c0: {  	[tilespmem:s16], [sflag:$0x1] =	stream.indirect_vreg.gather [hbm4b:s4+s3], $0x80, v4, vm0, $0xb8;
	[tilespmem:$0x18200] =	vst v63  }
0x1c1: {  	s16 =	simm.s32 $0x3200  }
0x1c2: {  	[tilespmem:s16], [sflag:$0x1] =	stream.indirect_vreg.gather [hbm4b:s1+s3], $0x80, v3, vm0, $0xb8;
	[tilespmem:$0x18200] =	vst v63  }
0x1c3: {  	s16 =	simm.s32 $0x3A00  }
0x1c4: {  	[tilespmem:s16], [sflag:$0x1] =	stream.indirect_vreg.gather [hbm4b:s4+s3], $0x80, v3, vm0, $0xb8;
	[tilespmem:$0x18200] =	vst v63  }
0x1c5: {  	v3 =	vld [tilespmem:$0x1A0];
	_ =	sdelay $0x4  }
0x1c6: {  	v58 =	vshll.u32 v3, $0x2  }
0x1c7: {  	v3 =	vand.u32 $0x7, v3;
	v4 =	vand.u32 $0xFFFFFFE0, v58  }
0x1c8: {  	v3 =	vor.u32 v3, v4  }
0x1c9: {  	v4 =	vperm.xlane v3, v0;
	_ =	sdelay $0x1  }
0x1ca: {  	v4 =	vadd.s32 v1, v4;
	_ =	sdelay $0x1  }
0x1cb: {  	v3 =	vperm.xlane v3, v2;
	_ =	sdelay $0x1  }
0x1cc: {  	s16 =	simm.s32 $0x4200;
	v3 =	vadd.s32 v1, v3  }
0x1cd: {  	[tilespmem:s16], [sflag:$0x1] =	stream.indirect_vreg.gather [hbm4b:s1+s3], $0x80, v4, vm0, $0xb8;
	[tilespmem:$0x18200] =	vst v63  }
0x1ce: {  	_ = 	snop  }
0x1cf: {  	[tilespmem:s26], [sflag:$0x1] =	stream.indirect_vreg.gather [hbm4b:s4+s3], $0x80, v4, vm0, $0xb8;
	[tilespmem:$0x18200] =	vst v63  }
0x1d0: {  	_ = 	snop  }
0x1d1: {  	[tilespmem:s28], [sflag:$0x1] =	stream.indirect_vreg.gather [hbm4b:s1+s3], $0x80, v3, vm0, $0xb8;
	[tilespmem:$0x18200] =	vst v63  }
0x1d2: {  	_ = 	snop  }
0x1d3: {  	[tilespmem:s29], [sflag:$0x1] =	stream.indirect_vreg.gather [hbm4b:s4+s3], $0x80, v3, vm0, $0xb8;
	[tilespmem:$0x18200] =	vst v63  }
0x1d4: {  	v3 =	vld [tilespmem:$0x1B0];
	_ =	sdelay $0x4  }
0x1d5: {  	v59 =	vshll.u32 v3, $0x2  }
0x1d6: {  	v3 =	vand.u32 $0x7, v3;
	v4 =	vand.u32 $0xFFFFFFE0, v59  }
0x1d7: {  	v3 =	vor.u32 v3, v4  }
0x1d8: {  	v4 =	vperm.xlane v3, v0;
	_ =	sdelay $0x1  }
0x1d9: {  	v4 =	vadd.s32 v1, v4;
	_ =	sdelay $0x1  }
0x1da: {  	v3 =	vperm.xlane v3, v2;
	_ =	sdelay $0x1  }
0x1db: {  	v3 =	vadd.s32 v1, v3  }
0x1dc: {  	[tilespmem:s30], [sflag:$0x1] =	stream.indirect_vreg.gather [hbm4b:s1+s3], $0x80, v4, vm0, $0xb8;
	[tilespmem:$0x18200] =	vst v63  }
0x1dd: {  	_ = 	snop  }
0x1de: {  	[tilespmem:s31], [sflag:$0x1] =	stream.indirect_vreg.gather [hbm4b:s4+s3], $0x80, v4, vm0, $0xb8;
	[tilespmem:$0x18200] =	vst v63  }
0x1df: {  	s16 =	simm.s32 $0x7200  }
0x1e0: {  	[tilespmem:s16], [sflag:$0x1] =	stream.indirect_vreg.gather [hbm4b:s1+s3], $0x80, v3, vm0, $0xb8;
	[tilespmem:$0x18200] =	vst v63  }
0x1e1: {  	s2 =	simm.s32 $0x7A00  }
0x1e2: {  	[tilespmem:s2], [sflag:$0x1] =	stream.indirect_vreg.gather [hbm4b:s4+s3], $0x80, v3, vm0, $0xb8;
	[tilespmem:$0x18200] =	vst v63  }
0x1e3: {  	s16 =	rddreg [dreg:$0x9]  }
0x1e4: {  	[hbm4b:s16+s3] =	stream.linear.scatter [tilespmem:s24], [sflag:$0x2], $0x8000, $0x38;
	[tilespmem:$0x18200] =	vst v63  }
0x1e5: {  	_ =	swait.ge [sflag:s13], $0x8000  }
0x1e6: {  	[sflag:s13] =	ssyncset.done $0x0  }
0x1e7: {  	[sflag:s13] =	ssyncadd.s32 $0xFFFF8000  }
0x1e8: {  	_ =	swait.ge [sflag:s15], $0x8000  }
0x1e9: {  	[sflag:s15] =	ssyncset.done $0x0  }
0x1ea: {  	[sflag:s15] =	ssyncadd.s32 $0xFFFF8000  }
0x1eb: {  	v3 =	vld [tilespmem:$0x1C0];
	_ =	sdelay $0x4  }
0x1ec: {  	v60 =	vshll.u32 v3, $0x2  }
0x1ed: {  	v3 =	vand.u32 $0x7, v3;
	v4 =	vand.u32 $0xFFFFFFE0, v60  }
0x1ee: {  	v3 =	vor.u32 v3, v4  }
0x1ef: {  	v4 =	vperm.xlane v3, v0;
	_ =	sdelay $0x1  }
0x1f0: {  	v4 =	vadd.s32 v1, v4;
	_ =	sdelay $0x1  }
0x1f1: {  	v3 =	vperm.xlane v3, v2;
	_ =	sdelay $0x1  }
0x1f2: {  	v3 =	vadd.s32 v1, v3  }
0x1f3: {  	[tilespmem:s24], [sflag:$0x1] =	stream.indirect_vreg.gather [hbm4b:s1+s3], $0x80, v4, vm0, $0xb8;
	[tilespmem:$0x18200] =	vst v63  }
0x1f4: {  	s16 =	simm.s32 $0x8A00  }
0x1f5: {  	[tilespmem:s16], [sflag:$0x1] =	stream.indirect_vreg.gather [hbm4b:s4+s3], $0x80, v4, vm0, $0xb8;
	[tilespmem:$0x18200] =	vst v63  }
0x1f6: {  	s16 =	simm.s32 $0x9200  }
0x1f7: {  	[tilespmem:s16], [sflag:$0x1] =	stream.indirect_vreg.gather [hbm4b:s1+s3], $0x80, v3, vm0, $0xb8;
	[tilespmem:$0x18200] =	vst v63  }
0x1f8: {  	s16 =	simm.s32 $0x9A00  }
0x1f9: {  	[tilespmem:s16], [sflag:$0x1] =	stream.indirect_vreg.gather [hbm4b:s4+s3], $0x80, v3, vm0, $0xb8;
	[tilespmem:$0x18200] =	vst v63  }
0x1fa: {  	v3 =	vld [tilespmem:$0x1D0];
	_ =	sdelay $0x4  }
0x1fb: {  	v61 =	vshll.u32 v3, $0x2  }
0x1fc: {  	v3 =	vand.u32 $0x7, v3;
	v4 =	vand.u32 $0xFFFFFFE0, v61  }
0x1fd: {  	v3 =	vor.u32 v3, v4  }
0x1fe: {  	v4 =	vperm.xlane v3, v0;
	_ =	sdelay $0x1  }
0x1ff: {  	v4 =	vadd.s32 v1, v4;
	_ =	sdelay $0x1  }
0x200: {  	v3 =	vperm.xlane v3, v2;
	_ =	sdelay $0x1  }
0x201: {  	s16 =	simm.s32 $0xA200;
	v3 =	vadd.s32 v1, v3  }
0x202: {  	[tilespmem:s16], [sflag:$0x1] =	stream.indirect_vreg.gather [hbm4b:s1+s3], $0x80, v4, vm0, $0xb8;
	[tilespmem:$0x18200] =	vst v63  }
0x203: {  	s16 =	simm.s32 $0xAA00  }
0x204: {  	[tilespmem:s16], [sflag:$0x1] =	stream.indirect_vreg.gather [hbm4b:s4+s3], $0x80, v4, vm0, $0xb8;
	[tilespmem:$0x18200] =	vst v63  }
0x205: {  	s16 =	simm.s32 $0xB200  }
0x206: {  	[tilespmem:s16], [sflag:$0x1] =	stream.indirect_vreg.gather [hbm4b:s1+s3], $0x80, v3, vm0, $0xb8;
	[tilespmem:$0x18200] =	vst v63  }
0x207: {  	s16 =	simm.s32 $0xBA00  }
0x208: {  	[tilespmem:s16], [sflag:$0x1] =	stream.indirect_vreg.gather [hbm4b:s4+s3], $0x80, v3, vm0, $0xb8;
	[tilespmem:$0x18200] =	vst v63  }
0x209: {  	v3 =	vld [tilespmem:$0x1E0];
	_ =	sdelay $0x4  }
0x20a: {  	v62 =	vshll.u32 v3, $0x2  }
0x20b: {  	v3 =	vand.u32 $0x7, v3;
	v4 =	vand.u32 $0xFFFFFFE0, v62  }
0x20c: {  	v3 =	vor.u32 v3, v4  }
0x20d: {  	v4 =	vperm.xlane v3, v0;
	_ =	sdelay $0x1  }
0x20e: {  	v4 =	vadd.s32 v1, v4;
	_ =	sdelay $0x1  }
0x20f: {  	v3 =	vperm.xlane v3, v2;
	_ =	sdelay $0x1  }
0x210: {  	s16 =	simm.s32 $0xC200;
	v3 =	vadd.s32 v1, v3  }
0x211: {  	[tilespmem:s16], [sflag:$0x1] =	stream.indirect_vreg.gather [hbm4b:s1+s3], $0x80, v4, vm0, $0xb8;
	[tilespmem:$0x18200] =	vst v63  }
0x212: {  	s16 =	simm.s32 $0xCA00  }
0x213: {  	[tilespmem:s16], [sflag:$0x1] =	stream.indirect_vreg.gather [hbm4b:s4+s3], $0x80, v4, vm0, $0xb8;
	[tilespmem:$0x18200] =	vst v63  }
0x214: {  	s16 =	simm.s32 $0xD200  }
0x215: {  	[tilespmem:s16], [sflag:$0x1] =	stream.indirect_vreg.gather [hbm4b:s1+s3], $0x80, v3, vm0, $0xb8;
	[tilespmem:$0x18200] =	vst v63  }
0x216: {  	s16 =	simm.s32 $0xDA00  }
0x217: {  	[tilespmem:s16], [sflag:$0x1] =	stream.indirect_vreg.gather [hbm4b:s4+s3], $0x80, v3, vm0, $0xb8;
	[tilespmem:$0x18200] =	vst v63  }
0x218: {  	v3 =	vld [tilespmem:$0x1F0];
	_ =	sdelay $0x4  }
0x219: {  	v63 =	vshll.u32 v3, $0x2  }
0x21a: {  	v3 =	vand.u32 $0x7, v3;
	v4 =	vand.u32 $0xFFFFFFE0, v63  }
0x21b: {  	v3 =	vor.u32 v3, v4  }
0x21c: {  	v4 =	vperm.xlane v3, v0;
	_ =	sdelay $0x1  }
0x21d: {  	v4 =	vadd.s32 v1, v4;
	_ =	sdelay $0x1  }
0x21e: {  	v3 =	vperm.xlane v3, v2;
	_ =	sdelay $0x1  }
0x21f: {  	s16 =	simm.s32 $0xE200;
	v3 =	vadd.s32 v1, v3  }
0x220: {  	[tilespmem:s16], [sflag:$0x1] =	stream.indirect_vreg.gather [hbm4b:s1+s3], $0x80, v4, vm0, $0xb8;
	[tilespmem:$0x18200] =	vst v63  }
0x221: {  	s16 =	simm.s32 $0xEA00  }
0x222: {  	[tilespmem:s16], [sflag:$0x1] =	stream.indirect_vreg.gather [hbm4b:s4+s3], $0x80, v4, vm0, $0xb8;
	[tilespmem:$0x18200] =	vst v63  }
0x223: {  	s16 =	simm.s32 $0xF200  }
0x224: {  	[tilespmem:s16], [sflag:$0x1] =	stream.indirect_vreg.gather [hbm4b:s1+s3], $0x80, v3, vm0, $0xb8;
	[tilespmem:$0x18200] =	vst v63  }
0x225: {  	s25 =	simm.s32 $0xFA00  }
0x226: {  	[tilespmem:s25], [sflag:$0x1] =	stream.indirect_vreg.gather [hbm4b:s4+s3], $0x80, v3, vm0, $0xb8;
	[tilespmem:$0x18200] =	vst v63  }
0x227: {  	s2 =	rddreg [dreg:$0xa]  }
0x228: {  	[hbm4b:s2+s3] =	stream.linear.scatter [tilespmem:s7], [sflag:$0x2], $0x8000, $0x38;
	[tilespmem:$0x18200] =	vst v63  }
0x229: {  	_ =	swait.ge [sflag:s13], $0x8000  }
0x22a: {  	[sflag:s13] =	ssyncset.done $0x0  }
0x22b: {  	s2 =	rddreg [dreg:$0xb];
	[sflag:s13] =	ssyncadd.s32 $0xFFFF8000  }
0x22c: {  	[hbm4b:s2+s3] =	stream.linear.scatter [tilespmem:s0], [sflag:$0x2], $0x8000, $0x38;
	[tilespmem:$0x18200] =	vst v63  }
0x22d: {  	_ =	swait.ge [sflag:s13], $0x8000  }
0x22e: {  	[sflag:s13] =	ssyncset.done $0x0  }
0x22f: {  	s25 =	rddreg [dreg:$0xc];
	[sflag:s13] =	ssyncadd.s32 $0xFFFF8000  }
0x230: {  	[hbm4b:s25+s3] =	stream.linear.scatter [tilespmem:s24], [sflag:$0x2], $0x8000, $0x38;
	[tilespmem:$0x18200] =	vst v63  }
0x231: {  	_ =	swait.ge [sflag:s15], $0x8000  }
0x232: {  	[sflag:s15] =	ssyncset.done $0x0  }
0x233: {  	[sflag:s15] =	ssyncadd.s32 $0xFFFF8000  }
0x234: {  	p0 =	sne.s32 s5, $0x1;
	_ =	swait.ge [sflag:s15], $0x8000  }
.Ltmp0:
0x235: {  	[sflag:s15] =	ssyncset.done $0x0;
	(pc) =	sbr.rel @p0 .LBB2_1-.Ltmp0, $4  }
0x236: {  	[sflag:s15] =	ssyncadd.s32 $0xFFFF8000  }
0x237: {  	_ =	swait.ge [sflag:s15], $0x8000  }
0x238: {  	[sflag:s15] =	ssyncset.done $0x0  }
0x239: {  	s5 =	sadd.s32 $0xFFFFFFFF, s5;
	[sflag:s15] =	ssyncadd.s32 $0xFFFF8000  }
0x23a: {  	_ =	sfence.sel $0x180000  }
0x23b: {  	[bflag:$0x0] =	sbarrier.arrive $0xFFFF  }
0x23c: {  	_ =	strace $0x90000047  }
0x23d: {  	s0 =	stileid.u32;
	[bflag:$0x2] =	sbarrier.arrive $0xFFFF  }
0x23e: {  	p0 =	sne.s32 s0, $0x0;
	s0 =	rddreg [dreg:$0x3]  }
0x23f: {  	s0 =	sadd.s32 @!p0 $0x100000, s0  }
0x240: {  	[sflag:s0] =	ssyncadd.tile.s32 @!p0 $0x1;
	_ =	shalt  }
.Lfunc_end2:
_tile_overlayer_lowered:
.L_overlay_start_2:
0x241: {  	(tag) =	ssettag $0x2  }
0x242: {  	s0 =	rddreg [dreg:$0x0];
	s2 =	stileid.u32  }
0x243: {  	s1 =	rddreg [dreg:$0x1];
	p0 =	sne.s32 s2, $0x0  }
0x244: {  	s3 =	rddreg [dreg:$0x2];
	[bflag:$0x3] =	sbarrier.arrive $0xFFFF;
	s2 =	simm.s32 @!p0 $0x1C03  }
0x245: {  	[timem:s3], [sflag:s2] =	dma.local @!p0 [hbm:s0], s1  }
0x246: {  	s0 =	simm.s32 @!p0 $0x3  }
0x247: {  	_ =	swait.ge @!p0 [sflag:s0], s1  }
0x248: {  	s1 =	ssub.s32 @!p0 $0x0, s1;
	[sflag:s0] =	ssyncset.done @!p0 $0x0  }
0x249: {  	[sflag:s0] =	ssyncadd.s32 @!p0 s1  }
0x24a: {  	[bflag:$0x3] =	sbarrier.arrive $0xFFFF  }
0x24b: {  	_ =	shalt  }

</sc_bundles>
